<compile_context>
chip_gen: v7x
topology: tpu7x:2x2x1
jax: 0.10.2.dev20260603
libtpu: 0.0.44.dev20260713+nightly
codegen_flags: <defaults>
</compile_context>

<pallas_src>
import functools

import jax
import jax.numpy as jnp
from jax import lax
from jax.experimental import pallas as pl
from jax.experimental.pallas import tpu as pltpu
from jax.experimental.pallas import tpu_sc as plsc

B = 2
N = 4096
DIM = 32
KNN = 10
ROWS = B * N
CHUNK = 128
NCH = N // CHUNK
RB = 512
LANES = 16
NW = 32
RPT = N // NW
CAPL = 32


def _dist_body(xr_ref, xa_ref, d2_ref, cm_ref):
    xr = xr_ref[0]
    xa = xa_ref[0]
    x2r = jnp.sum(xr * xr, axis=-1)
    x2a = jnp.sum(xa * xa, axis=-1)
    a_mat = jnp.concatenate(
        [xr * -2.0, x2r[:, None], jnp.ones((RB, 1), jnp.float32)], axis=1)
    b_mat = jnp.concatenate(
        [xa, jnp.ones((N, 1), jnp.float32), x2a[:, None]], axis=1)
    d2 = lax.dot_general(
        a_mat, b_mat, (((1,), (1,)), ((), ())),
        preferred_element_type=jnp.float32,
        precision=lax.Precision.DEFAULT,
    )
    d2_bf = d2.astype(jnp.bfloat16)
    lo_bf = d2_bf[:, :N // 2]
    hi_bf = d2_bf[:, N // 2:]
    cm_ref[...] = jnp.min(jnp.minimum(lo_bf, hi_bf).reshape(
        RB, NCH, CHUNK // 2), axis=-1).astype(jnp.float32)
    lo = lax.bitcast_convert_type(lo_bf, jnp.uint16)
    hi = lax.bitcast_convert_type(hi_bf, jnp.uint16)
    d2_ref[...] = lax.bitcast_convert_type(
        lo.astype(jnp.uint32) | (hi.astype(jnp.uint32) << 16), jnp.float32)


def _distances(Xb):
    return pl.pallas_call(
        _dist_body,
        grid=(N // RB,),
        in_specs=[
            pl.BlockSpec((1, RB, DIM), lambda i: (0, i, 0)),
            pl.BlockSpec((1, N, DIM), lambda i: (0, 0, 0)),
        ],
        out_specs=[
            pl.BlockSpec((RB, N // 2), lambda i: (i, 0)),
            pl.BlockSpec((RB, NCH), lambda i: (i, 0)),
        ],
        out_shape=[
            jax.ShapeDtypeStruct((N, N // 2), jnp.float32),
            jax.ShapeDtypeStruct((N, NCH), jnp.float32),
        ],
    )(Xb, Xb)


ROWBLK = 8
NBLK = RPT // ROWBLK


def _sc_body(d2_hbm, cm_hbm, out_hbm, rowbuf0, rowbuf1, cmbuf, candbuf,
             chunklist, staging, sem0, sem1):
    nc = 2
    wid = lax.axis_index("s") * nc + lax.axis_index("c")
    base = wid * RPT
    lane = lax.iota(jnp.int32, 16)
    inf = jnp.float32(jnp.inf)

    pltpu.sync_copy(cm_hbm.at[pl.ds(base * NCH, RPT * NCH)], cmbuf)

    def sort_asc(v):
        k, _ = plsc.sort_key_val(v, v)
        return k

    def sort_desc(v):
        k, _ = plsc.sort_key_val(v, v, descending=True)
        return k

    def do_row(jr, rowbuf, lr):
        a = cmbuf[pl.ds(jr * NCH, 16)]
        b = cmbuf[pl.ds(jr * NCH + 16, 16)]
        low16 = sort_asc(jnp.minimum(sort_asc(a), sort_desc(b)))
        t = jnp.max(jnp.where(lane == KNN, low16, -inf), axis=0)

        m_a = a <= t
        m_b = b <= t
        pos_a = plsc.cumsum(jnp.where(m_a, 1, 0)) - 1
        plsc.store_scatter(chunklist, [pos_a], lane, mask=m_a)
        na = jnp.max(pos_a, axis=0) + 1
        pos_b = plsc.cumsum(jnp.where(m_b, 1, 0)) - 1 + na
        plsc.store_scatter(chunklist, [pos_b], lane + 16, mask=m_b)
        nq = jnp.max(pos_b, axis=0) + 1
        c0 = chunklist[pl.ds(0, 16)]
        c1 = chunklist[pl.ds(16, 16)]

        @plsc.parallel_loop(0, nq, carry=jnp.zeros((16,), jnp.int32))
        def scan_chunk(q, percount):
            cvec = jnp.where(q < 16, c0, c1)
            cid = jnp.sum(jnp.where(lane == (q & 15), cvec, 0), axis=0)
            base_w = cid * (CHUNK // 2)
            for s in range(CHUNK // 32):
                v = plsc.bitcast(rowbuf[lr, pl.ds(base_w + s * 16, 16)],
                                 jnp.bfloat16)
                for u in plsc.unpack(v, format=plsc.PackFormat.INTERLEAVED):
                    m = u <= t
                    idx = lane * CAPL + jnp.minimum(percount, CAPL - 1)
                    plsc.store_scatter(candbuf, [idx], u,
                                       mask=m & (percount < CAPL))
                    percount = percount + jnp.where(m, 1, 0)
            return percount

        percount = scan_chunk

        nslots = jnp.minimum(jnp.max(percount, axis=0), CAPL)

        def merge_step(j, acc):
            g = plsc.load_gather(candbuf, [lane * CAPL + j])
            g = jnp.where(percount > j, g, inf)
            return sort_asc(jnp.minimum(acc, sort_desc(g)))

        top = lax.fori_loop(0, nslots, merge_step, jnp.full((16,), inf))
        staging[jr, :] = top

    def start_blk(blk, buf, sem):
        pltpu.async_copy(d2_hbm.at[pl.ds(base + blk * ROWBLK, ROWBLK)],
                         buf, sem)

    def wait_blk(buf, sem):
        pltpu.make_async_copy(d2_hbm.at[pl.ds(0, ROWBLK)], buf, sem).wait()

    def do_blk(blk, rowbuf):
        def body(lr, _):
            do_row(blk * ROWBLK + lr, rowbuf, lr)
            return 0
        lax.fori_loop(0, ROWBLK, body, 0)

    start_blk(0, rowbuf0, sem0)

    def pair(g, _):
        start_blk(2 * g + 1, rowbuf1, sem1)
        wait_blk(rowbuf0, sem0)
        do_blk(2 * g, rowbuf0)

        @pl.when(g < NBLK // 2 - 1)
        def _():
            start_blk(2 * g + 2, rowbuf0, sem0)

        wait_blk(rowbuf1, sem1)
        do_blk(2 * g + 1, rowbuf1)
        return 0

    lax.fori_loop(0, NBLK // 2, pair, 0)
    pltpu.sync_copy(staging, out_hbm.at[pl.ds(base, RPT)])


def _sc_topk(d2, cm):
    cm_flat = cm.reshape(N * NCH)
    mesh = plsc.VectorSubcoreMesh(core_axis_name="c", subcore_axis_name="s")
    f = pl.kernel(
        _sc_body,
        out_type=jax.ShapeDtypeStruct((N, 16), jnp.float32),
        mesh=mesh,
        compiler_params=pltpu.CompilerParams(needs_layout_passes=False),
        scratch_types=[
            pltpu.VMEM((ROWBLK, N // 2), jnp.float32),
            pltpu.VMEM((ROWBLK, N // 2), jnp.float32),
            pltpu.VMEM((RPT * NCH,), jnp.float32),
            pltpu.VMEM((16 * CAPL,), jnp.float32),
            pltpu.VMEM((NCH,), jnp.int32),
            pltpu.VMEM((RPT, 16), jnp.float32),
            pltpu.SemaphoreType.DMA,
            pltpu.SemaphoreType.DMA,
        ],
    )
    return f(d2, cm_flat)


def _estimator_body(ta_ref, tb_ref, out_ref):
    lane = lax.broadcasted_iota(jnp.int32, (N, 16), 1)
    w = jnp.where(lane == KNN, jnp.float32(KNN - 1),
                  jnp.where((lane >= 1) & (lane <= KNN - 1),
                            jnp.float32(-1.0), jnp.float32(0.0)))

    def batch_sum(top):
        x = jnp.maximum(top, jnp.float32(1e-12))
        x = jnp.where(w != 0.0, x, jnp.float32(1.0))
        return jnp.sum(0.5 * jnp.log(x) * w)

    t0 = batch_sum(ta_ref[...])
    t1 = batch_sum(tb_ref[...])
    bi = lax.broadcasted_iota(jnp.int32, (B, 1), 0)
    tot = jnp.where(bi == 0, t0, t1)
    out_ref[...] = jnp.float32(KNN - 1) * N / tot


def _estimator(top_a, top_b):
    out = pl.pallas_call(
        _estimator_body,
        out_shape=jax.ShapeDtypeStruct((B, 1), jnp.float32),
    )(top_a, top_b)
    return out[:, 0]


def kernel(X):
    d2a, cma = _distances(X[0:1])
    top_a = _sc_topk(d2a, cma)
    d2b, cmb = _distances(X[1:2])
    top_b = _sc_topk(d2b, cmb)
    return _estimator(top_a, top_b)

# --- scband reference (transcript-rebuilt; emitter-appended) ---
"""Pipeline reference for scband-dimension-24618752540798 (READ-ONLY COPY).

The authoritative reference and input builder live on the scoring server;
editing this copy changes nothing except your own understanding.
"""

import jax, jax.numpy as jnp
import numpy as np

K = 10

def setup_inputs(seed: int = 0) -> dict:
    key = jax.random.key(seed)
    X = jax.random.normal(key, (2, 4096, 32), dtype=jnp.float32)
    return {"X": X}

def _forward(X):
    # torch.cdist(X, X) with p=2, via the matmul formulation
    x2 = jnp.sum(X * X, axis=-1)
    D2 = x2[:, :, None] + x2[:, None, :] - 2.0 * jnp.einsum('bnd,bmd->bnm', X, X)
    D = jnp.sqrt(jnp.maximum(D2, 1e-12))
    # k+1 smallest distances, sorted ascending (torch topk largest=False, sorted=True)
    neg_vals, _ = jax.lax.top_k(-D, K + 1)
    dist = -neg_vals  # ascending
    dist = dist[:, :, 1:]  # drop self-distance (zero)
    # MLE intrinsic-dimension estimator
    k = K
    dim_ptw = (k - 1) / jnp.sum(jnp.log(dist[:, :, -1:] / dist), axis=-1)
    dim = 1.0 / jnp.mean(1.0 / dim_ptw, axis=-1)
    return dim

def reference(X):
    return _forward(X)

if __name__ == "__main__":
    import jax
    _d = setup_inputs()
    print(jax.jit(kernel)(*tuple(_d.values())))

</pallas_src>

<mosaic_0001>
#map = affine_map<(d0, d1) -> (0, 0)>
#map1 = affine_map<(d0, d1) -> (0)>
module attributes {stable_mosaic.version = 14 : i64} {
  func.func @_sc_body(%arg0: i32, %arg1: i32, %arg2: memref<4096x2048xf32, #tpu.memory_space<hbm>>, %arg3: memref<131072xf32, #tpu.memory_space<hbm>>, %arg4: memref<4096x16xf32, #tpu.memory_space<hbm>>, %arg5: memref<8x2048xf32, #tpu.memory_space<vmem>>, %arg6: memref<8x2048xf32, #tpu.memory_space<vmem>>, %arg7: memref<4096xf32, #tpu.memory_space<vmem>>, %arg8: memref<512xf32, #tpu.memory_space<vmem>>, %arg9: memref<32xi32, #tpu.memory_space<vmem>>, %arg10: memref<128x16xf32, #tpu.memory_space<vmem>>, %arg11: memref<!tpu.dma_semaphore, #tpu.memory_space<semaphore_mem>>, %arg12: memref<!tpu.dma_semaphore, #tpu.memory_space<semaphore_mem>>) attributes {dimension_semantics = [#tpu.dimension_semantics<core_parallel>, #tpu.dimension_semantics<subcore_parallel>], iteration_bounds = array<i64: 2, 16>, scalar_prefetch = 0 : i64, scratch_operands = 8 : i64, tpu.core_type = #tpu.core_type<sc_vector_subcore>, window_params = [{transform_indices = #map}, {transform_indices = #map1}, {transform_indices = #map}]} {
    %mul3A = arith.constant 2 : i32
    %mul3A_0 = arith.muli %arg1, %mul3A : i32
    %add3A = arith.addi %mul3A_0, %arg0 : i32
    %mul3A_1 = arith.constant 128 : i32
    %mul3A_2 = arith.muli %add3A, %mul3A_1 : i32
    %iota3A = tpu.iota {dimensions = array<i32: 0>} : vector<16xi32>
    %mul3A_3 = arith.constant 32 : i32
    %mul3A_4 = arith.muli %mul3A_2, %mul3A_3 : i32
    "tpu.region"() ({
      %run_scoped3A = tpu.sem_alloc : memref<!tpu.dma_semaphore, #tpu.memory_space<semaphore_mem>>
      %dma_start3A_17 = tpu.memref_slice %arg3[%mul3A_4] : memref<131072xf32, #tpu.memory_space<hbm>> -> memref<4096xf32, #tpu.memory_space<hbm>>
      %dma_start3A_18 = tpu.memref_slice %arg3[%mul3A_4] : memref<131072xf32, #tpu.memory_space<hbm>> -> memref<4096xf32, #tpu.memory_space<hbm>>
      tpu.enqueue_dma source(%dma_start3A_18 : memref<4096xf32, #tpu.memory_space<hbm>>) target(%arg7 : memref<4096xf32, #tpu.memory_space<vmem>>) target_semaphore(%run_scoped3A : memref<!tpu.dma_semaphore, #tpu.memory_space<semaphore_mem>>)
      %dma_wait3A = tpu.memref_slice %arg3[%mul3A_4] : memref<131072xf32, #tpu.memory_space<hbm>> -> memref<4096xf32, #tpu.memory_space<hbm>>
      %dma_wait3A_19 = tpu.memref_slice %arg3[%mul3A_4] : memref<131072xf32, #tpu.memory_space<hbm>> -> memref<4096xf32, #tpu.memory_space<hbm>>
      tpu.wait_dma2 semaphore(%run_scoped3A : memref<!tpu.dma_semaphore, #tpu.memory_space<semaphore_mem>>) src(%dma_wait3A_19 : memref<4096xf32, #tpu.memory_space<hbm>>) dst(%arg7 : memref<4096xf32, #tpu.memory_space<vmem>>)
      tpu.yield
    }) : () -> ()
    %add3A_5 = arith.constant 0 : i32
    %add3A_6 = arith.addi %mul3A_2, %add3A_5 : i32
    %dma_start3A = arith.constant 0 : i32
    %dma_start3A_7 = tpu.memref_slice %arg2[%add3A_6, %dma_start3A] : memref<4096x2048xf32, #tpu.memory_space<hbm>> -> memref<8x2048xf32, #tpu.memory_space<hbm>>
    %dma_start3A_8 = arith.constant 0 : i32
    %dma_start3A_9 = tpu.memref_slice %arg2[%add3A_6, %dma_start3A_8] : memref<4096x2048xf32, #tpu.memory_space<hbm>> -> memref<8x2048xf32, #tpu.memory_space<hbm>>
    tpu.enqueue_dma source(%dma_start3A_9 : memref<8x2048xf32, #tpu.memory_space<hbm>>) target(%arg5 : memref<8x2048xf32, #tpu.memory_space<vmem>>) target_semaphore(%arg11 : memref<!tpu.dma_semaphore, #tpu.memory_space<semaphore_mem>>)
    %scan3A = arith.constant 0x7F800000 : f32
    %scan3A_10 = arith.constant 0 : i32
    %scan3A_11 = arith.constant 0 : i32
    %scan3A_12 = arith.constant 8 : i32
    %scan3A_13 = arith.addi %scan3A_11, %scan3A_12 : i32
    %scan3A_14 = arith.constant 1 : i32
    %scan3A_15 = scf.for %scan3A_17 = %scan3A_11 to %scan3A_13 step %scan3A_14 iter_args(%scan3A_18 = %scan3A_10) -> (i32)  : i32 {
      %mul3A_19 = arith.constant 2 : i32
      %mul3A_20 = arith.muli %mul3A_19, %scan3A_17 : i32
      %add3A_21 = arith.constant 1 : i32
      %add3A_22 = arith.addi %mul3A_20, %add3A_21 : i32
      %mul3A_23 = arith.constant 8 : i32
      %mul3A_24 = arith.muli %add3A_22, %mul3A_23 : i32
      %add3A_25 = arith.addi %mul3A_2, %mul3A_24 : i32
      %dma_start3A_26 = arith.constant 0 : i32
      %dma_start3A_27 = tpu.memref_slice %arg2[%add3A_25, %dma_start3A_26] : memref<4096x2048xf32, #tpu.memory_space<hbm>> -> memref<8x2048xf32, #tpu.memory_space<hbm>>
      %dma_start3A_28 = arith.constant 0 : i32
      %dma_start3A_29 = tpu.memref_slice %arg2[%add3A_25, %dma_start3A_28] : memref<4096x2048xf32, #tpu.memory_space<hbm>> -> memref<8x2048xf32, #tpu.memory_space<hbm>>
      tpu.enqueue_dma source(%dma_start3A_29 : memref<8x2048xf32, #tpu.memory_space<hbm>>) target(%arg6 : memref<8x2048xf32, #tpu.memory_space<vmem>>) target_semaphore(%arg12 : memref<!tpu.dma_semaphore, #tpu.memory_space<semaphore_mem>>)
      %dma_wait3A = arith.constant 0 : i32
      %dma_wait3A_30 = arith.constant 0 : i32
      %dma_wait3A_31 = tpu.memref_slice %arg2[%dma_wait3A, %dma_wait3A_30] : memref<4096x2048xf32, #tpu.memory_space<hbm>> -> memref<8x2048xf32, #tpu.memory_space<hbm>>
      %dma_wait3A_32 = arith.constant 0 : i32
      %dma_wait3A_33 = arith.constant 0 : i32
      %dma_wait3A_34 = tpu.memref_slice %arg2[%dma_wait3A_32, %dma_wait3A_33] : memref<4096x2048xf32, #tpu.memory_space<hbm>> -> memref<8x2048xf32, #tpu.memory_space<hbm>>
      tpu.wait_dma2 semaphore(%arg11 : memref<!tpu.dma_semaphore, #tpu.memory_space<semaphore_mem>>) src(%dma_wait3A_34 : memref<8x2048xf32, #tpu.memory_space<hbm>>) dst(%arg5 : memref<8x2048xf32, #tpu.memory_space<vmem>>)
      %mul3A_35 = arith.constant 2 : i32
      %mul3A_36 = arith.muli %mul3A_35, %scan3A_17 : i32
      %scan3A_37 = arith.constant 0 : i32
      %scan3A_38 = arith.constant 0 : i32
      %scan3A_39 = arith.constant 8 : i32
      %scan3A_40 = arith.addi %scan3A_38, %scan3A_39 : i32
      %scan3A_41 = arith.constant 1 : i32
      %scan3A_42 = scf.for %scan3A_64 = %scan3A_38 to %scan3A_40 step %scan3A_41 iter_args(%scan3A_65 = %scan3A_37) -> (i32)  : i32 {
        %mul3A_66 = arith.constant 8 : i32
        %mul3A_67 = arith.muli %mul3A_36, %mul3A_66 : i32
        %add3A_68 = arith.addi %mul3A_67, %scan3A_64 : i32
        %mul3A_69 = arith.constant 32 : i32
        %mul3A_70 = arith.muli %add3A_68, %mul3A_69 : i32
        %get3A = arith.index_cast %mul3A_70 : i32 to index
        %get3A_71 = tpu.vector_load %arg7[%get3A] {strides = array<i32>} : memref<4096xf32, #tpu.memory_space<vmem>>, vector<16xf32>,
        %mul3A_72 = arith.constant 32 : i32
        %mul3A_73 = arith.muli %add3A_68, %mul3A_72 : i32
        %add3A_74 = arith.constant 16 : i32
        %add3A_75 = arith.addi %mul3A_73, %add3A_74 : i32
        %get3A_76 = arith.index_cast %add3A_75 : i32 to index
        %get3A_77 = tpu.vector_load %arg7[%get3A_76] {strides = array<i32>} : memref<4096xf32, #tpu.memory_space<vmem>>, vector<16xf32>,
        %masked_sort3A = arith.constant dense<true> : vector<16xi1>
        %masked_sort3A_78, %masked_sort3A_79, %masked_sort3A_80 = tpu.sort %get3A_71, %get3A_71 masked %masked_sort3A : (vector<16xf32>, vector<16xf32>, vector<16xi1>) -> (vector<16xi1>, vector<16xf32>, vector<16xf32>)
        %masked_sort3A_81 = arith.constant dense<true> : vector<16xi1>
        %masked_sort3A_82, %masked_sort3A_83, %masked_sort3A_84 = tpu.sort %get3A_77, %get3A_77 masked %masked_sort3A_81 {descending = true} : (vector<16xf32>, vector<16xf32>, vector<16xi1>) -> (vector<16xi1>, vector<16xf32>, vector<16xf32>)
        %min3A = arith.minimumf %masked_sort3A_79, %masked_sort3A_83 : vector<16xf32>
        %masked_sort3A_85 = arith.constant dense<true> : vector<16xi1>
        %masked_sort3A_86, %masked_sort3A_87, %masked_sort3A_88 = tpu.sort %min3A, %min3A masked %masked_sort3A_85 : (vector<16xf32>, vector<16xf32>, vector<16xi1>) -> (vector<16xi1>, vector<16xf32>, vector<16xf32>)
        %eq3A = arith.constant 10 : i32
        %eq3A_89 = vector.broadcast %eq3A : i32 to vector<16xi32>
        %eq3A_90 = arith.cmpi eq, %iota3A, %eq3A_89 : vector<16xi32>
        %neg3A = arith.constant 0.000000e+00 : f32
        %neg3A_91 = arith.subf %neg3A, %scan3A : f32
        %broadcast_in_dim3A = vector.broadcast %neg3A_91 : f32 to vector<16xf32>
        %select_n3A = arith.select %eq3A_90, %masked_sort3A_87, %broadcast_in_dim3A : vector<16xi1>, vector<16xf32>
        %reduce_max3A = arith.constant true
        %reduce_max3A_92 = vector.broadcast %reduce_max3A : i1 to vector<16xi1>
        %reduce_max3A_93 = tpu.scan <max>, %select_n3A masked %reduce_max3A_92 : vector<16xf32>, vector<16xi1> -> vector<16xf32>
        %reduce_max3A_94 = vector.extract %reduce_max3A_93[15] : f32 from vector<16xf32>
        %le3A = vector.broadcast %reduce_max3A_94 : f32 to vector<16xf32>
        %le3A_95 = arith.cmpf ole, %get3A_71, %le3A : vector<16xf32>
        %le3A_96 = vector.broadcast %reduce_max3A_94 : f32 to vector<16xf32>
        %le3A_97 = arith.cmpf ole, %get3A_77, %le3A_96 : vector<16xf32>
        %jit3A = arith.constant 1 : i32
        %jit3A_98 = arith.constant 0 : i32
        %broadcast_in_dim3A_99 = vector.broadcast %jit3A : i32 to vector<16xi32>
        %broadcast_in_dim3A_100 = vector.broadcast %jit3A_98 : i32 to vector<16xi32>
        %select_n3A_101 = arith.select %le3A_95, %broadcast_in_dim3A_99, %broadcast_in_dim3A_100 : vector<16xi1>, vector<16xi32>
        %broadcast_in_dim3A_102 = arith.constant true
        %broadcast_in_dim3A_103 = vector.broadcast %broadcast_in_dim3A_102 : i1 to vector<16xi1>
        %masked_cumsum3A = tpu.scan <sum>, %select_n3A_101 masked %broadcast_in_dim3A_103 : vector<16xi32>, vector<16xi1> -> vector<16xi32>
        %sub3A = arith.constant 1 : i32
        %sub3A_104 = vector.broadcast %sub3A : i32 to vector<16xi32>
        %sub3A_105 = arith.subi %masked_cumsum3A, %sub3A_104 : vector<16xi32>
        tpu.vector_store_idx %arg9[%sub3A_105], %iota3A masked %le3A_95 : memref<32xi32, #tpu.memory_space<vmem>>[vector<16xi32>], vector<16xi32>, vector<16xi1>
        %reduce_max3A_106 = arith.constant true
        %reduce_max3A_107 = vector.broadcast %reduce_max3A_106 : i1 to vector<16xi1>
        %reduce_max3A_108 = arith.constant -2147483648 : i32
        %reduce_max3A_109 = vector.broadcast %reduce_max3A_108 : i32 to vector<16xi32>
        %reduce_max3A_110 = arith.xori %sub3A_105, %reduce_max3A_109 : vector<16xi32>
        %reduce_max3A_111 = tpu.scan <max>, %reduce_max3A_110 masked %reduce_max3A_107 : vector<16xi32>, vector<16xi1> -> vector<16xi32>
        %reduce_max3A_112 = arith.xori %reduce_max3A_111, %reduce_max3A_109 : vector<16xi32>
        %reduce_max3A_113 = vector.extract %reduce_max3A_112[15] : i32 from vector<16xi32>
        %add3A_114 = arith.constant 1 : i32
        %add3A_115 = arith.addi %reduce_max3A_113, %add3A_114 : i32
        %jit3A_116 = arith.constant 1 : i32
        %jit3A_117 = arith.constant 0 : i32
        %broadcast_in_dim3A_118 = vector.broadcast %jit3A_116 : i32 to vector<16xi32>
        %broadcast_in_dim3A_119 = vector.broadcast %jit3A_117 : i32 to vector<16xi32>
        %select_n3A_120 = arith.select %le3A_97, %broadcast_in_dim3A_118, %broadcast_in_dim3A_119 : vector<16xi1>, vector<16xi32>
        %broadcast_in_dim3A_121 = arith.constant true
        %broadcast_in_dim3A_122 = vector.broadcast %broadcast_in_dim3A_121 : i1 to vector<16xi1>
        %masked_cumsum3A_123 = tpu.scan <sum>, %select_n3A_120 masked %broadcast_in_dim3A_122 : vector<16xi32>, vector<16xi1> -> vector<16xi32>
        %sub3A_124 = arith.constant 1 : i32
        %sub3A_125 = vector.broadcast %sub3A_124 : i32 to vector<16xi32>
        %sub3A_126 = arith.subi %masked_cumsum3A_123, %sub3A_125 : vector<16xi32>
        %add3A_127 = vector.broadcast %add3A_115 : i32 to vector<16xi32>
        %add3A_128 = arith.addi %sub3A_126, %add3A_127 : vector<16xi32>
        %add3A_129 = arith.constant 16 : i32
        %add3A_130 = vector.broadcast %add3A_129 : i32 to vector<16xi32>
        %add3A_131 = arith.addi %iota3A, %add3A_130 : vector<16xi32>
        tpu.vector_store_idx %arg9[%add3A_128], %add3A_131 masked %le3A_97 : memref<32xi32, #tpu.memory_space<vmem>>[vector<16xi32>], vector<16xi32>, vector<16xi1>
        %reduce_max3A_132 = arith.constant true
        %reduce_max3A_133 = vector.broadcast %reduce_max3A_132 : i1 to vector<16xi1>
        %reduce_max3A_134 = arith.constant -2147483648 : i32
        %reduce_max3A_135 = vector.broadcast %reduce_max3A_134 : i32 to vector<16xi32>
        %reduce_max3A_136 = arith.xori %add3A_128, %reduce_max3A_135 : vector<16xi32>
        %reduce_max3A_137 = tpu.scan <max>, %reduce_max3A_136 masked %reduce_max3A_133 : vector<16xi32>, vector<16xi1> -> vector<16xi32>
        %reduce_max3A_138 = arith.xori %reduce_max3A_137, %reduce_max3A_135 : vector<16xi32>
        %reduce_max3A_139 = vector.extract %reduce_max3A_138[15] : i32 from vector<16xi32>
        %add3A_140 = arith.constant 1 : i32
        %add3A_141 = arith.addi %reduce_max3A_139, %add3A_140 : i32
        %get3A_142 = arith.constant 0 : index
        %get3A_143 = tpu.vector_load %arg9[%get3A_142] {strides = array<i32>} : memref<32xi32, #tpu.memory_space<vmem>>, vector<16xi32>,
        %get3A_144 = arith.constant 16 : index
        %get3A_145 = tpu.vector_load %arg9[%get3A_144] {strides = array<i32>} : memref<32xi32, #tpu.memory_space<vmem>>, vector<16xi32>,
        %broadcast_in_dim3A_146 = arith.constant 0 : i32
        %broadcast_in_dim3A_147 = vector.broadcast %broadcast_in_dim3A_146 : i32 to vector<16xi32>
        %parallel_loop3A = arith.constant 0 : i32
        %parallel_loop3A_148 = arith.constant 1 : i32
        %parallel_loop3A_149 = scf.for %parallel_loop3A_174 = %parallel_loop3A to %add3A_141 step %parallel_loop3A_148 iter_args(%parallel_loop3A_175 = %broadcast_in_dim3A_147) -> (vector<16xi32>)  : i32 {
          %parallel_loop3A_176 = arith.constant 16 : i32
          %parallel_loop3A_177 = arith.cmpi slt, %parallel_loop3A_174, %parallel_loop3A_176 : i32
          %parallel_loop3A_178 = arith.select %parallel_loop3A_177, %get3A_143, %get3A_145 : vector<16xi32>
          %parallel_loop3A_179 = arith.constant 15 : i32
          %parallel_loop3A_180 = arith.andi %parallel_loop3A_174, %parallel_loop3A_179 : i32
          %parallel_loop3A_181 = vector.broadcast %parallel_loop3A_180 : i32 to vector<16xi32>
          %parallel_loop3A_182 = arith.cmpi eq, %iota3A, %parallel_loop3A_181 : vector<16xi32>
          %parallel_loop3A_183 = arith.constant 0 : i32
          %parallel_loop3A_184 = vector.broadcast %parallel_loop3A_183 : i32 to vector<16xi32>
          %parallel_loop3A_185 = arith.select %parallel_loop3A_182, %parallel_loop3A_178, %parallel_loop3A_184 : vector<16xi1>, vector<16xi32>
          %parallel_loop3A_186 = arith.constant true
          %parallel_loop3A_187 = vector.broadcast %parallel_loop3A_186 : i1 to vector<16xi1>
          %parallel_loop3A_188 = tpu.scan <sum>, %parallel_loop3A_185 masked %parallel_loop3A_187 : vector<16xi32>, vector<16xi1> -> vector<16xi32>
          %parallel_loop3A_189 = vector.extract %parallel_loop3A_188[15] : i32 from vector<16xi32>
          %parallel_loop3A_190 = arith.constant 64 : i32
          %parallel_loop3A_191 = arith.muli %parallel_loop3A_189, %parallel_loop3A_190 : i32
          %parallel_loop3A_192 = arith.constant 0 : i32
          %parallel_loop3A_193 = arith.addi %parallel_loop3A_191, %parallel_loop3A_192 : i32
          %parallel_loop3A_194 = arith.index_cast %scan3A_64 : i32 to index
          %parallel_loop3A_195 = arith.index_cast %parallel_loop3A_193 : i32 to index
          %parallel_loop3A_196 = tpu.vector_load %arg5[%parallel_loop3A_194, %parallel_loop3A_195] {strides = array<i32>} : memref<8x2048xf32, #tpu.memory_space<vmem>>, vector<16xf32>,
          %parallel_loop3A_197 = vector.bitcast %parallel_loop3A_196 : vector<16xf32> to vector<32xbf16>
          %parallel_loop3A_198 = tpu.unpack_subelements %parallel_loop3A_197, 0 {pack_format = #tpu.pack_format<interleaved>} : vector<32xbf16> -> vector<16xf32>
          %parallel_loop3A_199 = tpu.unpack_subelements %parallel_loop3A_197, 1 {pack_format = #tpu.pack_format<interleaved>} : vector<32xbf16> -> vector<16xf32>
          %parallel_loop3A_200 = vector.broadcast %reduce_max3A_94 : f32 to vector<16xf32>
          %parallel_loop3A_201 = arith.cmpf ole, %parallel_loop3A_198, %parallel_loop3A_200 : vector<16xf32>
          %parallel_loop3A_202 = arith.constant 32 : i32
          %parallel_loop3A_203 = vector.broadcast %parallel_loop3A_202 : i32 to vector<16xi32>
          %parallel_loop3A_204 = arith.muli %iota3A, %parallel_loop3A_203 : vector<16xi32>
          %parallel_loop3A_205 = arith.constant 31 : i32
          %parallel_loop3A_206 = vector.broadcast %parallel_loop3A_205 : i32 to vector<16xi32>
          %parallel_loop3A_207 = arith.minsi %parallel_loop3A_175, %parallel_loop3A_206 : vector<16xi32>
          %parallel_loop3A_208 = arith.addi %parallel_loop3A_204, %parallel_loop3A_207 : vector<16xi32>
          %parallel_loop3A_209 = arith.constant 32 : i32
          %parallel_loop3A_210 = vector.broadcast %parallel_loop3A_209 : i32 to vector<16xi32>
          %parallel_loop3A_211 = arith.cmpi slt, %parallel_loop3A_175, %parallel_loop3A_210 : vector<16xi32>
          %parallel_loop3A_212 = arith.andi %parallel_loop3A_201, %parallel_loop3A_211 : vector<16xi1>
          tpu.vector_store_idx %arg8[%parallel_loop3A_208], %parallel_loop3A_198 masked %parallel_loop3A_212 : memref<512xf32, #tpu.memory_space<vmem>>[vector<16xi32>], vector<16xf32>, vector<16xi1>
          %parallel_loop3A_213 = arith.constant 1 : i32
          %parallel_loop3A_214 = arith.constant 0 : i32
          %parallel_loop3A_215 = vector.broadcast %parallel_loop3A_213 : i32 to vector<16xi32>
          %parallel_loop3A_216 = vector.broadcast %parallel_loop3A_214 : i32 to vector<16xi32>
          %parallel_loop3A_217 = arith.select %parallel_loop3A_201, %parallel_loop3A_215, %parallel_loop3A_216 : vector<16xi1>, vector<16xi32>
          %parallel_loop3A_218 = arith.addi %parallel_loop3A_175, %parallel_loop3A_217 : vector<16xi32>
          %parallel_loop3A_219 = vector.broadcast %reduce_max3A_94 : f32 to vector<16xf32>
          %parallel_loop3A_220 = arith.cmpf ole, %parallel_loop3A_199, %parallel_loop3A_219 : vector<16xf32>
          %parallel_loop3A_221 = arith.constant 32 : i32
          %parallel_loop3A_222 = vector.broadcast %parallel_loop3A_221 : i32 to vector<16xi32>
          %parallel_loop3A_223 = arith.muli %iota3A, %parallel_loop3A_222 : vector<16xi32>
          %parallel_loop3A_224 = arith.constant 31 : i32
          %parallel_loop3A_225 = vector.broadcast %parallel_loop3A_224 : i32 to vector<16xi32>
          %parallel_loop3A_226 = arith.minsi %parallel_loop3A_218, %parallel_loop3A_225 : vector<16xi32>
          %parallel_loop3A_227 = arith.addi %parallel_loop3A_223, %parallel_loop3A_226 : vector<16xi32>
          %parallel_loop3A_228 = arith.constant 32 : i32
          %parallel_loop3A_229 = vector.broadcast %parallel_loop3A_228 : i32 to vector<16xi32>
          %parallel_loop3A_230 = arith.cmpi slt, %parallel_loop3A_218, %parallel_loop3A_229 : vector<16xi32>
          %parallel_loop3A_231 = arith.andi %parallel_loop3A_220, %parallel_loop3A_230 : vector<16xi1>
          tpu.vector_store_idx %arg8[%parallel_loop3A_227], %parallel_loop3A_199 masked %parallel_loop3A_231 : memref<512xf32, #tpu.memory_space<vmem>>[vector<16xi32>], vector<16xf32>, vector<16xi1>
          %parallel_loop3A_232 = arith.constant 1 : i32
          %parallel_loop3A_233 = arith.constant 0 : i32
          %parallel_loop3A_234 = vector.broadcast %parallel_loop3A_232 : i32 to vector<16xi32>
          %parallel_loop3A_235 = vector.broadcast %parallel_loop3A_233 : i32 to vector<16xi32>
          %parallel_loop3A_236 = arith.select %parallel_loop3A_220, %parallel_loop3A_234, %parallel_loop3A_235 : vector<16xi1>, vector<16xi32>
          %parallel_loop3A_237 = arith.addi %parallel_loop3A_218, %parallel_loop3A_236 : vector<16xi32>
          %parallel_loop3A_238 = arith.constant 16 : i32
          %parallel_loop3A_239 = arith.addi %parallel_loop3A_191, %parallel_loop3A_238 : i32
          %parallel_loop3A_240 = arith.index_cast %scan3A_64 : i32 to index
          %parallel_loop3A_241 = arith.index_cast %parallel_loop3A_239 : i32 to index
          %parallel_loop3A_242 = tpu.vector_load %arg5[%parallel_loop3A_240, %parallel_loop3A_241] {strides = array<i32>} : memref<8x2048xf32, #tpu.memory_space<vmem>>, vector<16xf32>,
          %parallel_loop3A_243 = vector.bitcast %parallel_loop3A_242 : vector<16xf32> to vector<32xbf16>
          %parallel_loop3A_244 = tpu.unpack_subelements %parallel_loop3A_243, 0 {pack_format = #tpu.pack_format<interleaved>} : vector<32xbf16> -> vector<16xf32>
          %parallel_loop3A_245 = tpu.unpack_subelements %parallel_loop3A_243, 1 {pack_format = #tpu.pack_format<interleaved>} : vector<32xbf16> -> vector<16xf32>
          %parallel_loop3A_246 = vector.broadcast %reduce_max3A_94 : f32 to vector<16xf32>
          %parallel_loop3A_247 = arith.cmpf ole, %parallel_loop3A_244, %parallel_loop3A_246 : vector<16xf32>
          %parallel_loop3A_248 = arith.constant 32 : i32
          %parallel_loop3A_249 = vector.broadcast %parallel_loop3A_248 : i32 to vector<16xi32>
          %parallel_loop3A_250 = arith.muli %iota3A, %parallel_loop3A_249 : vector<16xi32>
          %parallel_loop3A_251 = arith.constant 31 : i32
          %parallel_loop3A_252 = vector.broadcast %parallel_loop3A_251 : i32 to vector<16xi32>
          %parallel_loop3A_253 = arith.minsi %parallel_loop3A_237, %parallel_loop3A_252 : vector<16xi32>
          %parallel_loop3A_254 = arith.addi %parallel_loop3A_250, %parallel_loop3A_253 : vector<16xi32>
          %parallel_loop3A_255 = arith.constant 32 : i32
          %parallel_loop3A_256 = vector.broadcast %parallel_loop3A_255 : i32 to vector<16xi32>
          %parallel_loop3A_257 = arith.cmpi slt, %parallel_loop3A_237, %parallel_loop3A_256 : vector<16xi32>
          %parallel_loop3A_258 = arith.andi %parallel_loop3A_247, %parallel_loop3A_257 : vector<16xi1>
          tpu.vector_store_idx %arg8[%parallel_loop3A_254], %parallel_loop3A_244 masked %parallel_loop3A_258 : memref<512xf32, #tpu.memory_space<vmem>>[vector<16xi32>], vector<16xf32>, vector<16xi1>
          %parallel_loop3A_259 = arith.constant 1 : i32
          %parallel_loop3A_260 = arith.constant 0 : i32
          %parallel_loop3A_261 = vector.broadcast %parallel_loop3A_259 : i32 to vector<16xi32>
          %parallel_loop3A_262 = vector.broadcast %parallel_loop3A_260 : i32 to vector<16xi32>
          %parallel_loop3A_263 = arith.select %parallel_loop3A_247, %parallel_loop3A_261, %parallel_loop3A_262 : vector<16xi1>, vector<16xi32>
          %parallel_loop3A_264 = arith.addi %parallel_loop3A_237, %parallel_loop3A_263 : vector<16xi32>
          %parallel_loop3A_265 = vector.broadcast %reduce_max3A_94 : f32 to vector<16xf32>
          %parallel_loop3A_266 = arith.cmpf ole, %parallel_loop3A_245, %parallel_loop3A_265 : vector<16xf32>
          %parallel_loop3A_267 = arith.constant 32 : i32
          %parallel_loop3A_268 = vector.broadcast %parallel_loop3A_267 : i32 to vector<16xi32>
          %parallel_loop3A_269 = arith.muli %iota3A, %parallel_loop3A_268 : vector<16xi32>
          %parallel_loop3A_270 = arith.constant 31 : i32
          %parallel_loop3A_271 = vector.broadcast %parallel_loop3A_270 : i32 to vector<16xi32>
          %parallel_loop3A_272 = arith.minsi %parallel_loop3A_264, %parallel_loop3A_271 : vector<16xi32>
          %parallel_loop3A_273 = arith.addi %parallel_loop3A_269, %parallel_loop3A_272 : vector<16xi32>
          %parallel_loop3A_274 = arith.constant 32 : i32
          %parallel_loop3A_275 = vector.broadcast %parallel_loop3A_274 : i32 to vector<16xi32>
          %parallel_loop3A_276 = arith.cmpi slt, %parallel_loop3A_264, %parallel_loop3A_275 : vector<16xi32>
          %parallel_loop3A_277 = arith.andi %parallel_loop3A_266, %parallel_loop3A_276 : vector<16xi1>
          tpu.vector_store_idx %arg8[%parallel_loop3A_273], %parallel_loop3A_245 masked %parallel_loop3A_277 : memref<512xf32, #tpu.memory_space<vmem>>[vector<16xi32>], vector<16xf32>, vector<16xi1>
          %parallel_loop3A_278 = arith.constant 1 : i32
          %parallel_loop3A_279 = arith.constant 0 : i32
          %parallel_loop3A_280 = vector.broadcast %parallel_loop3A_278 : i32 to vector<16xi32>
          %parallel_loop3A_281 = vector.broadcast %parallel_loop3A_279 : i32 to vector<16xi32>
          %parallel_loop3A_282 = arith.select %parallel_loop3A_266, %parallel_loop3A_280, %parallel_loop3A_281 : vector<16xi1>, vector<16xi32>
          %parallel_loop3A_283 = arith.addi %parallel_loop3A_264, %parallel_loop3A_282 : vector<16xi32>
          %parallel_loop3A_284 = arith.constant 32 : i32
          %parallel_loop3A_285 = arith.addi %parallel_loop3A_191, %parallel_loop3A_284 : i32
          %parallel_loop3A_286 = arith.index_cast %scan3A_64 : i32 to index
          %parallel_loop3A_287 = arith.index_cast %parallel_loop3A_285 : i32 to index
          %parallel_loop3A_288 = tpu.vector_load %arg5[%parallel_loop3A_286, %parallel_loop3A_287] {strides = array<i32>} : memref<8x2048xf32, #tpu.memory_space<vmem>>, vector<16xf32>,
          %parallel_loop3A_289 = vector.bitcast %parallel_loop3A_288 : vector<16xf32> to vector<32xbf16>
          %parallel_loop3A_290 = tpu.unpack_subelements %parallel_loop3A_289, 0 {pack_format = #tpu.pack_format<interleaved>} : vector<32xbf16> -> vector<16xf32>
          %parallel_loop3A_291 = tpu.unpack_subelements %parallel_loop3A_289, 1 {pack_format = #tpu.pack_format<interleaved>} : vector<32xbf16> -> vector<16xf32>
          %parallel_loop3A_292 = vector.broadcast %reduce_max3A_94 : f32 to vector<16xf32>
          %parallel_loop3A_293 = arith.cmpf ole, %parallel_loop3A_290, %parallel_loop3A_292 : vector<16xf32>
          %parallel_loop3A_294 = arith.constant 32 : i32
          %parallel_loop3A_295 = vector.broadcast %parallel_loop3A_294 : i32 to vector<16xi32>
          %parallel_loop3A_296 = arith.muli %iota3A, %parallel_loop3A_295 : vector<16xi32>
          %parallel_loop3A_297 = arith.constant 31 : i32
          %parallel_loop3A_298 = vector.broadcast %parallel_loop3A_297 : i32 to vector<16xi32>
          %parallel_loop3A_299 = arith.minsi %parallel_loop3A_283, %parallel_loop3A_298 : vector<16xi32>
          %parallel_loop3A_300 = arith.addi %parallel_loop3A_296, %parallel_loop3A_299 : vector<16xi32>
          %parallel_loop3A_301 = arith.constant 32 : i32
          %parallel_loop3A_302 = vector.broadcast %parallel_loop3A_301 : i32 to vector<16xi32>
          %parallel_loop3A_303 = arith.cmpi slt, %parallel_loop3A_283, %parallel_loop3A_302 : vector<16xi32>
          %parallel_loop3A_304 = arith.andi %parallel_loop3A_293, %parallel_loop3A_303 : vector<16xi1>
          tpu.vector_store_idx %arg8[%parallel_loop3A_300], %parallel_loop3A_290 masked %parallel_loop3A_304 : memref<512xf32, #tpu.memory_space<vmem>>[vector<16xi32>], vector<16xf32>, vector<16xi1>
          %parallel_loop3A_305 = arith.constant 1 : i32
          %parallel_loop3A_306 = arith.constant 0 : i32
          %parallel_loop3A_307 = vector.broadcast %parallel_loop3A_305 : i32 to vector<16xi32>
          %parallel_loop3A_308 = vector.broadcast %parallel_loop3A_306 : i32 to vector<16xi32>
          %parallel_loop3A_309 = arith.select %parallel_loop3A_293, %parallel_loop3A_307, %parallel_loop3A_308 : vector<16xi1>, vector<16xi32>
          %parallel_loop3A_310 = arith.addi %parallel_loop3A_283, %parallel_loop3A_309 : vector<16xi32>
          %parallel_loop3A_311 = vector.broadcast %reduce_max3A_94 : f32 to vector<16xf32>
          %parallel_loop3A_312 = arith.cmpf ole, %parallel_loop3A_291, %parallel_loop3A_311 : vector<16xf32>
          %parallel_loop3A_313 = arith.constant 32 : i32
          %parallel_loop3A_314 = vector.broadcast %parallel_loop3A_313 : i32 to vector<16xi32>
          %parallel_loop3A_315 = arith.muli %iota3A, %parallel_loop3A_314 : vector<16xi32>
          %parallel_loop3A_316 = arith.constant 31 : i32
          %parallel_loop3A_317 = vector.broadcast %parallel_loop3A_316 : i32 to vector<16xi32>
          %parallel_loop3A_318 = arith.minsi %parallel_loop3A_310, %parallel_loop3A_317 : vector<16xi32>
          %parallel_loop3A_319 = arith.addi %parallel_loop3A_315, %parallel_loop3A_318 : vector<16xi32>
          %parallel_loop3A_320 = arith.constant 32 : i32
          %parallel_loop3A_321 = vector.broadcast %parallel_loop3A_320 : i32 to vector<16xi32>
          %parallel_loop3A_322 = arith.cmpi slt, %parallel_loop3A_310, %parallel_loop3A_321 : vector<16xi32>
          %parallel_loop3A_323 = arith.andi %parallel_loop3A_312, %parallel_loop3A_322 : vector<16xi1>
          tpu.vector_store_idx %arg8[%parallel_loop3A_319], %parallel_loop3A_291 masked %parallel_loop3A_323 : memref<512xf32, #tpu.memory_space<vmem>>[vector<16xi32>], vector<16xf32>, vector<16xi1>
          %parallel_loop3A_324 = arith.constant 1 : i32
          %parallel_loop3A_325 = arith.constant 0 : i32
          %parallel_loop3A_326 = vector.broadcast %parallel_loop3A_324 : i32 to vector<16xi32>
          %parallel_loop3A_327 = vector.broadcast %parallel_loop3A_325 : i32 to vector<16xi32>
          %parallel_loop3A_328 = arith.select %parallel_loop3A_312, %parallel_loop3A_326, %parallel_loop3A_327 : vector<16xi1>, vector<16xi32>
          %parallel_loop3A_329 = arith.addi %parallel_loop3A_310, %parallel_loop3A_328 : vector<16xi32>
          %parallel_loop3A_330 = arith.constant 48 : i32
          %parallel_loop3A_331 = arith.addi %parallel_loop3A_191, %parallel_loop3A_330 : i32
          %parallel_loop3A_332 = arith.index_cast %scan3A_64 : i32 to index
          %parallel_loop3A_333 = arith.index_cast %parallel_loop3A_331 : i32 to index
          %parallel_loop3A_334 = tpu.vector_load %arg5[%parallel_loop3A_332, %parallel_loop3A_333] {strides = array<i32>} : memref<8x2048xf32, #tpu.memory_space<vmem>>, vector<16xf32>,
          %parallel_loop3A_335 = vector.bitcast %parallel_loop3A_334 : vector<16xf32> to vector<32xbf16>
          %parallel_loop3A_336 = tpu.unpack_subelements %parallel_loop3A_335, 0 {pack_format = #tpu.pack_format<interleaved>} : vector<32xbf16> -> vector<16xf32>
          %parallel_loop3A_337 = tpu.unpack_subelements %parallel_loop3A_335, 1 {pack_format = #tpu.pack_format<interleaved>} : vector<32xbf16> -> vector<16xf32>
          %parallel_loop3A_338 = vector.broadcast %reduce_max3A_94 : f32 to vector<16xf32>
          %parallel_loop3A_339 = arith.cmpf ole, %parallel_loop3A_336, %parallel_loop3A_338 : vector<16xf32>
          %parallel_loop3A_340 = arith.constant 32 : i32
          %parallel_loop3A_341 = vector.broadcast %parallel_loop3A_340 : i32 to vector<16xi32>
          %parallel_loop3A_342 = arith.muli %iota3A, %parallel_loop3A_341 : vector<16xi32>
          %parallel_loop3A_343 = arith.constant 31 : i32
          %parallel_loop3A_344 = vector.broadcast %parallel_loop3A_343 : i32 to vector<16xi32>
          %parallel_loop3A_345 = arith.minsi %parallel_loop3A_329, %parallel_loop3A_344 : vector<16xi32>
          %parallel_loop3A_346 = arith.addi %parallel_loop3A_342, %parallel_loop3A_345 : vector<16xi32>
          %parallel_loop3A_347 = arith.constant 32 : i32
          %parallel_loop3A_348 = vector.broadcast %parallel_loop3A_347 : i32 to vector<16xi32>
          %parallel_loop3A_349 = arith.cmpi slt, %parallel_loop3A_329, %parallel_loop3A_348 : vector<16xi32>
          %parallel_loop3A_350 = arith.andi %parallel_loop3A_339, %parallel_loop3A_349 : vector<16xi1>
          tpu.vector_store_idx %arg8[%parallel_loop3A_346], %parallel_loop3A_336 masked %parallel_loop3A_350 : memref<512xf32, #tpu.memory_space<vmem>>[vector<16xi32>], vector<16xf32>, vector<16xi1>
          %parallel_loop3A_351 = arith.constant 1 : i32
          %parallel_loop3A_352 = arith.constant 0 : i32
          %parallel_loop3A_353 = vector.broadcast %parallel_loop3A_351 : i32 to vector<16xi32>
          %parallel_loop3A_354 = vector.broadcast %parallel_loop3A_352 : i32 to vector<16xi32>
          %parallel_loop3A_355 = arith.select %parallel_loop3A_339, %parallel_loop3A_353, %parallel_loop3A_354 : vector<16xi1>, vector<16xi32>
          %parallel_loop3A_356 = arith.addi %parallel_loop3A_329, %parallel_loop3A_355 : vector<16xi32>
          %parallel_loop3A_357 = vector.broadcast %reduce_max3A_94 : f32 to vector<16xf32>
          %parallel_loop3A_358 = arith.cmpf ole, %parallel_loop3A_337, %parallel_loop3A_357 : vector<16xf32>
          %parallel_loop3A_359 = arith.constant 32 : i32
          %parallel_loop3A_360 = vector.broadcast %parallel_loop3A_359 : i32 to vector<16xi32>
          %parallel_loop3A_361 = arith.muli %iota3A, %parallel_loop3A_360 : vector<16xi32>
          %parallel_loop3A_362 = arith.constant 31 : i32
          %parallel_loop3A_363 = vector.broadcast %parallel_loop3A_362 : i32 to vector<16xi32>
          %parallel_loop3A_364 = arith.minsi %parallel_loop3A_356, %parallel_loop3A_363 : vector<16xi32>
          %parallel_loop3A_365 = arith.addi %parallel_loop3A_361, %parallel_loop3A_364 : vector<16xi32>
          %parallel_loop3A_366 = arith.constant 32 : i32
          %parallel_loop3A_367 = vector.broadcast %parallel_loop3A_366 : i32 to vector<16xi32>
          %parallel_loop3A_368 = arith.cmpi slt, %parallel_loop3A_356, %parallel_loop3A_367 : vector<16xi32>
          %parallel_loop3A_369 = arith.andi %parallel_loop3A_358, %parallel_loop3A_368 : vector<16xi1>
          tpu.vector_store_idx %arg8[%parallel_loop3A_365], %parallel_loop3A_337 masked %parallel_loop3A_369 : memref<512xf32, #tpu.memory_space<vmem>>[vector<16xi32>], vector<16xf32>, vector<16xi1>
          %parallel_loop3A_370 = arith.constant 1 : i32
          %parallel_loop3A_371 = arith.constant 0 : i32
          %parallel_loop3A_372 = vector.broadcast %parallel_loop3A_370 : i32 to vector<16xi32>
          %parallel_loop3A_373 = vector.broadcast %parallel_loop3A_371 : i32 to vector<16xi32>
          %parallel_loop3A_374 = arith.select %parallel_loop3A_358, %parallel_loop3A_372, %parallel_loop3A_373 : vector<16xi1>, vector<16xi32>
          %parallel_loop3A_375 = arith.addi %parallel_loop3A_356, %parallel_loop3A_374 : vector<16xi32>
          scf.yield %parallel_loop3A_375 : vector<16xi32>
        } {sc.loop_unroll_factor = 1 : i64, sc.parallel_access}
        %reduce_max3A_150 = arith.constant true
        %reduce_max3A_151 = vector.broadcast %reduce_max3A_150 : i1 to vector<16xi1>
        %reduce_max3A_152 = arith.constant -2147483648 : i32
        %reduce_max3A_153 = vector.broadcast %reduce_max3A_152 : i32 to vector<16xi32>
        %reduce_max3A_154 = arith.xori %parallel_loop3A_149, %reduce_max3A_153 : vector<16xi32>
        %reduce_max3A_155 = tpu.scan <max>, %reduce_max3A_154 masked %reduce_max3A_151 : vector<16xi32>, vector<16xi1> -> vector<16xi32>
        %reduce_max3A_156 = arith.xori %reduce_max3A_155, %reduce_max3A_153 : vector<16xi32>
        %reduce_max3A_157 = vector.extract %reduce_max3A_156[15] : i32 from vector<16xi32>
        %min3A_158 = arith.constant 32 : i32
        %min3A_159 = arith.minsi %reduce_max3A_157, %min3A_158 : i32
        %broadcast_in_dim3A_160 = vector.broadcast %scan3A : f32 to vector<16xf32>
        %while3A = arith.constant 0 : i32
        %while3A_161 = arith.subi %min3A_159, %while3A : i32
        %while3A_162 = arith.addi %while3A, %while3A_161 : i32
        %while3A_163 = arith.constant 1 : i32
        %while3A_164 = arith.divsi %while3A_161, %while3A_163 : i32
        %while3A_165 = arith.muli %while3A_164, %while3A_163 : i32
        %while3A_166 = arith.addi %while3A, %while3A_165 : i32
        %while3A_167 = arith.constant 1 : i32
        %while3A_168 = scf.for %while3A_174 = %while3A to %while3A_166 step %while3A_167 iter_args(%while3A_175 = %broadcast_in_dim3A_160) -> (vector<16xf32>)  : i32 {
          %mul3A_176 = arith.constant 32 : i32
          %mul3A_177 = vector.broadcast %mul3A_176 : i32 to vector<16xi32>
          %mul3A_178 = arith.muli %iota3A, %mul3A_177 : vector<16xi32>
          %add3A_179 = vector.broadcast %while3A_174 : i32 to vector<16xi32>
          %add3A_180 = arith.addi %mul3A_178, %add3A_179 : vector<16xi32>
          %gather3A = tpu.vector_load_idx %arg8[%add3A_180] : memref<512xf32, #tpu.memory_space<vmem>>[vector<16xi32>], vector<16xf32>,
          %gt3A = vector.broadcast %while3A_174 : i32 to vector<16xi32>
          %gt3A_181 = arith.cmpi sgt, %parallel_loop3A_149, %gt3A : vector<16xi32>
          %broadcast_in_dim3A_182 = vector.broadcast %scan3A : f32 to vector<16xf32>
          %select_n3A_183 = arith.select %gt3A_181, %gather3A, %broadcast_in_dim3A_182 : vector<16xi1>, vector<16xf32>
          %masked_sort3A_184 = arith.constant dense<true> : vector<16xi1>
          %masked_sort3A_185, %masked_sort3A_186, %masked_sort3A_187 = tpu.sort %select_n3A_183, %select_n3A_183 masked %masked_sort3A_184 {descending = true} : (vector<16xf32>, vector<16xf32>, vector<16xi1>) -> (vector<16xi1>, vector<16xf32>, vector<16xf32>)
          %min3A_188 = arith.minimumf %while3A_175, %masked_sort3A_186 : vector<16xf32>
          %masked_sort3A_189 = arith.constant dense<true> : vector<16xi1>
          %masked_sort3A_190, %masked_sort3A_191, %masked_sort3A_192 = tpu.sort %min3A_188, %min3A_188 masked %masked_sort3A_189 : (vector<16xf32>, vector<16xf32>, vector<16xi1>) -> (vector<16xi1>, vector<16xf32>, vector<16xf32>)
          scf.yield %masked_sort3A_191 : vector<16xf32>
        }
        %while3A_169 = arith.constant 1 : i32
        %while3A_170 = scf.for %while3A_174 = %while3A_166 to %while3A_162 step %while3A_169 iter_args(%while3A_175 = %while3A_168) -> (vector<16xf32>)  : i32 {
          %mul3A_176 = arith.constant 32 : i32
          %mul3A_177 = vector.broadcast %mul3A_176 : i32 to vector<16xi32>
          %mul3A_178 = arith.muli %iota3A, %mul3A_177 : vector<16xi32>
          %add3A_179 = vector.broadcast %while3A_174 : i32 to vector<16xi32>
          %add3A_180 = arith.addi %mul3A_178, %add3A_179 : vector<16xi32>
          %gather3A = tpu.vector_load_idx %arg8[%add3A_180] : memref<512xf32, #tpu.memory_space<vmem>>[vector<16xi32>], vector<16xf32>,
          %gt3A = vector.broadcast %while3A_174 : i32 to vector<16xi32>
          %gt3A_181 = arith.cmpi sgt, %parallel_loop3A_149, %gt3A : vector<16xi32>
          %broadcast_in_dim3A_182 = vector.broadcast %scan3A : f32 to vector<16xf32>
          %select_n3A_183 = arith.select %gt3A_181, %gather3A, %broadcast_in_dim3A_182 : vector<16xi1>, vector<16xf32>
          %masked_sort3A_184 = arith.constant dense<true> : vector<16xi1>
          %masked_sort3A_185, %masked_sort3A_186, %masked_sort3A_187 = tpu.sort %select_n3A_183, %select_n3A_183 masked %masked_sort3A_184 {descending = true} : (vector<16xf32>, vector<16xf32>, vector<16xi1>) -> (vector<16xi1>, vector<16xf32>, vector<16xf32>)
          %min3A_188 = arith.minimumf %while3A_175, %masked_sort3A_186 : vector<16xf32>
          %masked_sort3A_189 = arith.constant dense<true> : vector<16xi1>
          %masked_sort3A_190, %masked_sort3A_191, %masked_sort3A_192 = tpu.sort %min3A_188, %min3A_188 masked %masked_sort3A_189 : (vector<16xf32>, vector<16xf32>, vector<16xi1>) -> (vector<16xi1>, vector<16xf32>, vector<16xf32>)
          scf.yield %masked_sort3A_191 : vector<16xf32>
        }
        %swap3A = arith.index_cast %add3A_68 : i32 to index
        %swap3A_171 = arith.constant 0 : index
        %swap3A_172 = tpu.vector_load %arg10[%swap3A, %swap3A_171] {strides = array<i32>} : memref<128x16xf32, #tpu.memory_space<vmem>>, vector<16xf32>,
        tpu.vector_store %arg10[%swap3A, %swap3A_171], %while3A_170 {strides = array<i32>} : memref<128x16xf32, #tpu.memory_space<vmem>>, vector<16xf32>,
        %scan3A_173 = arith.constant 0 : i32
        scf.yield %scan3A_173 : i32
      }
      %scan3A_43 = arith.constant 8 : i32
      %lt3A = arith.constant 7 : i32
      %lt3A_44 = arith.cmpi slt, %scan3A_17, %lt3A : i32
      %convert_element_type3A = arith.extui %lt3A_44 : i1 to i32
      %cond3A = arith.constant 0 : i32
      %cond3A_45 = arith.cmpi ne, %convert_element_type3A, %cond3A : i32
      scf.if %cond3A_45 {
        %mul3A_64 = arith.constant 2 : i32
        %mul3A_65 = arith.muli %mul3A_64, %scan3A_17 : i32
        %add3A_66 = arith.constant 2 : i32
        %add3A_67 = arith.addi %mul3A_65, %add3A_66 : i32
        %mul3A_68 = arith.constant 8 : i32
        %mul3A_69 = arith.muli %add3A_67, %mul3A_68 : i32
        %add3A_70 = arith.addi %mul3A_2, %mul3A_69 : i32
        %dma_start3A_71 = arith.constant 0 : i32
        %dma_start3A_72 = tpu.memref_slice %arg2[%add3A_70, %dma_start3A_71] : memref<4096x2048xf32, #tpu.memory_space<hbm>> -> memref<8x2048xf32, #tpu.memory_space<hbm>>
        %dma_start3A_73 = arith.constant 0 : i32
        %dma_start3A_74 = tpu.memref_slice %arg2[%add3A_70, %dma_start3A_73] : memref<4096x2048xf32, #tpu.memory_space<hbm>> -> memref<8x2048xf32, #tpu.memory_space<hbm>>
        tpu.enqueue_dma source(%dma_start3A_74 : memref<8x2048xf32, #tpu.memory_space<hbm>>) target(%arg5 : memref<8x2048xf32, #tpu.memory_space<vmem>>) target_semaphore(%arg11 : memref<!tpu.dma_semaphore, #tpu.memory_space<semaphore_mem>>)
      } else {
      }
      %dma_wait3A_46 = arith.constant 0 : i32
      %dma_wait3A_47 = arith.constant 0 : i32
      %dma_wait3A_48 = tpu.memref_slice %arg2[%dma_wait3A_46, %dma_wait3A_47] : memref<4096x2048xf32, #tpu.memory_space<hbm>> -> memref<8x2048xf32, #tpu.memory_space<hbm>>
      %dma_wait3A_49 = arith.constant 0 : i32
      %dma_wait3A_50 = arith.constant 0 : i32
      %dma_wait3A_51 = tpu.memref_slice %arg2[%dma_wait3A_49, %dma_wait3A_50] : memref<4096x2048xf32, #tpu.memory_space<hbm>> -> memref<8x2048xf32, #tpu.memory_space<hbm>>
      tpu.wait_dma2 semaphore(%arg12 : memref<!tpu.dma_semaphore, #tpu.memory_space<semaphore_mem>>) src(%dma_wait3A_51 : memref<8x2048xf32, #tpu.memory_space<hbm>>) dst(%arg6 : memref<8x2048xf32, #tpu.memory_space<vmem>>)
      %mul3A_52 = arith.constant 2 : i32
      %mul3A_53 = arith.muli %mul3A_52, %scan3A_17 : i32
      %add3A_54 = arith.constant 1 : i32
      %add3A_55 = arith.addi %mul3A_53, %add3A_54 : i32
      %scan3A_56 = arith.constant 0 : i32
      %scan3A_57 = arith.constant 0 : i32
      %scan3A_58 = arith.constant 8 : i32
      %scan3A_59 = arith.addi %scan3A_57, %scan3A_58 : i32
      %scan3A_60 = arith.constant 1 : i32
      %scan3A_61 = scf.for %scan3A_64 = %scan3A_57 to %scan3A_59 step %scan3A_60 iter_args(%scan3A_65 = %scan3A_56) -> (i32)  : i32 {
        %mul3A_66 = arith.constant 8 : i32
        %mul3A_67 = arith.muli %add3A_55, %mul3A_66 : i32
        %add3A_68 = arith.addi %mul3A_67, %scan3A_64 : i32
        %mul3A_69 = arith.constant 32 : i32
        %mul3A_70 = arith.muli %add3A_68, %mul3A_69 : i32
        %get3A = arith.index_cast %mul3A_70 : i32 to index
        %get3A_71 = tpu.vector_load %arg7[%get3A] {strides = array<i32>} : memref<4096xf32, #tpu.memory_space<vmem>>, vector<16xf32>,
        %mul3A_72 = arith.constant 32 : i32
        %mul3A_73 = arith.muli %add3A_68, %mul3A_72 : i32
        %add3A_74 = arith.constant 16 : i32
        %add3A_75 = arith.addi %mul3A_73, %add3A_74 : i32
        %get3A_76 = arith.index_cast %add3A_75 : i32 to index
        %get3A_77 = tpu.vector_load %arg7[%get3A_76] {strides = array<i32>} : memref<4096xf32, #tpu.memory_space<vmem>>, vector<16xf32>,
        %masked_sort3A = arith.constant dense<true> : vector<16xi1>
        %masked_sort3A_78, %masked_sort3A_79, %masked_sort3A_80 = tpu.sort %get3A_71, %get3A_71 masked %masked_sort3A : (vector<16xf32>, vector<16xf32>, vector<16xi1>) -> (vector<16xi1>, vector<16xf32>, vector<16xf32>)
        %masked_sort3A_81 = arith.constant dense<true> : vector<16xi1>
        %masked_sort3A_82, %masked_sort3A_83, %masked_sort3A_84 = tpu.sort %get3A_77, %get3A_77 masked %masked_sort3A_81 {descending = true} : (vector<16xf32>, vector<16xf32>, vector<16xi1>) -> (vector<16xi1>, vector<16xf32>, vector<16xf32>)
        %min3A = arith.minimumf %masked_sort3A_79, %masked_sort3A_83 : vector<16xf32>
        %masked_sort3A_85 = arith.constant dense<true> : vector<16xi1>
        %masked_sort3A_86, %masked_sort3A_87, %masked_sort3A_88 = tpu.sort %min3A, %min3A masked %masked_sort3A_85 : (vector<16xf32>, vector<16xf32>, vector<16xi1>) -> (vector<16xi1>, vector<16xf32>, vector<16xf32>)
        %eq3A = arith.constant 10 : i32
        %eq3A_89 = vector.broadcast %eq3A : i32 to vector<16xi32>
        %eq3A_90 = arith.cmpi eq, %iota3A, %eq3A_89 : vector<16xi32>
        %neg3A = arith.constant 0.000000e+00 : f32
        %neg3A_91 = arith.subf %neg3A, %scan3A : f32
        %broadcast_in_dim3A = vector.broadcast %neg3A_91 : f32 to vector<16xf32>
        %select_n3A = arith.select %eq3A_90, %masked_sort3A_87, %broadcast_in_dim3A : vector<16xi1>, vector<16xf32>
        %reduce_max3A = arith.constant true
        %reduce_max3A_92 = vector.broadcast %reduce_max3A : i1 to vector<16xi1>
        %reduce_max3A_93 = tpu.scan <max>, %select_n3A masked %reduce_max3A_92 : vector<16xf32>, vector<16xi1> -> vector<16xf32>
        %reduce_max3A_94 = vector.extract %reduce_max3A_93[15] : f32 from vector<16xf32>
        %le3A = vector.broadcast %reduce_max3A_94 : f32 to vector<16xf32>
        %le3A_95 = arith.cmpf ole, %get3A_71, %le3A : vector<16xf32>
        %le3A_96 = vector.broadcast %reduce_max3A_94 : f32 to vector<16xf32>
        %le3A_97 = arith.cmpf ole, %get3A_77, %le3A_96 : vector<16xf32>
        %jit3A = arith.constant 1 : i32
        %jit3A_98 = arith.constant 0 : i32
        %broadcast_in_dim3A_99 = vector.broadcast %jit3A : i32 to vector<16xi32>
        %broadcast_in_dim3A_100 = vector.broadcast %jit3A_98 : i32 to vector<16xi32>
        %select_n3A_101 = arith.select %le3A_95, %broadcast_in_dim3A_99, %broadcast_in_dim3A_100 : vector<16xi1>, vector<16xi32>
        %broadcast_in_dim3A_102 = arith.constant true
        %broadcast_in_dim3A_103 = vector.broadcast %broadcast_in_dim3A_102 : i1 to vector<16xi1>
        %masked_cumsum3A = tpu.scan <sum>, %select_n3A_101 masked %broadcast_in_dim3A_103 : vector<16xi32>, vector<16xi1> -> vector<16xi32>
        %sub3A = arith.constant 1 : i32
        %sub3A_104 = vector.broadcast %sub3A : i32 to vector<16xi32>
        %sub3A_105 = arith.subi %masked_cumsum3A, %sub3A_104 : vector<16xi32>
        tpu.vector_store_idx %arg9[%sub3A_105], %iota3A masked %le3A_95 : memref<32xi32, #tpu.memory_space<vmem>>[vector<16xi32>], vector<16xi32>, vector<16xi1>
        %reduce_max3A_106 = arith.constant true
        %reduce_max3A_107 = vector.broadcast %reduce_max3A_106 : i1 to vector<16xi1>
        %reduce_max3A_108 = arith.constant -2147483648 : i32
        %reduce_max3A_109 = vector.broadcast %reduce_max3A_108 : i32 to vector<16xi32>
        %reduce_max3A_110 = arith.xori %sub3A_105, %reduce_max3A_109 : vector<16xi32>
        %reduce_max3A_111 = tpu.scan <max>, %reduce_max3A_110 masked %reduce_max3A_107 : vector<16xi32>, vector<16xi1> -> vector<16xi32>
        %reduce_max3A_112 = arith.xori %reduce_max3A_111, %reduce_max3A_109 : vector<16xi32>
        %reduce_max3A_113 = vector.extract %reduce_max3A_112[15] : i32 from vector<16xi32>
        %add3A_114 = arith.constant 1 : i32
        %add3A_115 = arith.addi %reduce_max3A_113, %add3A_114 : i32
        %jit3A_116 = arith.constant 1 : i32
        %jit3A_117 = arith.constant 0 : i32
        %broadcast_in_dim3A_118 = vector.broadcast %jit3A_116 : i32 to vector<16xi32>
        %broadcast_in_dim3A_119 = vector.broadcast %jit3A_117 : i32 to vector<16xi32>
        %select_n3A_120 = arith.select %le3A_97, %broadcast_in_dim3A_118, %broadcast_in_dim3A_119 : vector<16xi1>, vector<16xi32>
        %broadcast_in_dim3A_121 = arith.constant true
        %broadcast_in_dim3A_122 = vector.broadcast %broadcast_in_dim3A_121 : i1 to vector<16xi1>
        %masked_cumsum3A_123 = tpu.scan <sum>, %select_n3A_120 masked %broadcast_in_dim3A_122 : vector<16xi32>, vector<16xi1> -> vector<16xi32>
        %sub3A_124 = arith.constant 1 : i32
        %sub3A_125 = vector.broadcast %sub3A_124 : i32 to vector<16xi32>
        %sub3A_126 = arith.subi %masked_cumsum3A_123, %sub3A_125 : vector<16xi32>
        %add3A_127 = vector.broadcast %add3A_115 : i32 to vector<16xi32>
        %add3A_128 = arith.addi %sub3A_126, %add3A_127 : vector<16xi32>
        %add3A_129 = arith.constant 16 : i32
        %add3A_130 = vector.broadcast %add3A_129 : i32 to vector<16xi32>
        %add3A_131 = arith.addi %iota3A, %add3A_130 : vector<16xi32>
        tpu.vector_store_idx %arg9[%add3A_128], %add3A_131 masked %le3A_97 : memref<32xi32, #tpu.memory_space<vmem>>[vector<16xi32>], vector<16xi32>, vector<16xi1>
        %reduce_max3A_132 = arith.constant true
        %reduce_max3A_133 = vector.broadcast %reduce_max3A_132 : i1 to vector<16xi1>
        %reduce_max3A_134 = arith.constant -2147483648 : i32
        %reduce_max3A_135 = vector.broadcast %reduce_max3A_134 : i32 to vector<16xi32>
        %reduce_max3A_136 = arith.xori %add3A_128, %reduce_max3A_135 : vector<16xi32>
        %reduce_max3A_137 = tpu.scan <max>, %reduce_max3A_136 masked %reduce_max3A_133 : vector<16xi32>, vector<16xi1> -> vector<16xi32>
        %reduce_max3A_138 = arith.xori %reduce_max3A_137, %reduce_max3A_135 : vector<16xi32>
        %reduce_max3A_139 = vector.extract %reduce_max3A_138[15] : i32 from vector<16xi32>
        %add3A_140 = arith.constant 1 : i32
        %add3A_141 = arith.addi %reduce_max3A_139, %add3A_140 : i32
        %get3A_142 = arith.constant 0 : index
        %get3A_143 = tpu.vector_load %arg9[%get3A_142] {strides = array<i32>} : memref<32xi32, #tpu.memory_space<vmem>>, vector<16xi32>,
        %get3A_144 = arith.constant 16 : index
        %get3A_145 = tpu.vector_load %arg9[%get3A_144] {strides = array<i32>} : memref<32xi32, #tpu.memory_space<vmem>>, vector<16xi32>,
        %broadcast_in_dim3A_146 = arith.constant 0 : i32
        %broadcast_in_dim3A_147 = vector.broadcast %broadcast_in_dim3A_146 : i32 to vector<16xi32>
        %parallel_loop3A = arith.constant 0 : i32
        %parallel_loop3A_148 = arith.constant 1 : i32
        %parallel_loop3A_149 = scf.for %parallel_loop3A_174 = %parallel_loop3A to %add3A_141 step %parallel_loop3A_148 iter_args(%parallel_loop3A_175 = %broadcast_in_dim3A_147) -> (vector<16xi32>)  : i32 {
          %parallel_loop3A_176 = arith.constant 16 : i32
          %parallel_loop3A_177 = arith.cmpi slt, %parallel_loop3A_174, %parallel_loop3A_176 : i32
          %parallel_loop3A_178 = arith.select %parallel_loop3A_177, %get3A_143, %get3A_145 : vector<16xi32>
          %parallel_loop3A_179 = arith.constant 15 : i32
          %parallel_loop3A_180 = arith.andi %parallel_loop3A_174, %parallel_loop3A_179 : i32
          %parallel_loop3A_181 = vector.broadcast %parallel_loop3A_180 : i32 to vector<16xi32>
          %parallel_loop3A_182 = arith.cmpi eq, %iota3A, %parallel_loop3A_181 : vector<16xi32>
          %parallel_loop3A_183 = arith.constant 0 : i32
          %parallel_loop3A_184 = vector.broadcast %parallel_loop3A_183 : i32 to vector<16xi32>
          %parallel_loop3A_185 = arith.select %parallel_loop3A_182, %parallel_loop3A_178, %parallel_loop3A_184 : vector<16xi1>, vector<16xi32>
          %parallel_loop3A_186 = arith.constant true
          %parallel_loop3A_187 = vector.broadcast %parallel_loop3A_186 : i1 to vector<16xi1>
          %parallel_loop3A_188 = tpu.scan <sum>, %parallel_loop3A_185 masked %parallel_loop3A_187 : vector<16xi32>, vector<16xi1> -> vector<16xi32>
          %parallel_loop3A_189 = vector.extract %parallel_loop3A_188[15] : i32 from vector<16xi32>
          %parallel_loop3A_190 = arith.constant 64 : i32
          %parallel_loop3A_191 = arith.muli %parallel_loop3A_189, %parallel_loop3A_190 : i32
          %parallel_loop3A_192 = arith.constant 0 : i32
          %parallel_loop3A_193 = arith.addi %parallel_loop3A_191, %parallel_loop3A_192 : i32
          %parallel_loop3A_194 = arith.index_cast %scan3A_64 : i32 to index
          %parallel_loop3A_195 = arith.index_cast %parallel_loop3A_193 : i32 to index
          %parallel_loop3A_196 = tpu.vector_load %arg6[%parallel_loop3A_194, %parallel_loop3A_195] {strides = array<i32>} : memref<8x2048xf32, #tpu.memory_space<vmem>>, vector<16xf32>,
          %parallel_loop3A_197 = vector.bitcast %parallel_loop3A_196 : vector<16xf32> to vector<32xbf16>
          %parallel_loop3A_198 = tpu.unpack_subelements %parallel_loop3A_197, 0 {pack_format = #tpu.pack_format<interleaved>} : vector<32xbf16> -> vector<16xf32>
          %parallel_loop3A_199 = tpu.unpack_subelements %parallel_loop3A_197, 1 {pack_format = #tpu.pack_format<interleaved>} : vector<32xbf16> -> vector<16xf32>
          %parallel_loop3A_200 = vector.broadcast %reduce_max3A_94 : f32 to vector<16xf32>
          %parallel_loop3A_201 = arith.cmpf ole, %parallel_loop3A_198, %parallel_loop3A_200 : vector<16xf32>
          %parallel_loop3A_202 = arith.constant 32 : i32
          %parallel_loop3A_203 = vector.broadcast %parallel_loop3A_202 : i32 to vector<16xi32>
          %parallel_loop3A_204 = arith.muli %iota3A, %parallel_loop3A_203 : vector<16xi32>
          %parallel_loop3A_205 = arith.constant 31 : i32
          %parallel_loop3A_206 = vector.broadcast %parallel_loop3A_205 : i32 to vector<16xi32>
          %parallel_loop3A_207 = arith.minsi %parallel_loop3A_175, %parallel_loop3A_206 : vector<16xi32>
          %parallel_loop3A_208 = arith.addi %parallel_loop3A_204, %parallel_loop3A_207 : vector<16xi32>
          %parallel_loop3A_209 = arith.constant 32 : i32
          %parallel_loop3A_210 = vector.broadcast %parallel_loop3A_209 : i32 to vector<16xi32>
          %parallel_loop3A_211 = arith.cmpi slt, %parallel_loop3A_175, %parallel_loop3A_210 : vector<16xi32>
          %parallel_loop3A_212 = arith.andi %parallel_loop3A_201, %parallel_loop3A_211 : vector<16xi1>
          tpu.vector_store_idx %arg8[%parallel_loop3A_208], %parallel_loop3A_198 masked %parallel_loop3A_212 : memref<512xf32, #tpu.memory_space<vmem>>[vector<16xi32>], vector<16xf32>, vector<16xi1>
          %parallel_loop3A_213 = arith.constant 1 : i32
          %parallel_loop3A_214 = arith.constant 0 : i32
          %parallel_loop3A_215 = vector.broadcast %parallel_loop3A_213 : i32 to vector<16xi32>
          %parallel_loop3A_216 = vector.broadcast %parallel_loop3A_214 : i32 to vector<16xi32>
          %parallel_loop3A_217 = arith.select %parallel_loop3A_201, %parallel_loop3A_215, %parallel_loop3A_216 : vector<16xi1>, vector<16xi32>
          %parallel_loop3A_218 = arith.addi %parallel_loop3A_175, %parallel_loop3A_217 : vector<16xi32>
          %parallel_loop3A_219 = vector.broadcast %reduce_max3A_94 : f32 to vector<16xf32>
          %parallel_loop3A_220 = arith.cmpf ole, %parallel_loop3A_199, %parallel_loop3A_219 : vector<16xf32>
          %parallel_loop3A_221 = arith.constant 32 : i32
          %parallel_loop3A_222 = vector.broadcast %parallel_loop3A_221 : i32 to vector<16xi32>
          %parallel_loop3A_223 = arith.muli %iota3A, %parallel_loop3A_222 : vector<16xi32>
          %parallel_loop3A_224 = arith.constant 31 : i32
          %parallel_loop3A_225 = vector.broadcast %parallel_loop3A_224 : i32 to vector<16xi32>
          %parallel_loop3A_226 = arith.minsi %parallel_loop3A_218, %parallel_loop3A_225 : vector<16xi32>
          %parallel_loop3A_227 = arith.addi %parallel_loop3A_223, %parallel_loop3A_226 : vector<16xi32>
          %parallel_loop3A_228 = arith.constant 32 : i32
          %parallel_loop3A_229 = vector.broadcast %parallel_loop3A_228 : i32 to vector<16xi32>
          %parallel_loop3A_230 = arith.cmpi slt, %parallel_loop3A_218, %parallel_loop3A_229 : vector<16xi32>
          %parallel_loop3A_231 = arith.andi %parallel_loop3A_220, %parallel_loop3A_230 : vector<16xi1>
          tpu.vector_store_idx %arg8[%parallel_loop3A_227], %parallel_loop3A_199 masked %parallel_loop3A_231 : memref<512xf32, #tpu.memory_space<vmem>>[vector<16xi32>], vector<16xf32>, vector<16xi1>
          %parallel_loop3A_232 = arith.constant 1 : i32
          %parallel_loop3A_233 = arith.constant 0 : i32
          %parallel_loop3A_234 = vector.broadcast %parallel_loop3A_232 : i32 to vector<16xi32>
          %parallel_loop3A_235 = vector.broadcast %parallel_loop3A_233 : i32 to vector<16xi32>
          %parallel_loop3A_236 = arith.select %parallel_loop3A_220, %parallel_loop3A_234, %parallel_loop3A_235 : vector<16xi1>, vector<16xi32>
          %parallel_loop3A_237 = arith.addi %parallel_loop3A_218, %parallel_loop3A_236 : vector<16xi32>
          %parallel_loop3A_238 = arith.constant 16 : i32
          %parallel_loop3A_239 = arith.addi %parallel_loop3A_191, %parallel_loop3A_238 : i32
          %parallel_loop3A_240 = arith.index_cast %scan3A_64 : i32 to index
          %parallel_loop3A_241 = arith.index_cast %parallel_loop3A_239 : i32 to index
          %parallel_loop3A_242 = tpu.vector_load %arg6[%parallel_loop3A_240, %parallel_loop3A_241] {strides = array<i32>} : memref<8x2048xf32, #tpu.memory_space<vmem>>, vector<16xf32>,
          %parallel_loop3A_243 = vector.bitcast %parallel_loop3A_242 : vector<16xf32> to vector<32xbf16>
          %parallel_loop3A_244 = tpu.unpack_subelements %parallel_loop3A_243, 0 {pack_format = #tpu.pack_format<interleaved>} : vector<32xbf16> -> vector<16xf32>
          %parallel_loop3A_245 = tpu.unpack_subelements %parallel_loop3A_243, 1 {pack_format = #tpu.pack_format<interleaved>} : vector<32xbf16> -> vector<16xf32>
          %parallel_loop3A_246 = vector.broadcast %reduce_max3A_94 : f32 to vector<16xf32>
          %parallel_loop3A_247 = arith.cmpf ole, %parallel_loop3A_244, %parallel_loop3A_246 : vector<16xf32>
          %parallel_loop3A_248 = arith.constant 32 : i32
          %parallel_loop3A_249 = vector.broadcast %parallel_loop3A_248 : i32 to vector<16xi32>
          %parallel_loop3A_250 = arith.muli %iota3A, %parallel_loop3A_249 : vector<16xi32>
          %parallel_loop3A_251 = arith.constant 31 : i32
          %parallel_loop3A_252 = vector.broadcast %parallel_loop3A_251 : i32 to vector<16xi32>
          %parallel_loop3A_253 = arith.minsi %parallel_loop3A_237, %parallel_loop3A_252 : vector<16xi32>
          %parallel_loop3A_254 = arith.addi %parallel_loop3A_250, %parallel_loop3A_253 : vector<16xi32>
          %parallel_loop3A_255 = arith.constant 32 : i32
          %parallel_loop3A_256 = vector.broadcast %parallel_loop3A_255 : i32 to vector<16xi32>
          %parallel_loop3A_257 = arith.cmpi slt, %parallel_loop3A_237, %parallel_loop3A_256 : vector<16xi32>
          %parallel_loop3A_258 = arith.andi %parallel_loop3A_247, %parallel_loop3A_257 : vector<16xi1>
          tpu.vector_store_idx %arg8[%parallel_loop3A_254], %parallel_loop3A_244 masked %parallel_loop3A_258 : memref<512xf32, #tpu.memory_space<vmem>>[vector<16xi32>], vector<16xf32>, vector<16xi1>
          %parallel_loop3A_259 = arith.constant 1 : i32
          %parallel_loop3A_260 = arith.constant 0 : i32
          %parallel_loop3A_261 = vector.broadcast %parallel_loop3A_259 : i32 to vector<16xi32>
          %parallel_loop3A_262 = vector.broadcast %parallel_loop3A_260 : i32 to vector<16xi32>
          %parallel_loop3A_263 = arith.select %parallel_loop3A_247, %parallel_loop3A_261, %parallel_loop3A_262 : vector<16xi1>, vector<16xi32>
          %parallel_loop3A_264 = arith.addi %parallel_loop3A_237, %parallel_loop3A_263 : vector<16xi32>
          %parallel_loop3A_265 = vector.broadcast %reduce_max3A_94 : f32 to vector<16xf32>
          %parallel_loop3A_266 = arith.cmpf ole, %parallel_loop3A_245, %parallel_loop3A_265 : vector<16xf32>
          %parallel_loop3A_267 = arith.constant 32 : i32
          %parallel_loop3A_268 = vector.broadcast %parallel_loop3A_267 : i32 to vector<16xi32>
          %parallel_loop3A_269 = arith.muli %iota3A, %parallel_loop3A_268 : vector<16xi32>
          %parallel_loop3A_270 = arith.constant 31 : i32
          %parallel_loop3A_271 = vector.broadcast %parallel_loop3A_270 : i32 to vector<16xi32>
          %parallel_loop3A_272 = arith.minsi %parallel_loop3A_264, %parallel_loop3A_271 : vector<16xi32>
          %parallel_loop3A_273 = arith.addi %parallel_loop3A_269, %parallel_loop3A_272 : vector<16xi32>
          %parallel_loop3A_274 = arith.constant 32 : i32
          %parallel_loop3A_275 = vector.broadcast %parallel_loop3A_274 : i32 to vector<16xi32>
          %parallel_loop3A_276 = arith.cmpi slt, %parallel_loop3A_264, %parallel_loop3A_275 : vector<16xi32>
          %parallel_loop3A_277 = arith.andi %parallel_loop3A_266, %parallel_loop3A_276 : vector<16xi1>
          tpu.vector_store_idx %arg8[%parallel_loop3A_273], %parallel_loop3A_245 masked %parallel_loop3A_277 : memref<512xf32, #tpu.memory_space<vmem>>[vector<16xi32>], vector<16xf32>, vector<16xi1>
          %parallel_loop3A_278 = arith.constant 1 : i32
          %parallel_loop3A_279 = arith.constant 0 : i32
          %parallel_loop3A_280 = vector.broadcast %parallel_loop3A_278 : i32 to vector<16xi32>
          %parallel_loop3A_281 = vector.broadcast %parallel_loop3A_279 : i32 to vector<16xi32>
          %parallel_loop3A_282 = arith.select %parallel_loop3A_266, %parallel_loop3A_280, %parallel_loop3A_281 : vector<16xi1>, vector<16xi32>
          %parallel_loop3A_283 = arith.addi %parallel_loop3A_264, %parallel_loop3A_282 : vector<16xi32>
          %parallel_loop3A_284 = arith.constant 32 : i32
          %parallel_loop3A_285 = arith.addi %parallel_loop3A_191, %parallel_loop3A_284 : i32
          %parallel_loop3A_286 = arith.index_cast %scan3A_64 : i32 to index
          %parallel_loop3A_287 = arith.index_cast %parallel_loop3A_285 : i32 to index
          %parallel_loop3A_288 = tpu.vector_load %arg6[%parallel_loop3A_286, %parallel_loop3A_287] {strides = array<i32>} : memref<8x2048xf32, #tpu.memory_space<vmem>>, vector<16xf32>,
          %parallel_loop3A_289 = vector.bitcast %parallel_loop3A_288 : vector<16xf32> to vector<32xbf16>
          %parallel_loop3A_290 = tpu.unpack_subelements %parallel_loop3A_289, 0 {pack_format = #tpu.pack_format<interleaved>} : vector<32xbf16> -> vector<16xf32>
          %parallel_loop3A_291 = tpu.unpack_subelements %parallel_loop3A_289, 1 {pack_format = #tpu.pack_format<interleaved>} : vector<32xbf16> -> vector<16xf32>
          %parallel_loop3A_292 = vector.broadcast %reduce_max3A_94 : f32 to vector<16xf32>
          %parallel_loop3A_293 = arith.cmpf ole, %parallel_loop3A_290, %parallel_loop3A_292 : vector<16xf32>
          %parallel_loop3A_294 = arith.constant 32 : i32
          %parallel_loop3A_295 = vector.broadcast %parallel_loop3A_294 : i32 to vector<16xi32>
          %parallel_loop3A_296 = arith.muli %iota3A, %parallel_loop3A_295 : vector<16xi32>
          %parallel_loop3A_297 = arith.constant 31 : i32
          %parallel_loop3A_298 = vector.broadcast %parallel_loop3A_297 : i32 to vector<16xi32>
          %parallel_loop3A_299 = arith.minsi %parallel_loop3A_283, %parallel_loop3A_298 : vector<16xi32>
          %parallel_loop3A_300 = arith.addi %parallel_loop3A_296, %parallel_loop3A_299 : vector<16xi32>
          %parallel_loop3A_301 = arith.constant 32 : i32
          %parallel_loop3A_302 = vector.broadcast %parallel_loop3A_301 : i32 to vector<16xi32>
          %parallel_loop3A_303 = arith.cmpi slt, %parallel_loop3A_283, %parallel_loop3A_302 : vector<16xi32>
          %parallel_loop3A_304 = arith.andi %parallel_loop3A_293, %parallel_loop3A_303 : vector<16xi1>
          tpu.vector_store_idx %arg8[%parallel_loop3A_300], %parallel_loop3A_290 masked %parallel_loop3A_304 : memref<512xf32, #tpu.memory_space<vmem>>[vector<16xi32>], vector<16xf32>, vector<16xi1>
          %parallel_loop3A_305 = arith.constant 1 : i32
          %parallel_loop3A_306 = arith.constant 0 : i32
          %parallel_loop3A_307 = vector.broadcast %parallel_loop3A_305 : i32 to vector<16xi32>
          %parallel_loop3A_308 = vector.broadcast %parallel_loop3A_306 : i32 to vector<16xi32>
          %parallel_loop3A_309 = arith.select %parallel_loop3A_293, %parallel_loop3A_307, %parallel_loop3A_308 : vector<16xi1>, vector<16xi32>
          %parallel_loop3A_310 = arith.addi %parallel_loop3A_283, %parallel_loop3A_309 : vector<16xi32>
          %parallel_loop3A_311 = vector.broadcast %reduce_max3A_94 : f32 to vector<16xf32>
          %parallel_loop3A_312 = arith.cmpf ole, %parallel_loop3A_291, %parallel_loop3A_311 : vector<16xf32>
          %parallel_loop3A_313 = arith.constant 32 : i32
          %parallel_loop3A_314 = vector.broadcast %parallel_loop3A_313 : i32 to vector<16xi32>
          %parallel_loop3A_315 = arith.muli %iota3A, %parallel_loop3A_314 : vector<16xi32>
          %parallel_loop3A_316 = arith.constant 31 : i32
          %parallel_loop3A_317 = vector.broadcast %parallel_loop3A_316 : i32 to vector<16xi32>
          %parallel_loop3A_318 = arith.minsi %parallel_loop3A_310, %parallel_loop3A_317 : vector<16xi32>
          %parallel_loop3A_319 = arith.addi %parallel_loop3A_315, %parallel_loop3A_318 : vector<16xi32>
          %parallel_loop3A_320 = arith.constant 32 : i32
          %parallel_loop3A_321 = vector.broadcast %parallel_loop3A_320 : i32 to vector<16xi32>
          %parallel_loop3A_322 = arith.cmpi slt, %parallel_loop3A_310, %parallel_loop3A_321 : vector<16xi32>
          %parallel_loop3A_323 = arith.andi %parallel_loop3A_312, %parallel_loop3A_322 : vector<16xi1>
          tpu.vector_store_idx %arg8[%parallel_loop3A_319], %parallel_loop3A_291 masked %parallel_loop3A_323 : memref<512xf32, #tpu.memory_space<vmem>>[vector<16xi32>], vector<16xf32>, vector<16xi1>
          %parallel_loop3A_324 = arith.constant 1 : i32
          %parallel_loop3A_325 = arith.constant 0 : i32
          %parallel_loop3A_326 = vector.broadcast %parallel_loop3A_324 : i32 to vector<16xi32>
          %parallel_loop3A_327 = vector.broadcast %parallel_loop3A_325 : i32 to vector<16xi32>
          %parallel_loop3A_328 = arith.select %parallel_loop3A_312, %parallel_loop3A_326, %parallel_loop3A_327 : vector<16xi1>, vector<16xi32>
          %parallel_loop3A_329 = arith.addi %parallel_loop3A_310, %parallel_loop3A_328 : vector<16xi32>
          %parallel_loop3A_330 = arith.constant 48 : i32
          %parallel_loop3A_331 = arith.addi %parallel_loop3A_191, %parallel_loop3A_330 : i32
          %parallel_loop3A_332 = arith.index_cast %scan3A_64 : i32 to index
          %parallel_loop3A_333 = arith.index_cast %parallel_loop3A_331 : i32 to index
          %parallel_loop3A_334 = tpu.vector_load %arg6[%parallel_loop3A_332, %parallel_loop3A_333] {strides = array<i32>} : memref<8x2048xf32, #tpu.memory_space<vmem>>, vector<16xf32>,
          %parallel_loop3A_335 = vector.bitcast %parallel_loop3A_334 : vector<16xf32> to vector<32xbf16>
          %parallel_loop3A_336 = tpu.unpack_subelements %parallel_loop3A_335, 0 {pack_format = #tpu.pack_format<interleaved>} : vector<32xbf16> -> vector<16xf32>
          %parallel_loop3A_337 = tpu.unpack_subelements %parallel_loop3A_335, 1 {pack_format = #tpu.pack_format<interleaved>} : vector<32xbf16> -> vector<16xf32>
          %parallel_loop3A_338 = vector.broadcast %reduce_max3A_94 : f32 to vector<16xf32>
          %parallel_loop3A_339 = arith.cmpf ole, %parallel_loop3A_336, %parallel_loop3A_338 : vector<16xf32>
          %parallel_loop3A_340 = arith.constant 32 : i32
          %parallel_loop3A_341 = vector.broadcast %parallel_loop3A_340 : i32 to vector<16xi32>
          %parallel_loop3A_342 = arith.muli %iota3A, %parallel_loop3A_341 : vector<16xi32>
          %parallel_loop3A_343 = arith.constant 31 : i32
          %parallel_loop3A_344 = vector.broadcast %parallel_loop3A_343 : i32 to vector<16xi32>
          %parallel_loop3A_345 = arith.minsi %parallel_loop3A_329, %parallel_loop3A_344 : vector<16xi32>
          %parallel_loop3A_346 = arith.addi %parallel_loop3A_342, %parallel_loop3A_345 : vector<16xi32>
          %parallel_loop3A_347 = arith.constant 32 : i32
          %parallel_loop3A_348 = vector.broadcast %parallel_loop3A_347 : i32 to vector<16xi32>
          %parallel_loop3A_349 = arith.cmpi slt, %parallel_loop3A_329, %parallel_loop3A_348 : vector<16xi32>
          %parallel_loop3A_350 = arith.andi %parallel_loop3A_339, %parallel_loop3A_349 : vector<16xi1>
          tpu.vector_store_idx %arg8[%parallel_loop3A_346], %parallel_loop3A_336 masked %parallel_loop3A_350 : memref<512xf32, #tpu.memory_space<vmem>>[vector<16xi32>], vector<16xf32>, vector<16xi1>
          %parallel_loop3A_351 = arith.constant 1 : i32
          %parallel_loop3A_352 = arith.constant 0 : i32
          %parallel_loop3A_353 = vector.broadcast %parallel_loop3A_351 : i32 to vector<16xi32>
          %parallel_loop3A_354 = vector.broadcast %parallel_loop3A_352 : i32 to vector<16xi32>
          %parallel_loop3A_355 = arith.select %parallel_loop3A_339, %parallel_loop3A_353, %parallel_loop3A_354 : vector<16xi1>, vector<16xi32>
          %parallel_loop3A_356 = arith.addi %parallel_loop3A_329, %parallel_loop3A_355 : vector<16xi32>
          %parallel_loop3A_357 = vector.broadcast %reduce_max3A_94 : f32 to vector<16xf32>
          %parallel_loop3A_358 = arith.cmpf ole, %parallel_loop3A_337, %parallel_loop3A_357 : vector<16xf32>
          %parallel_loop3A_359 = arith.constant 32 : i32
          %parallel_loop3A_360 = vector.broadcast %parallel_loop3A_359 : i32 to vector<16xi32>
          %parallel_loop3A_361 = arith.muli %iota3A, %parallel_loop3A_360 : vector<16xi32>
          %parallel_loop3A_362 = arith.constant 31 : i32
          %parallel_loop3A_363 = vector.broadcast %parallel_loop3A_362 : i32 to vector<16xi32>
          %parallel_loop3A_364 = arith.minsi %parallel_loop3A_356, %parallel_loop3A_363 : vector<16xi32>
          %parallel_loop3A_365 = arith.addi %parallel_loop3A_361, %parallel_loop3A_364 : vector<16xi32>
          %parallel_loop3A_366 = arith.constant 32 : i32
          %parallel_loop3A_367 = vector.broadcast %parallel_loop3A_366 : i32 to vector<16xi32>
          %parallel_loop3A_368 = arith.cmpi slt, %parallel_loop3A_356, %parallel_loop3A_367 : vector<16xi32>
          %parallel_loop3A_369 = arith.andi %parallel_loop3A_358, %parallel_loop3A_368 : vector<16xi1>
          tpu.vector_store_idx %arg8[%parallel_loop3A_365], %parallel_loop3A_337 masked %parallel_loop3A_369 : memref<512xf32, #tpu.memory_space<vmem>>[vector<16xi32>], vector<16xf32>, vector<16xi1>
          %parallel_loop3A_370 = arith.constant 1 : i32
          %parallel_loop3A_371 = arith.constant 0 : i32
          %parallel_loop3A_372 = vector.broadcast %parallel_loop3A_370 : i32 to vector<16xi32>
          %parallel_loop3A_373 = vector.broadcast %parallel_loop3A_371 : i32 to vector<16xi32>
          %parallel_loop3A_374 = arith.select %parallel_loop3A_358, %parallel_loop3A_372, %parallel_loop3A_373 : vector<16xi1>, vector<16xi32>
          %parallel_loop3A_375 = arith.addi %parallel_loop3A_356, %parallel_loop3A_374 : vector<16xi32>
          scf.yield %parallel_loop3A_375 : vector<16xi32>
        } {sc.loop_unroll_factor = 1 : i64, sc.parallel_access}
        %reduce_max3A_150 = arith.constant true
        %reduce_max3A_151 = vector.broadcast %reduce_max3A_150 : i1 to vector<16xi1>
        %reduce_max3A_152 = arith.constant -2147483648 : i32
        %reduce_max3A_153 = vector.broadcast %reduce_max3A_152 : i32 to vector<16xi32>
        %reduce_max3A_154 = arith.xori %parallel_loop3A_149, %reduce_max3A_153 : vector<16xi32>
        %reduce_max3A_155 = tpu.scan <max>, %reduce_max3A_154 masked %reduce_max3A_151 : vector<16xi32>, vector<16xi1> -> vector<16xi32>
        %reduce_max3A_156 = arith.xori %reduce_max3A_155, %reduce_max3A_153 : vector<16xi32>
        %reduce_max3A_157 = vector.extract %reduce_max3A_156[15] : i32 from vector<16xi32>
        %min3A_158 = arith.constant 32 : i32
        %min3A_159 = arith.minsi %reduce_max3A_157, %min3A_158 : i32
        %broadcast_in_dim3A_160 = vector.broadcast %scan3A : f32 to vector<16xf32>
        %while3A = arith.constant 0 : i32
        %while3A_161 = arith.subi %min3A_159, %while3A : i32
        %while3A_162 = arith.addi %while3A, %while3A_161 : i32
        %while3A_163 = arith.constant 1 : i32
        %while3A_164 = arith.divsi %while3A_161, %while3A_163 : i32
        %while3A_165 = arith.muli %while3A_164, %while3A_163 : i32
        %while3A_166 = arith.addi %while3A, %while3A_165 : i32
        %while3A_167 = arith.constant 1 : i32
        %while3A_168 = scf.for %while3A_174 = %while3A to %while3A_166 step %while3A_167 iter_args(%while3A_175 = %broadcast_in_dim3A_160) -> (vector<16xf32>)  : i32 {
          %mul3A_176 = arith.constant 32 : i32
          %mul3A_177 = vector.broadcast %mul3A_176 : i32 to vector<16xi32>
          %mul3A_178 = arith.muli %iota3A, %mul3A_177 : vector<16xi32>
          %add3A_179 = vector.broadcast %while3A_174 : i32 to vector<16xi32>
          %add3A_180 = arith.addi %mul3A_178, %add3A_179 : vector<16xi32>
          %gather3A = tpu.vector_load_idx %arg8[%add3A_180] : memref<512xf32, #tpu.memory_space<vmem>>[vector<16xi32>], vector<16xf32>,
          %gt3A = vector.broadcast %while3A_174 : i32 to vector<16xi32>
          %gt3A_181 = arith.cmpi sgt, %parallel_loop3A_149, %gt3A : vector<16xi32>
          %broadcast_in_dim3A_182 = vector.broadcast %scan3A : f32 to vector<16xf32>
          %select_n3A_183 = arith.select %gt3A_181, %gather3A, %broadcast_in_dim3A_182 : vector<16xi1>, vector<16xf32>
          %masked_sort3A_184 = arith.constant dense<true> : vector<16xi1>
          %masked_sort3A_185, %masked_sort3A_186, %masked_sort3A_187 = tpu.sort %select_n3A_183, %select_n3A_183 masked %masked_sort3A_184 {descending = true} : (vector<16xf32>, vector<16xf32>, vector<16xi1>) -> (vector<16xi1>, vector<16xf32>, vector<16xf32>)
          %min3A_188 = arith.minimumf %while3A_175, %masked_sort3A_186 : vector<16xf32>
          %masked_sort3A_189 = arith.constant dense<true> : vector<16xi1>
          %masked_sort3A_190, %masked_sort3A_191, %masked_sort3A_192 = tpu.sort %min3A_188, %min3A_188 masked %masked_sort3A_189 : (vector<16xf32>, vector<16xf32>, vector<16xi1>) -> (vector<16xi1>, vector<16xf32>, vector<16xf32>)
          scf.yield %masked_sort3A_191 : vector<16xf32>
        }
        %while3A_169 = arith.constant 1 : i32
        %while3A_170 = scf.for %while3A_174 = %while3A_166 to %while3A_162 step %while3A_169 iter_args(%while3A_175 = %while3A_168) -> (vector<16xf32>)  : i32 {
          %mul3A_176 = arith.constant 32 : i32
          %mul3A_177 = vector.broadcast %mul3A_176 : i32 to vector<16xi32>
          %mul3A_178 = arith.muli %iota3A, %mul3A_177 : vector<16xi32>
          %add3A_179 = vector.broadcast %while3A_174 : i32 to vector<16xi32>
          %add3A_180 = arith.addi %mul3A_178, %add3A_179 : vector<16xi32>
          %gather3A = tpu.vector_load_idx %arg8[%add3A_180] : memref<512xf32, #tpu.memory_space<vmem>>[vector<16xi32>], vector<16xf32>,
          %gt3A = vector.broadcast %while3A_174 : i32 to vector<16xi32>
          %gt3A_181 = arith.cmpi sgt, %parallel_loop3A_149, %gt3A : vector<16xi32>
          %broadcast_in_dim3A_182 = vector.broadcast %scan3A : f32 to vector<16xf32>
          %select_n3A_183 = arith.select %gt3A_181, %gather3A, %broadcast_in_dim3A_182 : vector<16xi1>, vector<16xf32>
          %masked_sort3A_184 = arith.constant dense<true> : vector<16xi1>
          %masked_sort3A_185, %masked_sort3A_186, %masked_sort3A_187 = tpu.sort %select_n3A_183, %select_n3A_183 masked %masked_sort3A_184 {descending = true} : (vector<16xf32>, vector<16xf32>, vector<16xi1>) -> (vector<16xi1>, vector<16xf32>, vector<16xf32>)
          %min3A_188 = arith.minimumf %while3A_175, %masked_sort3A_186 : vector<16xf32>
          %masked_sort3A_189 = arith.constant dense<true> : vector<16xi1>
          %masked_sort3A_190, %masked_sort3A_191, %masked_sort3A_192 = tpu.sort %min3A_188, %min3A_188 masked %masked_sort3A_189 : (vector<16xf32>, vector<16xf32>, vector<16xi1>) -> (vector<16xi1>, vector<16xf32>, vector<16xf32>)
          scf.yield %masked_sort3A_191 : vector<16xf32>
        }
        %swap3A = arith.index_cast %add3A_68 : i32 to index
        %swap3A_171 = arith.constant 0 : index
        %swap3A_172 = tpu.vector_load %arg10[%swap3A, %swap3A_171] {strides = array<i32>} : memref<128x16xf32, #tpu.memory_space<vmem>>, vector<16xf32>,
        tpu.vector_store %arg10[%swap3A, %swap3A_171], %while3A_170 {strides = array<i32>} : memref<128x16xf32, #tpu.memory_space<vmem>>, vector<16xf32>,
        %scan3A_173 = arith.constant 0 : i32
        scf.yield %scan3A_173 : i32
      }
      %scan3A_62 = arith.constant 8 : i32
      %scan3A_63 = arith.constant 0 : i32
      scf.yield %scan3A_63 : i32
    }
    %scan3A_16 = arith.constant 8 : i32
    "tpu.region"() ({
      %run_scoped3A = tpu.sem_alloc : memref<!tpu.dma_semaphore, #tpu.memory_space<semaphore_mem>>
      %dma_start3A_17 = arith.constant 0 : i32
      %dma_start3A_18 = tpu.memref_slice %arg4[%mul3A_2, %dma_start3A_17] : memref<4096x16xf32, #tpu.memory_space<hbm>> -> memref<128x16xf32, #tpu.memory_space<hbm>>
      %dma_start3A_19 = arith.constant 0 : i32
      %dma_start3A_20 = tpu.memref_slice %arg4[%mul3A_2, %dma_start3A_19] : memref<4096x16xf32, #tpu.memory_space<hbm>> -> memref<128x16xf32, #tpu.memory_space<hbm>>
      tpu.enqueue_dma source(%arg10 : memref<128x16xf32, #tpu.memory_space<vmem>>) target(%dma_start3A_20 : memref<128x16xf32, #tpu.memory_space<hbm>>) target_semaphore(%run_scoped3A : memref<!tpu.dma_semaphore, #tpu.memory_space<semaphore_mem>>)
      %dma_wait3A = arith.constant 0 : i32
      %dma_wait3A_21 = tpu.memref_slice %arg4[%mul3A_2, %dma_wait3A] : memref<4096x16xf32, #tpu.memory_space<hbm>> -> memref<128x16xf32, #tpu.memory_space<hbm>>
      %dma_wait3A_22 = arith.constant 0 : i32
      %dma_wait3A_23 = tpu.memref_slice %arg4[%mul3A_2, %dma_wait3A_22] : memref<4096x16xf32, #tpu.memory_space<hbm>> -> memref<128x16xf32, #tpu.memory_space<hbm>>
      tpu.wait_dma2 semaphore(%run_scoped3A : memref<!tpu.dma_semaphore, #tpu.memory_space<semaphore_mem>>) src(%arg10 : memref<128x16xf32, #tpu.memory_space<vmem>>) dst(%dma_wait3A_23 : memref<128x16xf32, #tpu.memory_space<hbm>>)
      tpu.yield
    }) : () -> ()
    return
  }
}

#map = affine_map<(d0, d1) -> (0, 0)>
#map1 = affine_map<(d0, d1) -> (0)>
module attributes {stable_mosaic.version = 14 : i64} {
  func.func @_sc_body(%arg0: i32, %arg1: i32, %arg2: memref<4096x2048xf32, #tpu.memory_space<hbm>>, %arg3: memref<131072xf32, #tpu.memory_space<hbm>>, %arg4: memref<4096x16xf32, #tpu.memory_space<hbm>>, %arg5: memref<8x2048xf32, #tpu.memory_space<vmem>>, %arg6: memref<8x2048xf32, #tpu.memory_space<vmem>>, %arg7: memref<4096xf32, #tpu.memory_space<vmem>>, %arg8: memref<512xf32, #tpu.memory_space<vmem>>, %arg9: memref<32xi32, #tpu.memory_space<vmem>>, %arg10: memref<128x16xf32, #tpu.memory_space<vmem>>, %arg11: memref<!tpu.dma_semaphore, #tpu.memory_space<semaphore_mem>>, %arg12: memref<!tpu.dma_semaphore, #tpu.memory_space<semaphore_mem>>) attributes {dimension_semantics = [#tpu.dimension_semantics<core_parallel>, #tpu.dimension_semantics<subcore_parallel>], iteration_bounds = array<i64: 2, 16>, scalar_prefetch = 0 : i64, scratch_operands = 8 : i64, tpu.core_type = #tpu.core_type<sc_vector_subcore>, window_params = [{transform_indices = #map}, {transform_indices = #map1}, {transform_indices = #map}]} {
    %mul3A = arith.constant 2 : i32
    %mul3A_0 = arith.muli %arg1, %mul3A : i32
    %add3A = arith.addi %mul3A_0, %arg0 : i32
    %mul3A_1 = arith.constant 128 : i32
    %mul3A_2 = arith.muli %add3A, %mul3A_1 : i32
    %iota3A = tpu.iota {dimensions = array<i32: 0>} : vector<16xi32>
    %mul3A_3 = arith.constant 32 : i32
    %mul3A_4 = arith.muli %mul3A_2, %mul3A_3 : i32
    "tpu.region"() ({
      %run_scoped3A = tpu.sem_alloc : memref<!tpu.dma_semaphore, #tpu.memory_space<semaphore_mem>>
      %dma_start3A_17 = tpu.memref_slice %arg3[%mul3A_4] : memref<131072xf32, #tpu.memory_space<hbm>> -> memref<4096xf32, #tpu.memory_space<hbm>>
      %dma_start3A_18 = tpu.memref_slice %arg3[%mul3A_4] : memref<131072xf32, #tpu.memory_space<hbm>> -> memref<4096xf32, #tpu.memory_space<hbm>>
      tpu.enqueue_dma source(%dma_start3A_18 : memref<4096xf32, #tpu.memory_space<hbm>>) target(%arg7 : memref<4096xf32, #tpu.memory_space<vmem>>) target_semaphore(%run_scoped3A : memref<!tpu.dma_semaphore, #tpu.memory_space<semaphore_mem>>)
      %dma_wait3A = tpu.memref_slice %arg3[%mul3A_4] : memref<131072xf32, #tpu.memory_space<hbm>> -> memref<4096xf32, #tpu.memory_space<hbm>>
      %dma_wait3A_19 = tpu.memref_slice %arg3[%mul3A_4] : memref<131072xf32, #tpu.memory_space<hbm>> -> memref<4096xf32, #tpu.memory_space<hbm>>
      tpu.wait_dma2 semaphore(%run_scoped3A : memref<!tpu.dma_semaphore, #tpu.memory_space<semaphore_mem>>) src(%dma_wait3A_19 : memref<4096xf32, #tpu.memory_space<hbm>>) dst(%arg7 : memref<4096xf32, #tpu.memory_space<vmem>>)
      tpu.yield
    }) : () -> ()
    %add3A_5 = arith.constant 0 : i32
    %add3A_6 = arith.addi %mul3A_2, %add3A_5 : i32
    %dma_start3A = arith.constant 0 : i32
    %dma_start3A_7 = tpu.memref_slice %arg2[%add3A_6, %dma_start3A] : memref<4096x2048xf32, #tpu.memory_space<hbm>> -> memref<8x2048xf32, #tpu.memory_space<hbm>>
    %dma_start3A_8 = arith.constant 0 : i32
    %dma_start3A_9 = tpu.memref_slice %arg2[%add3A_6, %dma_start3A_8] : memref<4096x2048xf32, #tpu.memory_space<hbm>> -> memref<8x2048xf32, #tpu.memory_space<hbm>>
    tpu.enqueue_dma source(%dma_start3A_9 : memref<8x2048xf32, #tpu.memory_space<hbm>>) target(%arg5 : memref<8x2048xf32, #tpu.memory_space<vmem>>) target_semaphore(%arg11 : memref<!tpu.dma_semaphore, #tpu.memory_space<semaphore_mem>>)
    %scan3A = arith.constant 0x7F800000 : f32
    %scan3A_10 = arith.constant 0 : i32
    %scan3A_11 = arith.constant 0 : i32
    %scan3A_12 = arith.constant 8 : i32
    %scan3A_13 = arith.addi %scan3A_11, %scan3A_12 : i32
    %scan3A_14 = arith.constant 1 : i32
    %scan3A_15 = scf.for %scan3A_17 = %scan3A_11 to %scan3A_13 step %scan3A_14 iter_args(%scan3A_18 = %scan3A_10) -> (i32)  : i32 {
      %mul3A_19 = arith.constant 2 : i32
      %mul3A_20 = arith.muli %mul3A_19, %scan3A_17 : i32
      %add3A_21 = arith.constant 1 : i32
      %add3A_22 = arith.addi %mul3A_20, %add3A_21 : i32
      %mul3A_23 = arith.constant 8 : i32
      %mul3A_24 = arith.muli %add3A_22, %mul3A_23 : i32
      %add3A_25 = arith.addi %mul3A_2, %mul3A_24 : i32
      %dma_start3A_26 = arith.constant 0 : i32
      %dma_start3A_27 = tpu.memref_slice %arg2[%add3A_25, %dma_start3A_26] : memref<4096x2048xf32, #tpu.memory_space<hbm>> -> memref<8x2048xf32, #tpu.memory_space<hbm>>
      %dma_start3A_28 = arith.constant 0 : i32
      %dma_start3A_29 = tpu.memref_slice %arg2[%add3A_25, %dma_start3A_28] : memref<4096x2048xf32, #tpu.memory_space<hbm>> -> memref<8x2048xf32, #tpu.memory_space<hbm>>
      tpu.enqueue_dma source(%dma_start3A_29 : memref<8x2048xf32, #tpu.memory_space<hbm>>) target(%arg6 : memref<8x2048xf32, #tpu.memory_space<vmem>>) target_semaphore(%arg12 : memref<!tpu.dma_semaphore, #tpu.memory_space<semaphore_mem>>)
      %dma_wait3A = arith.constant 0 : i32
      %dma_wait3A_30 = arith.constant 0 : i32
      %dma_wait3A_31 = tpu.memref_slice %arg2[%dma_wait3A, %dma_wait3A_30] : memref<4096x2048xf32, #tpu.memory_space<hbm>> -> memref<8x2048xf32, #tpu.memory_space<hbm>>
      %dma_wait3A_32 = arith.constant 0 : i32
      %dma_wait3A_33 = arith.constant 0 : i32
      %dma_wait3A_34 = tpu.memref_slice %arg2[%dma_wait3A_32, %dma_wait3A_33] : memref<4096x2048xf32, #tpu.memory_space<hbm>> -> memref<8x2048xf32, #tpu.memory_space<hbm>>
      tpu.wait_dma2 semaphore(%arg11 : memref<!tpu.dma_semaphore, #tpu.memory_space<semaphore_mem>>) src(%dma_wait3A_34 : memref<8x2048xf32, #tpu.memory_space<hbm>>) dst(%arg5 : memref<8x2048xf32, #tpu.memory_space<vmem>>)
      %mul3A_35 = arith.constant 2 : i32
      %mul3A_36 = arith.muli %mul3A_35, %scan3A_17 : i32
      %scan3A_37 = arith.constant 0 : i32
      %scan3A_38 = arith.constant 0 : i32
      %scan3A_39 = arith.constant 8 : i32
      %scan3A_40 = arith.addi %scan3A_38, %scan3A_39 : i32
      %scan3A_41 = arith.constant 1 : i32
      %scan3A_42 = scf.for %scan3A_64 = %scan3A_38 to %scan3A_40 step %scan3A_41 iter_args(%scan3A_65 = %scan3A_37) -> (i32)  : i32 {
        %mul3A_66 = arith.constant 8 : i32
        %mul3A_67 = arith.muli %mul3A_36, %mul3A_66 : i32
        %add3A_68 = arith.addi %mul3A_67, %scan3A_64 : i32
        %mul3A_69 = arith.constant 32 : i32
        %mul3A_70 = arith.muli %add3A_68, %mul3A_69 : i32
        %get3A = arith.index_cast %mul3A_70 : i32 to index
        %get3A_71 = tpu.vector_load %arg7[%get3A] {strides = array<i32>} : memref<4096xf32, #tpu.memory_space<vmem>>, vector<16xf32>,
        %mul3A_72 = arith.constant 32 : i32
        %mul3A_73 = arith.muli %add3A_68, %mul3A_72 : i32
        %add3A_74 = arith.constant 16 : i32
        %add3A_75 = arith.addi %mul3A_73, %add3A_74 : i32
        %get3A_76 = arith.index_cast %add3A_75 : i32 to index
        %get3A_77 = tpu.vector_load %arg7[%get3A_76] {strides = array<i32>} : memref<4096xf32, #tpu.memory_space<vmem>>, vector<16xf32>,
        %masked_sort3A = arith.constant dense<true> : vector<16xi1>
        %masked_sort3A_78, %masked_sort3A_79, %masked_sort3A_80 = tpu.sort %get3A_71, %get3A_71 masked %masked_sort3A : (vector<16xf32>, vector<16xf32>, vector<16xi1>) -> (vector<16xi1>, vector<16xf32>, vector<16xf32>)
        %masked_sort3A_81 = arith.constant dense<true> : vector<16xi1>
        %masked_sort3A_82, %masked_sort3A_83, %masked_sort3A_84 = tpu.sort %get3A_77, %get3A_77 masked %masked_sort3A_81 {descending = true} : (vector<16xf32>, vector<16xf32>, vector<16xi1>) -> (vector<16xi1>, vector<16xf32>, vector<16xf32>)
        %min3A = arith.minimumf %masked_sort3A_79, %masked_sort3A_83 : vector<16xf32>
        %masked_sort3A_85 = arith.constant dense<true> : vector<16xi1>
        %masked_sort3A_86, %masked_sort3A_87, %masked_sort3A_88 = tpu.sort %min3A, %min3A masked %masked_sort3A_85 : (vector<16xf32>, vector<16xf32>, vector<16xi1>) -> (vector<16xi1>, vector<16xf32>, vector<16xf32>)
        %eq3A = arith.constant 10 : i32
        %eq3A_89 = vector.broadcast %eq3A : i32 to vector<16xi32>
        %eq3A_90 = arith.cmpi eq, %iota3A, %eq3A_89 : vector<16xi32>
        %neg3A = arith.constant 0.000000e+00 : f32
        %neg3A_91 = arith.subf %neg3A, %scan3A : f32
        %broadcast_in_dim3A = vector.broadcast %neg3A_91 : f32 to vector<16xf32>
        %select_n3A = arith.select %eq3A_90, %masked_sort3A_87, %broadcast_in_dim3A : vector<16xi1>, vector<16xf32>
        %reduce_max3A = arith.constant true
        %reduce_max3A_92 = vector.broadcast %reduce_max3A : i1 to vector<16xi1>
        %reduce_max3A_93 = tpu.scan <max>, %select_n3A masked %reduce_max3A_92 : vector<16xf32>, vector<16xi1> -> vector<16xf32>
        %reduce_max3A_94 = vector.extract %reduce_max3A_93[15] : f32 from vector<16xf32>
        %le3A = vector.broadcast %reduce_max3A_94 : f32 to vector<16xf32>
        %le3A_95 = arith.cmpf ole, %get3A_71, %le3A : vector<16xf32>
        %le3A_96 = vector.broadcast %reduce_max3A_94 : f32 to vector<16xf32>
        %le3A_97 = arith.cmpf ole, %get3A_77, %le3A_96 : vector<16xf32>
        %jit3A = arith.constant 1 : i32
        %jit3A_98 = arith.constant 0 : i32
        %broadcast_in_dim3A_99 = vector.broadcast %jit3A : i32 to vector<16xi32>
        %broadcast_in_dim3A_100 = vector.broadcast %jit3A_98 : i32 to vector<16xi32>
        %select_n3A_101 = arith.select %le3A_95, %broadcast_in_dim3A_99, %broadcast_in_dim3A_100 : vector<16xi1>, vector<16xi32>
        %broadcast_in_dim3A_102 = arith.constant true
        %broadcast_in_dim3A_103 = vector.broadcast %broadcast_in_dim3A_102 : i1 to vector<16xi1>
        %masked_cumsum3A = tpu.scan <sum>, %select_n3A_101 masked %broadcast_in_dim3A_103 : vector<16xi32>, vector<16xi1> -> vector<16xi32>
        %sub3A = arith.constant 1 : i32
        %sub3A_104 = vector.broadcast %sub3A : i32 to vector<16xi32>
        %sub3A_105 = arith.subi %masked_cumsum3A, %sub3A_104 : vector<16xi32>
        tpu.vector_store_idx %arg9[%sub3A_105], %iota3A masked %le3A_95 : memref<32xi32, #tpu.memory_space<vmem>>[vector<16xi32>], vector<16xi32>, vector<16xi1>
        %reduce_max3A_106 = arith.constant true
        %reduce_max3A_107 = vector.broadcast %reduce_max3A_106 : i1 to vector<16xi1>
        %reduce_max3A_108 = arith.constant -2147483648 : i32
        %reduce_max3A_109 = vector.broadcast %reduce_max3A_108 : i32 to vector<16xi32>
        %reduce_max3A_110 = arith.xori %sub3A_105, %reduce_max3A_109 : vector<16xi32>
        %reduce_max3A_111 = tpu.scan <max>, %reduce_max3A_110 masked %reduce_max3A_107 : vector<16xi32>, vector<16xi1> -> vector<16xi32>
        %reduce_max3A_112 = arith.xori %reduce_max3A_111, %reduce_max3A_109 : vector<16xi32>
        %reduce_max3A_113 = vector.extract %reduce_max3A_112[15] : i32 from vector<16xi32>
        %add3A_114 = arith.constant 1 : i32
        %add3A_115 = arith.addi %reduce_max3A_113, %add3A_114 : i32
        %jit3A_116 = arith.constant 1 : i32
        %jit3A_117 = arith.constant 0 : i32
        %broadcast_in_dim3A_118 = vector.broadcast %jit3A_116 : i32 to vector<16xi32>
        %broadcast_in_dim3A_119 = vector.broadcast %jit3A_117 : i32 to vector<16xi32>
        %select_n3A_120 = arith.select %le3A_97, %broadcast_in_dim3A_118, %broadcast_in_dim3A_119 : vector<16xi1>, vector<16xi32>
        %broadcast_in_dim3A_121 = arith.constant true
        %broadcast_in_dim3A_122 = vector.broadcast %broadcast_in_dim3A_121 : i1 to vector<16xi1>
        %masked_cumsum3A_123 = tpu.scan <sum>, %select_n3A_120 masked %broadcast_in_dim3A_122 : vector<16xi32>, vector<16xi1> -> vector<16xi32>
        %sub3A_124 = arith.constant 1 : i32
        %sub3A_125 = vector.broadcast %sub3A_124 : i32 to vector<16xi32>
        %sub3A_126 = arith.subi %masked_cumsum3A_123, %sub3A_125 : vector<16xi32>
        %add3A_127 = vector.broadcast %add3A_115 : i32 to vector<16xi32>
        %add3A_128 = arith.addi %sub3A_126, %add3A_127 : vector<16xi32>
        %add3A_129 = arith.constant 16 : i32
        %add3A_130 = vector.broadcast %add3A_129 : i32 to vector<16xi32>
        %add3A_131 = arith.addi %iota3A, %add3A_130 : vector<16xi32>
        tpu.vector_store_idx %arg9[%add3A_128], %add3A_131 masked %le3A_97 : memref<32xi32, #tpu.memory_space<vmem>>[vector<16xi32>], vector<16xi32>, vector<16xi1>
        %reduce_max3A_132 = arith.constant true
        %reduce_max3A_133 = vector.broadcast %reduce_max3A_132 : i1 to vector<16xi1>
        %reduce_max3A_134 = arith.constant -2147483648 : i32
        %reduce_max3A_135 = vector.broadcast %reduce_max3A_134 : i32 to vector<16xi32>
        %reduce_max3A_136 = arith.xori %add3A_128, %reduce_max3A_135 : vector<16xi32>
        %reduce_max3A_137 = tpu.scan <max>, %reduce_max3A_136 masked %reduce_max3A_133 : vector<16xi32>, vector<16xi1> -> vector<16xi32>
        %reduce_max3A_138 = arith.xori %reduce_max3A_137, %reduce_max3A_135 : vector<16xi32>
        %reduce_max3A_139 = vector.extract %reduce_max3A_138[15] : i32 from vector<16xi32>
        %add3A_140 = arith.constant 1 : i32
        %add3A_141 = arith.addi %reduce_max3A_139, %add3A_140 : i32
        %get3A_142 = arith.constant 0 : index
        %get3A_143 = tpu.vector_load %arg9[%get3A_142] {strides = array<i32>} : memref<32xi32, #tpu.memory_space<vmem>>, vector<16xi32>,
        %get3A_144 = arith.constant 16 : index
        %get3A_145 = tpu.vector_load %arg9[%get3A_144] {strides = array<i32>} : memref<32xi32, #tpu.memory_space<vmem>>, vector<16xi32>,
        %broadcast_in_dim3A_146 = arith.constant 0 : i32
        %broadcast_in_dim3A_147 = vector.broadcast %broadcast_in_dim3A_146 : i32 to vector<16xi32>
        %parallel_loop3A = arith.constant 0 : i32
        %parallel_loop3A_148 = arith.constant 1 : i32
        %parallel_loop3A_149 = scf.for %parallel_loop3A_174 = %parallel_loop3A to %add3A_141 step %parallel_loop3A_148 iter_args(%parallel_loop3A_175 = %broadcast_in_dim3A_147) -> (vector<16xi32>)  : i32 {
          %parallel_loop3A_176 = arith.constant 16 : i32
          %parallel_loop3A_177 = arith.cmpi slt, %parallel_loop3A_174, %parallel_loop3A_176 : i32
          %parallel_loop3A_178 = arith.select %parallel_loop3A_177, %get3A_143, %get3A_145 : vector<16xi32>
          %parallel_loop3A_179 = arith.constant 15 : i32
          %parallel_loop3A_180 = arith.andi %parallel_loop3A_174, %parallel_loop3A_179 : i32
          %parallel_loop3A_181 = vector.broadcast %parallel_loop3A_180 : i32 to vector<16xi32>
          %parallel_loop3A_182 = arith.cmpi eq, %iota3A, %parallel_loop3A_181 : vector<16xi32>
          %parallel_loop3A_183 = arith.constant 0 : i32
          %parallel_loop3A_184 = vector.broadcast %parallel_loop3A_183 : i32 to vector<16xi32>
          %parallel_loop3A_185 = arith.select %parallel_loop3A_182, %parallel_loop3A_178, %parallel_loop3A_184 : vector<16xi1>, vector<16xi32>
          %parallel_loop3A_186 = arith.constant true
          %parallel_loop3A_187 = vector.broadcast %parallel_loop3A_186 : i1 to vector<16xi1>
          %parallel_loop3A_188 = tpu.scan <sum>, %parallel_loop3A_185 masked %parallel_loop3A_187 : vector<16xi32>, vector<16xi1> -> vector<16xi32>
          %parallel_loop3A_189 = vector.extract %parallel_loop3A_188[15] : i32 from vector<16xi32>
          %parallel_loop3A_190 = arith.constant 64 : i32
          %parallel_loop3A_191 = arith.muli %parallel_loop3A_189, %parallel_loop3A_190 : i32
          %parallel_loop3A_192 = arith.constant 0 : i32
          %parallel_loop3A_193 = arith.addi %parallel_loop3A_191, %parallel_loop3A_192 : i32
          %parallel_loop3A_194 = arith.index_cast %scan3A_64 : i32 to index
          %parallel_loop3A_195 = arith.index_cast %parallel_loop3A_193 : i32 to index
          %parallel_loop3A_196 = tpu.vector_load %arg5[%parallel_loop3A_194, %parallel_loop3A_195] {strides = array<i32>} : memref<8x2048xf32, #tpu.memory_space<vmem>>, vector<16xf32>,
          %parallel_loop3A_197 = vector.bitcast %parallel_loop3A_196 : vector<16xf32> to vector<32xbf16>
          %parallel_loop3A_198 = tpu.unpack_subelements %parallel_loop3A_197, 0 {pack_format = #tpu.pack_format<interleaved>} : vector<32xbf16> -> vector<16xf32>
          %parallel_loop3A_199 = tpu.unpack_subelements %parallel_loop3A_197, 1 {pack_format = #tpu.pack_format<interleaved>} : vector<32xbf16> -> vector<16xf32>
          %parallel_loop3A_200 = vector.broadcast %reduce_max3A_94 : f32 to vector<16xf32>
          %parallel_loop3A_201 = arith.cmpf ole, %parallel_loop3A_198, %parallel_loop3A_200 : vector<16xf32>
          %parallel_loop3A_202 = arith.constant 32 : i32
          %parallel_loop3A_203 = vector.broadcast %parallel_loop3A_202 : i32 to vector<16xi32>
          %parallel_loop3A_204 = arith.muli %iota3A, %parallel_loop3A_203 : vector<16xi32>
          %parallel_loop3A_205 = arith.constant 31 : i32
          %parallel_loop3A_206 = vector.broadcast %parallel_loop3A_205 : i32 to vector<16xi32>
          %parallel_loop3A_207 = arith.minsi %parallel_loop3A_175, %parallel_loop3A_206 : vector<16xi32>
          %parallel_loop3A_208 = arith.addi %parallel_loop3A_204, %parallel_loop3A_207 : vector<16xi32>
          %parallel_loop3A_209 = arith.constant 32 : i32
          %parallel_loop3A_210 = vector.broadcast %parallel_loop3A_209 : i32 to vector<16xi32>
          %parallel_loop3A_211 = arith.cmpi slt, %parallel_loop3A_175, %parallel_loop3A_210 : vector<16xi32>
          %parallel_loop3A_212 = arith.andi %parallel_loop3A_201, %parallel_loop3A_211 : vector<16xi1>
          tpu.vector_store_idx %arg8[%parallel_loop3A_208], %parallel_loop3A_198 masked %parallel_loop3A_212 : memref<512xf32, #tpu.memory_space<vmem>>[vector<16xi32>], vector<16xf32>, vector<16xi1>
          %parallel_loop3A_213 = arith.constant 1 : i32
          %parallel_loop3A_214 = arith.constant 0 : i32
          %parallel_loop3A_215 = vector.broadcast %parallel_loop3A_213 : i32 to vector<16xi32>
          %parallel_loop3A_216 = vector.broadcast %parallel_loop3A_214 : i32 to vector<16xi32>
          %parallel_loop3A_217 = arith.select %parallel_loop3A_201, %parallel_loop3A_215, %parallel_loop3A_216 : vector<16xi1>, vector<16xi32>
          %parallel_loop3A_218 = arith.addi %parallel_loop3A_175, %parallel_loop3A_217 : vector<16xi32>
          %parallel_loop3A_219 = vector.broadcast %reduce_max3A_94 : f32 to vector<16xf32>
          %parallel_loop3A_220 = arith.cmpf ole, %parallel_loop3A_199, %parallel_loop3A_219 : vector<16xf32>
          %parallel_loop3A_221 = arith.constant 32 : i32
          %parallel_loop3A_222 = vector.broadcast %parallel_loop3A_221 : i32 to vector<16xi32>
          %parallel_loop3A_223 = arith.muli %iota3A, %parallel_loop3A_222 : vector<16xi32>
          %parallel_loop3A_224 = arith.constant 31 : i32
          %parallel_loop3A_225 = vector.broadcast %parallel_loop3A_224 : i32 to vector<16xi32>
          %parallel_loop3A_226 = arith.minsi %parallel_loop3A_218, %parallel_loop3A_225 : vector<16xi32>
          %parallel_loop3A_227 = arith.addi %parallel_loop3A_223, %parallel_loop3A_226 : vector<16xi32>
          %parallel_loop3A_228 = arith.constant 32 : i32
          %parallel_loop3A_229 = vector.broadcast %parallel_loop3A_228 : i32 to vector<16xi32>
          %parallel_loop3A_230 = arith.cmpi slt, %parallel_loop3A_218, %parallel_loop3A_229 : vector<16xi32>
          %parallel_loop3A_231 = arith.andi %parallel_loop3A_220, %parallel_loop3A_230 : vector<16xi1>
          tpu.vector_store_idx %arg8[%parallel_loop3A_227], %parallel_loop3A_199 masked %parallel_loop3A_231 : memref<512xf32, #tpu.memory_space<vmem>>[vector<16xi32>], vector<16xf32>, vector<16xi1>
          %parallel_loop3A_232 = arith.constant 1 : i32
          %parallel_loop3A_233 = arith.constant 0 : i32
          %parallel_loop3A_234 = vector.broadcast %parallel_loop3A_232 : i32 to vector<16xi32>
          %parallel_loop3A_235 = vector.broadcast %parallel_loop3A_233 : i32 to vector<16xi32>
          %parallel_loop3A_236 = arith.select %parallel_loop3A_220, %parallel_loop3A_234, %parallel_loop3A_235 : vector<16xi1>, vector<16xi32>
          %parallel_loop3A_237 = arith.addi %parallel_loop3A_218, %parallel_loop3A_236 : vector<16xi32>
          %parallel_loop3A_238 = arith.constant 16 : i32
          %parallel_loop3A_239 = arith.addi %parallel_loop3A_191, %parallel_loop3A_238 : i32
          %parallel_loop3A_240 = arith.index_cast %scan3A_64 : i32 to index
          %parallel_loop3A_241 = arith.index_cast %parallel_loop3A_239 : i32 to index
          %parallel_loop3A_242 = tpu.vector_load %arg5[%parallel_loop3A_240, %parallel_loop3A_241] {strides = array<i32>} : memref<8x2048xf32, #tpu.memory_space<vmem>>, vector<16xf32>,
          %parallel_loop3A_243 = vector.bitcast %parallel_loop3A_242 : vector<16xf32> to vector<32xbf16>
          %parallel_loop3A_244 = tpu.unpack_subelements %parallel_loop3A_243, 0 {pack_format = #tpu.pack_format<interleaved>} : vector<32xbf16> -> vector<16xf32>
          %parallel_loop3A_245 = tpu.unpack_subelements %parallel_loop3A_243, 1 {pack_format = #tpu.pack_format<interleaved>} : vector<32xbf16> -> vector<16xf32>
          %parallel_loop3A_246 = vector.broadcast %reduce_max3A_94 : f32 to vector<16xf32>
          %parallel_loop3A_247 = arith.cmpf ole, %parallel_loop3A_244, %parallel_loop3A_246 : vector<16xf32>
          %parallel_loop3A_248 = arith.constant 32 : i32
          %parallel_loop3A_249 = vector.broadcast %parallel_loop3A_248 : i32 to vector<16xi32>
          %parallel_loop3A_250 = arith.muli %iota3A, %parallel_loop3A_249 : vector<16xi32>
          %parallel_loop3A_251 = arith.constant 31 : i32
          %parallel_loop3A_252 = vector.broadcast %parallel_loop3A_251 : i32 to vector<16xi32>
          %parallel_loop3A_253 = arith.minsi %parallel_loop3A_237, %parallel_loop3A_252 : vector<16xi32>
          %parallel_loop3A_254 = arith.addi %parallel_loop3A_250, %parallel_loop3A_253 : vector<16xi32>
          %parallel_loop3A_255 = arith.constant 32 : i32
          %parallel_loop3A_256 = vector.broadcast %parallel_loop3A_255 : i32 to vector<16xi32>
          %parallel_loop3A_257 = arith.cmpi slt, %parallel_loop3A_237, %parallel_loop3A_256 : vector<16xi32>
          %parallel_loop3A_258 = arith.andi %parallel_loop3A_247, %parallel_loop3A_257 : vector<16xi1>
          tpu.vector_store_idx %arg8[%parallel_loop3A_254], %parallel_loop3A_244 masked %parallel_loop3A_258 : memref<512xf32, #tpu.memory_space<vmem>>[vector<16xi32>], vector<16xf32>, vector<16xi1>
          %parallel_loop3A_259 = arith.constant 1 : i32
          %parallel_loop3A_260 = arith.constant 0 : i32
          %parallel_loop3A_261 = vector.broadcast %parallel_loop3A_259 : i32 to vector<16xi32>
          %parallel_loop3A_262 = vector.broadcast %parallel_loop3A_260 : i32 to vector<16xi32>
          %parallel_loop3A_263 = arith.select %parallel_loop3A_247, %parallel_loop3A_261, %parallel_loop3A_262 : vector<16xi1>, vector<16xi32>
          %parallel_loop3A_264 = arith.addi %parallel_loop3A_237, %parallel_loop3A_263 : vector<16xi32>
          %parallel_loop3A_265 = vector.broadcast %reduce_max3A_94 : f32 to vector<16xf32>
          %parallel_loop3A_266 = arith.cmpf ole, %parallel_loop3A_245, %parallel_loop3A_265 : vector<16xf32>
          %parallel_loop3A_267 = arith.constant 32 : i32
          %parallel_loop3A_268 = vector.broadcast %parallel_loop3A_267 : i32 to vector<16xi32>
          %parallel_loop3A_269 = arith.muli %iota3A, %parallel_loop3A_268 : vector<16xi32>
          %parallel_loop3A_270 = arith.constant 31 : i32
          %parallel_loop3A_271 = vector.broadcast %parallel_loop3A_270 : i32 to vector<16xi32>
          %parallel_loop3A_272 = arith.minsi %parallel_loop3A_264, %parallel_loop3A_271 : vector<16xi32>
          %parallel_loop3A_273 = arith.addi %parallel_loop3A_269, %parallel_loop3A_272 : vector<16xi32>
          %parallel_loop3A_274 = arith.constant 32 : i32
          %parallel_loop3A_275 = vector.broadcast %parallel_loop3A_274 : i32 to vector<16xi32>
          %parallel_loop3A_276 = arith.cmpi slt, %parallel_loop3A_264, %parallel_loop3A_275 : vector<16xi32>
          %parallel_loop3A_277 = arith.andi %parallel_loop3A_266, %parallel_loop3A_276 : vector<16xi1>
          tpu.vector_store_idx %arg8[%parallel_loop3A_273], %parallel_loop3A_245 masked %parallel_loop3A_277 : memref<512xf32, #tpu.memory_space<vmem>>[vector<16xi32>], vector<16xf32>, vector<16xi1>
          %parallel_loop3A_278 = arith.constant 1 : i32
          %parallel_loop3A_279 = arith.constant 0 : i32
          %parallel_loop3A_280 = vector.broadcast %parallel_loop3A_278 : i32 to vector<16xi32>
          %parallel_loop3A_281 = vector.broadcast %parallel_loop3A_279 : i32 to vector<16xi32>
          %parallel_loop3A_282 = arith.select %parallel_loop3A_266, %parallel_loop3A_280, %parallel_loop3A_281 : vector<16xi1>, vector<16xi32>
          %parallel_loop3A_283 = arith.addi %parallel_loop3A_264, %parallel_loop3A_282 : vector<16xi32>
          %parallel_loop3A_284 = arith.constant 32 : i32
          %parallel_loop3A_285 = arith.addi %parallel_loop3A_191, %parallel_loop3A_284 : i32
          %parallel_loop3A_286 = arith.index_cast %scan3A_64 : i32 to index
          %parallel_loop3A_287 = arith.index_cast %parallel_loop3A_285 : i32 to index
          %parallel_loop3A_288 = tpu.vector_load %arg5[%parallel_loop3A_286, %parallel_loop3A_287] {strides = array<i32>} : memref<8x2048xf32, #tpu.memory_space<vmem>>, vector<16xf32>,
          %parallel_loop3A_289 = vector.bitcast %parallel_loop3A_288 : vector<16xf32> to vector<32xbf16>
          %parallel_loop3A_290 = tpu.unpack_subelements %parallel_loop3A_289, 0 {pack_format = #tpu.pack_format<interleaved>} : vector<32xbf16> -> vector<16xf32>
          %parallel_loop3A_291 = tpu.unpack_subelements %parallel_loop3A_289, 1 {pack_format = #tpu.pack_format<interleaved>} : vector<32xbf16> -> vector<16xf32>
          %parallel_loop3A_292 = vector.broadcast %reduce_max3A_94 : f32 to vector<16xf32>
          %parallel_loop3A_293 = arith.cmpf ole, %parallel_loop3A_290, %parallel_loop3A_292 : vector<16xf32>
          %parallel_loop3A_294 = arith.constant 32 : i32
          %parallel_loop3A_295 = vector.broadcast %parallel_loop3A_294 : i32 to vector<16xi32>
          %parallel_loop3A_296 = arith.muli %iota3A, %parallel_loop3A_295 : vector<16xi32>
          %parallel_loop3A_297 = arith.constant 31 : i32
          %parallel_loop3A_298 = vector.broadcast %parallel_loop3A_297 : i32 to vector<16xi32>
          %parallel_loop3A_299 = arith.minsi %parallel_loop3A_283, %parallel_loop3A_298 : vector<16xi32>
          %parallel_loop3A_300 = arith.addi %parallel_loop3A_296, %parallel_loop3A_299 : vector<16xi32>
          %parallel_loop3A_301 = arith.constant 32 : i32
          %parallel_loop3A_302 = vector.broadcast %parallel_loop3A_301 : i32 to vector<16xi32>
          %parallel_loop3A_303 = arith.cmpi slt, %parallel_loop3A_283, %parallel_loop3A_302 : vector<16xi32>
          %parallel_loop3A_304 = arith.andi %parallel_loop3A_293, %parallel_loop3A_303 : vector<16xi1>
          tpu.vector_store_idx %arg8[%parallel_loop3A_300], %parallel_loop3A_290 masked %parallel_loop3A_304 : memref<512xf32, #tpu.memory_space<vmem>>[vector<16xi32>], vector<16xf32>, vector<16xi1>
          %parallel_loop3A_305 = arith.constant 1 : i32
          %parallel_loop3A_306 = arith.constant 0 : i32
          %parallel_loop3A_307 = vector.broadcast %parallel_loop3A_305 : i32 to vector<16xi32>
          %parallel_loop3A_308 = vector.broadcast %parallel_loop3A_306 : i32 to vector<16xi32>
          %parallel_loop3A_309 = arith.select %parallel_loop3A_293, %parallel_loop3A_307, %parallel_loop3A_308 : vector<16xi1>, vector<16xi32>
          %parallel_loop3A_310 = arith.addi %parallel_loop3A_283, %parallel_loop3A_309 : vector<16xi32>
          %parallel_loop3A_311 = vector.broadcast %reduce_max3A_94 : f32 to vector<16xf32>
          %parallel_loop3A_312 = arith.cmpf ole, %parallel_loop3A_291, %parallel_loop3A_311 : vector<16xf32>
          %parallel_loop3A_313 = arith.constant 32 : i32
          %parallel_loop3A_314 = vector.broadcast %parallel_loop3A_313 : i32 to vector<16xi32>
          %parallel_loop3A_315 = arith.muli %iota3A, %parallel_loop3A_314 : vector<16xi32>
          %parallel_loop3A_316 = arith.constant 31 : i32
          %parallel_loop3A_317 = vector.broadcast %parallel_loop3A_316 : i32 to vector<16xi32>
          %parallel_loop3A_318 = arith.minsi %parallel_loop3A_310, %parallel_loop3A_317 : vector<16xi32>
          %parallel_loop3A_319 = arith.addi %parallel_loop3A_315, %parallel_loop3A_318 : vector<16xi32>
          %parallel_loop3A_320 = arith.constant 32 : i32
          %parallel_loop3A_321 = vector.broadcast %parallel_loop3A_320 : i32 to vector<16xi32>
          %parallel_loop3A_322 = arith.cmpi slt, %parallel_loop3A_310, %parallel_loop3A_321 : vector<16xi32>
          %parallel_loop3A_323 = arith.andi %parallel_loop3A_312, %parallel_loop3A_322 : vector<16xi1>
          tpu.vector_store_idx %arg8[%parallel_loop3A_319], %parallel_loop3A_291 masked %parallel_loop3A_323 : memref<512xf32, #tpu.memory_space<vmem>>[vector<16xi32>], vector<16xf32>, vector<16xi1>
          %parallel_loop3A_324 = arith.constant 1 : i32
          %parallel_loop3A_325 = arith.constant 0 : i32
          %parallel_loop3A_326 = vector.broadcast %parallel_loop3A_324 : i32 to vector<16xi32>
          %parallel_loop3A_327 = vector.broadcast %parallel_loop3A_325 : i32 to vector<16xi32>
          %parallel_loop3A_328 = arith.select %parallel_loop3A_312, %parallel_loop3A_326, %parallel_loop3A_327 : vector<16xi1>, vector<16xi32>
          %parallel_loop3A_329 = arith.addi %parallel_loop3A_310, %parallel_loop3A_328 : vector<16xi32>
          %parallel_loop3A_330 = arith.constant 48 : i32
          %parallel_loop3A_331 = arith.addi %parallel_loop3A_191, %parallel_loop3A_330 : i32
          %parallel_loop3A_332 = arith.index_cast %scan3A_64 : i32 to index
          %parallel_loop3A_333 = arith.index_cast %parallel_loop3A_331 : i32 to index
          %parallel_loop3A_334 = tpu.vector_load %arg5[%parallel_loop3A_332, %parallel_loop3A_333] {strides = array<i32>} : memref<8x2048xf32, #tpu.memory_space<vmem>>, vector<16xf32>,
          %parallel_loop3A_335 = vector.bitcast %parallel_loop3A_334 : vector<16xf32> to vector<32xbf16>
          %parallel_loop3A_336 = tpu.unpack_subelements %parallel_loop3A_335, 0 {pack_format = #tpu.pack_format<interleaved>} : vector<32xbf16> -> vector<16xf32>
          %parallel_loop3A_337 = tpu.unpack_subelements %parallel_loop3A_335, 1 {pack_format = #tpu.pack_format<interleaved>} : vector<32xbf16> -> vector<16xf32>
          %parallel_loop3A_338 = vector.broadcast %reduce_max3A_94 : f32 to vector<16xf32>
          %parallel_loop3A_339 = arith.cmpf ole, %parallel_loop3A_336, %parallel_loop3A_338 : vector<16xf32>
          %parallel_loop3A_340 = arith.constant 32 : i32
          %parallel_loop3A_341 = vector.broadcast %parallel_loop3A_340 : i32 to vector<16xi32>
          %parallel_loop3A_342 = arith.muli %iota3A, %parallel_loop3A_341 : vector<16xi32>
          %parallel_loop3A_343 = arith.constant 31 : i32
          %parallel_loop3A_344 = vector.broadcast %parallel_loop3A_343 : i32 to vector<16xi32>
          %parallel_loop3A_345 = arith.minsi %parallel_loop3A_329, %parallel_loop3A_344 : vector<16xi32>
          %parallel_loop3A_346 = arith.addi %parallel_loop3A_342, %parallel_loop3A_345 : vector<16xi32>
          %parallel_loop3A_347 = arith.constant 32 : i32
          %parallel_loop3A_348 = vector.broadcast %parallel_loop3A_347 : i32 to vector<16xi32>
          %parallel_loop3A_349 = arith.cmpi slt, %parallel_loop3A_329, %parallel_loop3A_348 : vector<16xi32>
          %parallel_loop3A_350 = arith.andi %parallel_loop3A_339, %parallel_loop3A_349 : vector<16xi1>
          tpu.vector_store_idx %arg8[%parallel_loop3A_346], %parallel_loop3A_336 masked %parallel_loop3A_350 : memref<512xf32, #tpu.memory_space<vmem>>[vector<16xi32>], vector<16xf32>, vector<16xi1>
          %parallel_loop3A_351 = arith.constant 1 : i32
          %parallel_loop3A_352 = arith.constant 0 : i32
          %parallel_loop3A_353 = vector.broadcast %parallel_loop3A_351 : i32 to vector<16xi32>
          %parallel_loop3A_354 = vector.broadcast %parallel_loop3A_352 : i32 to vector<16xi32>
          %parallel_loop3A_355 = arith.select %parallel_loop3A_339, %parallel_loop3A_353, %parallel_loop3A_354 : vector<16xi1>, vector<16xi32>
          %parallel_loop3A_356 = arith.addi %parallel_loop3A_329, %parallel_loop3A_355 : vector<16xi32>
          %parallel_loop3A_357 = vector.broadcast %reduce_max3A_94 : f32 to vector<16xf32>
          %parallel_loop3A_358 = arith.cmpf ole, %parallel_loop3A_337, %parallel_loop3A_357 : vector<16xf32>
          %parallel_loop3A_359 = arith.constant 32 : i32
          %parallel_loop3A_360 = vector.broadcast %parallel_loop3A_359 : i32 to vector<16xi32>
          %parallel_loop3A_361 = arith.muli %iota3A, %parallel_loop3A_360 : vector<16xi32>
          %parallel_loop3A_362 = arith.constant 31 : i32
          %parallel_loop3A_363 = vector.broadcast %parallel_loop3A_362 : i32 to vector<16xi32>
          %parallel_loop3A_364 = arith.minsi %parallel_loop3A_356, %parallel_loop3A_363 : vector<16xi32>
          %parallel_loop3A_365 = arith.addi %parallel_loop3A_361, %parallel_loop3A_364 : vector<16xi32>
          %parallel_loop3A_366 = arith.constant 32 : i32
          %parallel_loop3A_367 = vector.broadcast %parallel_loop3A_366 : i32 to vector<16xi32>
          %parallel_loop3A_368 = arith.cmpi slt, %parallel_loop3A_356, %parallel_loop3A_367 : vector<16xi32>
          %parallel_loop3A_369 = arith.andi %parallel_loop3A_358, %parallel_loop3A_368 : vector<16xi1>
          tpu.vector_store_idx %arg8[%parallel_loop3A_365], %parallel_loop3A_337 masked %parallel_loop3A_369 : memref<512xf32, #tpu.memory_space<vmem>>[vector<16xi32>], vector<16xf32>, vector<16xi1>
          %parallel_loop3A_370 = arith.constant 1 : i32
          %parallel_loop3A_371 = arith.constant 0 : i32
          %parallel_loop3A_372 = vector.broadcast %parallel_loop3A_370 : i32 to vector<16xi32>
          %parallel_loop3A_373 = vector.broadcast %parallel_loop3A_371 : i32 to vector<16xi32>
          %parallel_loop3A_374 = arith.select %parallel_loop3A_358, %parallel_loop3A_372, %parallel_loop3A_373 : vector<16xi1>, vector<16xi32>
          %parallel_loop3A_375 = arith.addi %parallel_loop3A_356, %parallel_loop3A_374 : vector<16xi32>
          scf.yield %parallel_loop3A_375 : vector<16xi32>
        } {sc.loop_unroll_factor = 1 : i64, sc.parallel_access}
        %reduce_max3A_150 = arith.constant true
        %reduce_max3A_151 = vector.broadcast %reduce_max3A_150 : i1 to vector<16xi1>
        %reduce_max3A_152 = arith.constant -2147483648 : i32
        %reduce_max3A_153 = vector.broadcast %reduce_max3A_152 : i32 to vector<16xi32>
        %reduce_max3A_154 = arith.xori %parallel_loop3A_149, %reduce_max3A_153 : vector<16xi32>
        %reduce_max3A_155 = tpu.scan <max>, %reduce_max3A_154 masked %reduce_max3A_151 : vector<16xi32>, vector<16xi1> -> vector<16xi32>
        %reduce_max3A_156 = arith.xori %reduce_max3A_155, %reduce_max3A_153 : vector<16xi32>
        %reduce_max3A_157 = vector.extract %reduce_max3A_156[15] : i32 from vector<16xi32>
        %min3A_158 = arith.constant 32 : i32
        %min3A_159 = arith.minsi %reduce_max3A_157, %min3A_158 : i32
        %broadcast_in_dim3A_160 = vector.broadcast %scan3A : f32 to vector<16xf32>
        %while3A = arith.constant 0 : i32
        %while3A_161 = arith.subi %min3A_159, %while3A : i32
        %while3A_162 = arith.addi %while3A, %while3A_161 : i32
        %while3A_163 = arith.constant 1 : i32
        %while3A_164 = arith.divsi %while3A_161, %while3A_163 : i32
        %while3A_165 = arith.muli %while3A_164, %while3A_163 : i32
        %while3A_166 = arith.addi %while3A, %while3A_165 : i32
        %while3A_167 = arith.constant 1 : i32
        %while3A_168 = scf.for %while3A_174 = %while3A to %while3A_166 step %while3A_167 iter_args(%while3A_175 = %broadcast_in_dim3A_160) -> (vector<16xf32>)  : i32 {
          %mul3A_176 = arith.constant 32 : i32
          %mul3A_177 = vector.broadcast %mul3A_176 : i32 to vector<16xi32>
          %mul3A_178 = arith.muli %iota3A, %mul3A_177 : vector<16xi32>
          %add3A_179 = vector.broadcast %while3A_174 : i32 to vector<16xi32>
          %add3A_180 = arith.addi %mul3A_178, %add3A_179 : vector<16xi32>
          %gather3A = tpu.vector_load_idx %arg8[%add3A_180] : memref<512xf32, #tpu.memory_space<vmem>>[vector<16xi32>], vector<16xf32>,
          %gt3A = vector.broadcast %while3A_174 : i32 to vector<16xi32>
          %gt3A_181 = arith.cmpi sgt, %parallel_loop3A_149, %gt3A : vector<16xi32>
          %broadcast_in_dim3A_182 = vector.broadcast %scan3A : f32 to vector<16xf32>
          %select_n3A_183 = arith.select %gt3A_181, %gather3A, %broadcast_in_dim3A_182 : vector<16xi1>, vector<16xf32>
          %masked_sort3A_184 = arith.constant dense<true> : vector<16xi1>
          %masked_sort3A_185, %masked_sort3A_186, %masked_sort3A_187 = tpu.sort %select_n3A_183, %select_n3A_183 masked %masked_sort3A_184 {descending = true} : (vector<16xf32>, vector<16xf32>, vector<16xi1>) -> (vector<16xi1>, vector<16xf32>, vector<16xf32>)
          %min3A_188 = arith.minimumf %while3A_175, %masked_sort3A_186 : vector<16xf32>
          %masked_sort3A_189 = arith.constant dense<true> : vector<16xi1>
          %masked_sort3A_190, %masked_sort3A_191, %masked_sort3A_192 = tpu.sort %min3A_188, %min3A_188 masked %masked_sort3A_189 : (vector<16xf32>, vector<16xf32>, vector<16xi1>) -> (vector<16xi1>, vector<16xf32>, vector<16xf32>)
          scf.yield %masked_sort3A_191 : vector<16xf32>
        }
        %while3A_169 = arith.constant 1 : i32
        %while3A_170 = scf.for %while3A_174 = %while3A_166 to %while3A_162 step %while3A_169 iter_args(%while3A_175 = %while3A_168) -> (vector<16xf32>)  : i32 {
          %mul3A_176 = arith.constant 32 : i32
          %mul3A_177 = vector.broadcast %mul3A_176 : i32 to vector<16xi32>
          %mul3A_178 = arith.muli %iota3A, %mul3A_177 : vector<16xi32>
          %add3A_179 = vector.broadcast %while3A_174 : i32 to vector<16xi32>
          %add3A_180 = arith.addi %mul3A_178, %add3A_179 : vector<16xi32>
          %gather3A = tpu.vector_load_idx %arg8[%add3A_180] : memref<512xf32, #tpu.memory_space<vmem>>[vector<16xi32>], vector<16xf32>,
          %gt3A = vector.broadcast %while3A_174 : i32 to vector<16xi32>
          %gt3A_181 = arith.cmpi sgt, %parallel_loop3A_149, %gt3A : vector<16xi32>
          %broadcast_in_dim3A_182 = vector.broadcast %scan3A : f32 to vector<16xf32>
          %select_n3A_183 = arith.select %gt3A_181, %gather3A, %broadcast_in_dim3A_182 : vector<16xi1>, vector<16xf32>
          %masked_sort3A_184 = arith.constant dense<true> : vector<16xi1>
          %masked_sort3A_185, %masked_sort3A_186, %masked_sort3A_187 = tpu.sort %select_n3A_183, %select_n3A_183 masked %masked_sort3A_184 {descending = true} : (vector<16xf32>, vector<16xf32>, vector<16xi1>) -> (vector<16xi1>, vector<16xf32>, vector<16xf32>)
          %min3A_188 = arith.minimumf %while3A_175, %masked_sort3A_186 : vector<16xf32>
          %masked_sort3A_189 = arith.constant dense<true> : vector<16xi1>
          %masked_sort3A_190, %masked_sort3A_191, %masked_sort3A_192 = tpu.sort %min3A_188, %min3A_188 masked %masked_sort3A_189 : (vector<16xf32>, vector<16xf32>, vector<16xi1>) -> (vector<16xi1>, vector<16xf32>, vector<16xf32>)
          scf.yield %masked_sort3A_191 : vector<16xf32>
        }
        %swap3A = arith.index_cast %add3A_68 : i32 to index
        %swap3A_171 = arith.constant 0 : index
        %swap3A_172 = tpu.vector_load %arg10[%swap3A, %swap3A_171] {strides = array<i32>} : memref<128x16xf32, #tpu.memory_space<vmem>>, vector<16xf32>,
        tpu.vector_store %arg10[%swap3A, %swap3A_171], %while3A_170 {strides = array<i32>} : memref<128x16xf32, #tpu.memory_space<vmem>>, vector<16xf32>,
        %scan3A_173 = arith.constant 0 : i32
        scf.yield %scan3A_173 : i32
      }
      %scan3A_43 = arith.constant 8 : i32
      %lt3A = arith.constant 7 : i32
      %lt3A_44 = arith.cmpi slt, %scan3A_17, %lt3A : i32
      %convert_element_type3A = arith.extui %lt3A_44 : i1 to i32
      %cond3A = arith.constant 0 : i32
      %cond3A_45 = arith.cmpi ne, %convert_element_type3A, %cond3A : i32
      scf.if %cond3A_45 {
        %mul3A_64 = arith.constant 2 : i32
        %mul3A_65 = arith.muli %mul3A_64, %scan3A_17 : i32
        %add3A_66 = arith.constant 2 : i32
        %add3A_67 = arith.addi %mul3A_65, %add3A_66 : i32
        %mul3A_68 = arith.constant 8 : i32
        %mul3A_69 = arith.muli %add3A_67, %mul3A_68 : i32
        %add3A_70 = arith.addi %mul3A_2, %mul3A_69 : i32
        %dma_start3A_71 = arith.constant 0 : i32
        %dma_start3A_72 = tpu.memref_slice %arg2[%add3A_70, %dma_start3A_71] : memref<4096x2048xf32, #tpu.memory_space<hbm>> -> memref<8x2048xf32, #tpu.memory_space<hbm>>
        %dma_start3A_73 = arith.constant 0 : i32
        %dma_start3A_74 = tpu.memref_slice %arg2[%add3A_70, %dma_start3A_73] : memref<4096x2048xf32, #tpu.memory_space<hbm>> -> memref<8x2048xf32, #tpu.memory_space<hbm>>
        tpu.enqueue_dma source(%dma_start3A_74 : memref<8x2048xf32, #tpu.memory_space<hbm>>) target(%arg5 : memref<8x2048xf32, #tpu.memory_space<vmem>>) target_semaphore(%arg11 : memref<!tpu.dma_semaphore, #tpu.memory_space<semaphore_mem>>)
      } else {
      }
      %dma_wait3A_46 = arith.constant 0 : i32
      %dma_wait3A_47 = arith.constant 0 : i32
      %dma_wait3A_48 = tpu.memref_slice %arg2[%dma_wait3A_46, %dma_wait3A_47] : memref<4096x2048xf32, #tpu.memory_space<hbm>> -> memref<8x2048xf32, #tpu.memory_space<hbm>>
      %dma_wait3A_49 = arith.constant 0 : i32
      %dma_wait3A_50 = arith.constant 0 : i32
      %dma_wait3A_51 = tpu.memref_slice %arg2[%dma_wait3A_49, %dma_wait3A_50] : memref<4096x2048xf32, #tpu.memory_space<hbm>> -> memref<8x2048xf32, #tpu.memory_space<hbm>>
      tpu.wait_dma2 semaphore(%arg12 : memref<!tpu.dma_semaphore, #tpu.memory_space<semaphore_mem>>) src(%dma_wait3A_51 : memref<8x2048xf32, #tpu.memory_space<hbm>>) dst(%arg6 : memref<8x2048xf32, #tpu.memory_space<vmem>>)
      %mul3A_52 = arith.constant 2 : i32
      %mul3A_53 = arith.muli %mul3A_52, %scan3A_17 : i32
      %add3A_54 = arith.constant 1 : i32
      %add3A_55 = arith.addi %mul3A_53, %add3A_54 : i32
      %scan3A_56 = arith.constant 0 : i32
      %scan3A_57 = arith.constant 0 : i32
      %scan3A_58 = arith.constant 8 : i32
      %scan3A_59 = arith.addi %scan3A_57, %scan3A_58 : i32
      %scan3A_60 = arith.constant 1 : i32
      %scan3A_61 = scf.for %scan3A_64 = %scan3A_57 to %scan3A_59 step %scan3A_60 iter_args(%scan3A_65 = %scan3A_56) -> (i32)  : i32 {
        %mul3A_66 = arith.constant 8 : i32
        %mul3A_67 = arith.muli %add3A_55, %mul3A_66 : i32
        %add3A_68 = arith.addi %mul3A_67, %scan3A_64 : i32
        %mul3A_69 = arith.constant 32 : i32
        %mul3A_70 = arith.muli %add3A_68, %mul3A_69 : i32
        %get3A = arith.index_cast %mul3A_70 : i32 to index
        %get3A_71 = tpu.vector_load %arg7[%get3A] {strides = array<i32>} : memref<4096xf32, #tpu.memory_space<vmem>>, vector<16xf32>,
        %mul3A_72 = arith.constant 32 : i32
        %mul3A_73 = arith.muli %add3A_68, %mul3A_72 : i32
        %add3A_74 = arith.constant 16 : i32
        %add3A_75 = arith.addi %mul3A_73, %add3A_74 : i32
        %get3A_76 = arith.index_cast %add3A_75 : i32 to index
        %get3A_77 = tpu.vector_load %arg7[%get3A_76] {strides = array<i32>} : memref<4096xf32, #tpu.memory_space<vmem>>, vector<16xf32>,
        %masked_sort3A = arith.constant dense<true> : vector<16xi1>
        %masked_sort3A_78, %masked_sort3A_79, %masked_sort3A_80 = tpu.sort %get3A_71, %get3A_71 masked %masked_sort3A : (vector<16xf32>, vector<16xf32>, vector<16xi1>) -> (vector<16xi1>, vector<16xf32>, vector<16xf32>)
        %masked_sort3A_81 = arith.constant dense<true> : vector<16xi1>
        %masked_sort3A_82, %masked_sort3A_83, %masked_sort3A_84 = tpu.sort %get3A_77, %get3A_77 masked %masked_sort3A_81 {descending = true} : (vector<16xf32>, vector<16xf32>, vector<16xi1>) -> (vector<16xi1>, vector<16xf32>, vector<16xf32>)
        %min3A = arith.minimumf %masked_sort3A_79, %masked_sort3A_83 : vector<16xf32>
        %masked_sort3A_85 = arith.constant dense<true> : vector<16xi1>
        %masked_sort3A_86, %masked_sort3A_87, %masked_sort3A_88 = tpu.sort %min3A, %min3A masked %masked_sort3A_85 : (vector<16xf32>, vector<16xf32>, vector<16xi1>) -> (vector<16xi1>, vector<16xf32>, vector<16xf32>)
        %eq3A = arith.constant 10 : i32
        %eq3A_89 = vector.broadcast %eq3A : i32 to vector<16xi32>
        %eq3A_90 = arith.cmpi eq, %iota3A, %eq3A_89 : vector<16xi32>
        %neg3A = arith.constant 0.000000e+00 : f32
        %neg3A_91 = arith.subf %neg3A, %scan3A : f32
        %broadcast_in_dim3A = vector.broadcast %neg3A_91 : f32 to vector<16xf32>
        %select_n3A = arith.select %eq3A_90, %masked_sort3A_87, %broadcast_in_dim3A : vector<16xi1>, vector<16xf32>
        %reduce_max3A = arith.constant true
        %reduce_max3A_92 = vector.broadcast %reduce_max3A : i1 to vector<16xi1>
        %reduce_max3A_93 = tpu.scan <max>, %select_n3A masked %reduce_max3A_92 : vector<16xf32>, vector<16xi1> -> vector<16xf32>
        %reduce_max3A_94 = vector.extract %reduce_max3A_93[15] : f32 from vector<16xf32>
        %le3A = vector.broadcast %reduce_max3A_94 : f32 to vector<16xf32>
        %le3A_95 = arith.cmpf ole, %get3A_71, %le3A : vector<16xf32>
        %le3A_96 = vector.broadcast %reduce_max3A_94 : f32 to vector<16xf32>
        %le3A_97 = arith.cmpf ole, %get3A_77, %le3A_96 : vector<16xf32>
        %jit3A = arith.constant 1 : i32
        %jit3A_98 = arith.constant 0 : i32
        %broadcast_in_dim3A_99 = vector.broadcast %jit3A : i32 to vector<16xi32>
        %broadcast_in_dim3A_100 = vector.broadcast %jit3A_98 : i32 to vector<16xi32>
        %select_n3A_101 = arith.select %le3A_95, %broadcast_in_dim3A_99, %broadcast_in_dim3A_100 : vector<16xi1>, vector<16xi32>
        %broadcast_in_dim3A_102 = arith.constant true
        %broadcast_in_dim3A_103 = vector.broadcast %broadcast_in_dim3A_102 : i1 to vector<16xi1>
        %masked_cumsum3A = tpu.scan <sum>, %select_n3A_101 masked %broadcast_in_dim3A_103 : vector<16xi32>, vector<16xi1> -> vector<16xi32>
        %sub3A = arith.constant 1 : i32
        %sub3A_104 = vector.broadcast %sub3A : i32 to vector<16xi32>
        %sub3A_105 = arith.subi %masked_cumsum3A, %sub3A_104 : vector<16xi32>
        tpu.vector_store_idx %arg9[%sub3A_105], %iota3A masked %le3A_95 : memref<32xi32, #tpu.memory_space<vmem>>[vector<16xi32>], vector<16xi32>, vector<16xi1>
        %reduce_max3A_106 = arith.constant true
        %reduce_max3A_107 = vector.broadcast %reduce_max3A_106 : i1 to vector<16xi1>
        %reduce_max3A_108 = arith.constant -2147483648 : i32
        %reduce_max3A_109 = vector.broadcast %reduce_max3A_108 : i32 to vector<16xi32>
        %reduce_max3A_110 = arith.xori %sub3A_105, %reduce_max3A_109 : vector<16xi32>
        %reduce_max3A_111 = tpu.scan <max>, %reduce_max3A_110 masked %reduce_max3A_107 : vector<16xi32>, vector<16xi1> -> vector<16xi32>
        %reduce_max3A_112 = arith.xori %reduce_max3A_111, %reduce_max3A_109 : vector<16xi32>
        %reduce_max3A_113 = vector.extract %reduce_max3A_112[15] : i32 from vector<16xi32>
        %add3A_114 = arith.constant 1 : i32
        %add3A_115 = arith.addi %reduce_max3A_113, %add3A_114 : i32
        %jit3A_116 = arith.constant 1 : i32
        %jit3A_117 = arith.constant 0 : i32
        %broadcast_in_dim3A_118 = vector.broadcast %jit3A_116 : i32 to vector<16xi32>
        %broadcast_in_dim3A_119 = vector.broadcast %jit3A_117 : i32 to vector<16xi32>
        %select_n3A_120 = arith.select %le3A_97, %broadcast_in_dim3A_118, %broadcast_in_dim3A_119 : vector<16xi1>, vector<16xi32>
        %broadcast_in_dim3A_121 = arith.constant true
        %broadcast_in_dim3A_122 = vector.broadcast %broadcast_in_dim3A_121 : i1 to vector<16xi1>
        %masked_cumsum3A_123 = tpu.scan <sum>, %select_n3A_120 masked %broadcast_in_dim3A_122 : vector<16xi32>, vector<16xi1> -> vector<16xi32>
        %sub3A_124 = arith.constant 1 : i32
        %sub3A_125 = vector.broadcast %sub3A_124 : i32 to vector<16xi32>
        %sub3A_126 = arith.subi %masked_cumsum3A_123, %sub3A_125 : vector<16xi32>
        %add3A_127 = vector.broadcast %add3A_115 : i32 to vector<16xi32>
        %add3A_128 = arith.addi %sub3A_126, %add3A_127 : vector<16xi32>
        %add3A_129 = arith.constant 16 : i32
        %add3A_130 = vector.broadcast %add3A_129 : i32 to vector<16xi32>
        %add3A_131 = arith.addi %iota3A, %add3A_130 : vector<16xi32>
        tpu.vector_store_idx %arg9[%add3A_128], %add3A_131 masked %le3A_97 : memref<32xi32, #tpu.memory_space<vmem>>[vector<16xi32>], vector<16xi32>, vector<16xi1>
        %reduce_max3A_132 = arith.constant true
        %reduce_max3A_133 = vector.broadcast %reduce_max3A_132 : i1 to vector<16xi1>
        %reduce_max3A_134 = arith.constant -2147483648 : i32
        %reduce_max3A_135 = vector.broadcast %reduce_max3A_134 : i32 to vector<16xi32>
        %reduce_max3A_136 = arith.xori %add3A_128, %reduce_max3A_135 : vector<16xi32>
        %reduce_max3A_137 = tpu.scan <max>, %reduce_max3A_136 masked %reduce_max3A_133 : vector<16xi32>, vector<16xi1> -> vector<16xi32>
        %reduce_max3A_138 = arith.xori %reduce_max3A_137, %reduce_max3A_135 : vector<16xi32>
        %reduce_max3A_139 = vector.extract %reduce_max3A_138[15] : i32 from vector<16xi32>
        %add3A_140 = arith.constant 1 : i32
        %add3A_141 = arith.addi %reduce_max3A_139, %add3A_140 : i32
        %get3A_142 = arith.constant 0 : index
        %get3A_143 = tpu.vector_load %arg9[%get3A_142] {strides = array<i32>} : memref<32xi32, #tpu.memory_space<vmem>>, vector<16xi32>,
        %get3A_144 = arith.constant 16 : index
        %get3A_145 = tpu.vector_load %arg9[%get3A_144] {strides = array<i32>} : memref<32xi32, #tpu.memory_space<vmem>>, vector<16xi32>,
        %broadcast_in_dim3A_146 = arith.constant 0 : i32
        %broadcast_in_dim3A_147 = vector.broadcast %broadcast_in_dim3A_146 : i32 to vector<16xi32>
        %parallel_loop3A = arith.constant 0 : i32
        %parallel_loop3A_148 = arith.constant 1 : i32
        %parallel_loop3A_149 = scf.for %parallel_loop3A_174 = %parallel_loop3A to %add3A_141 step %parallel_loop3A_148 iter_args(%parallel_loop3A_175 = %broadcast_in_dim3A_147) -> (vector<16xi32>)  : i32 {
          %parallel_loop3A_176 = arith.constant 16 : i32
          %parallel_loop3A_177 = arith.cmpi slt, %parallel_loop3A_174, %parallel_loop3A_176 : i32
          %parallel_loop3A_178 = arith.select %parallel_loop3A_177, %get3A_143, %get3A_145 : vector<16xi32>
          %parallel_loop3A_179 = arith.constant 15 : i32
          %parallel_loop3A_180 = arith.andi %parallel_loop3A_174, %parallel_loop3A_179 : i32
          %parallel_loop3A_181 = vector.broadcast %parallel_loop3A_180 : i32 to vector<16xi32>
          %parallel_loop3A_182 = arith.cmpi eq, %iota3A, %parallel_loop3A_181 : vector<16xi32>
          %parallel_loop3A_183 = arith.constant 0 : i32
          %parallel_loop3A_184 = vector.broadcast %parallel_loop3A_183 : i32 to vector<16xi32>
          %parallel_loop3A_185 = arith.select %parallel_loop3A_182, %parallel_loop3A_178, %parallel_loop3A_184 : vector<16xi1>, vector<16xi32>
          %parallel_loop3A_186 = arith.constant true
          %parallel_loop3A_187 = vector.broadcast %parallel_loop3A_186 : i1 to vector<16xi1>
          %parallel_loop3A_188 = tpu.scan <sum>, %parallel_loop3A_185 masked %parallel_loop3A_187 : vector<16xi32>, vector<16xi1> -> vector<16xi32>
          %parallel_loop3A_189 = vector.extract %parallel_loop3A_188[15] : i32 from vector<16xi32>
          %parallel_loop3A_190 = arith.constant 64 : i32
          %parallel_loop3A_191 = arith.muli %parallel_loop3A_189, %parallel_loop3A_190 : i32
          %parallel_loop3A_192 = arith.constant 0 : i32
          %parallel_loop3A_193 = arith.addi %parallel_loop3A_191, %parallel_loop3A_192 : i32
          %parallel_loop3A_194 = arith.index_cast %scan3A_64 : i32 to index
          %parallel_loop3A_195 = arith.index_cast %parallel_loop3A_193 : i32 to index
          %parallel_loop3A_196 = tpu.vector_load %arg6[%parallel_loop3A_194, %parallel_loop3A_195] {strides = array<i32>} : memref<8x2048xf32, #tpu.memory_space<vmem>>, vector<16xf32>,
          %parallel_loop3A_197 = vector.bitcast %parallel_loop3A_196 : vector<16xf32> to vector<32xbf16>
          %parallel_loop3A_198 = tpu.unpack_subelements %parallel_loop3A_197, 0 {pack_format = #tpu.pack_format<interleaved>} : vector<32xbf16> -> vector<16xf32>
          %parallel_loop3A_199 = tpu.unpack_subelements %parallel_loop3A_197, 1 {pack_format = #tpu.pack_format<interleaved>} : vector<32xbf16> -> vector<16xf32>
          %parallel_loop3A_200 = vector.broadcast %reduce_max3A_94 : f32 to vector<16xf32>
          %parallel_loop3A_201 = arith.cmpf ole, %parallel_loop3A_198, %parallel_loop3A_200 : vector<16xf32>
          %parallel_loop3A_202 = arith.constant 32 : i32
          %parallel_loop3A_203 = vector.broadcast %parallel_loop3A_202 : i32 to vector<16xi32>
          %parallel_loop3A_204 = arith.muli %iota3A, %parallel_loop3A_203 : vector<16xi32>
          %parallel_loop3A_205 = arith.constant 31 : i32
          %parallel_loop3A_206 = vector.broadcast %parallel_loop3A_205 : i32 to vector<16xi32>
          %parallel_loop3A_207 = arith.minsi %parallel_loop3A_175, %parallel_loop3A_206 : vector<16xi32>
          %parallel_loop3A_208 = arith.addi %parallel_loop3A_204, %parallel_loop3A_207 : vector<16xi32>
          %parallel_loop3A_209 = arith.constant 32 : i32
          %parallel_loop3A_210 = vector.broadcast %parallel_loop3A_209 : i32 to vector<16xi32>
          %parallel_loop3A_211 = arith.cmpi slt, %parallel_loop3A_175, %parallel_loop3A_210 : vector<16xi32>
          %parallel_loop3A_212 = arith.andi %parallel_loop3A_201, %parallel_loop3A_211 : vector<16xi1>
          tpu.vector_store_idx %arg8[%parallel_loop3A_208], %parallel_loop3A_198 masked %parallel_loop3A_212 : memref<512xf32, #tpu.memory_space<vmem>>[vector<16xi32>], vector<16xf32>, vector<16xi1>
          %parallel_loop3A_213 = arith.constant 1 : i32
          %parallel_loop3A_214 = arith.constant 0 : i32
          %parallel_loop3A_215 = vector.broadcast %parallel_loop3A_213 : i32 to vector<16xi32>
          %parallel_loop3A_216 = vector.broadcast %parallel_loop3A_214 : i32 to vector<16xi32>
          %parallel_loop3A_217 = arith.select %parallel_loop3A_201, %parallel_loop3A_215, %parallel_loop3A_216 : vector<16xi1>, vector<16xi32>
          %parallel_loop3A_218 = arith.addi %parallel_loop3A_175, %parallel_loop3A_217 : vector<16xi32>
          %parallel_loop3A_219 = vector.broadcast %reduce_max3A_94 : f32 to vector<16xf32>
          %parallel_loop3A_220 = arith.cmpf ole, %parallel_loop3A_199, %parallel_loop3A_219 : vector<16xf32>
          %parallel_loop3A_221 = arith.constant 32 : i32
          %parallel_loop3A_222 = vector.broadcast %parallel_loop3A_221 : i32 to vector<16xi32>
          %parallel_loop3A_223 = arith.muli %iota3A, %parallel_loop3A_222 : vector<16xi32>
          %parallel_loop3A_224 = arith.constant 31 : i32
          %parallel_loop3A_225 = vector.broadcast %parallel_loop3A_224 : i32 to vector<16xi32>
          %parallel_loop3A_226 = arith.minsi %parallel_loop3A_218, %parallel_loop3A_225 : vector<16xi32>
          %parallel_loop3A_227 = arith.addi %parallel_loop3A_223, %parallel_loop3A_226 : vector<16xi32>
          %parallel_loop3A_228 = arith.constant 32 : i32
          %parallel_loop3A_229 = vector.broadcast %parallel_loop3A_228 : i32 to vector<16xi32>
          %parallel_loop3A_230 = arith.cmpi slt, %parallel_loop3A_218, %parallel_loop3A_229 : vector<16xi32>
          %parallel_loop3A_231 = arith.andi %parallel_loop3A_220, %parallel_loop3A_230 : vector<16xi1>
          tpu.vector_store_idx %arg8[%parallel_loop3A_227], %parallel_loop3A_199 masked %parallel_loop3A_231 : memref<512xf32, #tpu.memory_space<vmem>>[vector<16xi32>], vector<16xf32>, vector<16xi1>
          %parallel_loop3A_232 = arith.constant 1 : i32
          %parallel_loop3A_233 = arith.constant 0 : i32
          %parallel_loop3A_234 = vector.broadcast %parallel_loop3A_232 : i32 to vector<16xi32>
          %parallel_loop3A_235 = vector.broadcast %parallel_loop3A_233 : i32 to vector<16xi32>
          %parallel_loop3A_236 = arith.select %parallel_loop3A_220, %parallel_loop3A_234, %parallel_loop3A_235 : vector<16xi1>, vector<16xi32>
          %parallel_loop3A_237 = arith.addi %parallel_loop3A_218, %parallel_loop3A_236 : vector<16xi32>
          %parallel_loop3A_238 = arith.constant 16 : i32
          %parallel_loop3A_239 = arith.addi %parallel_loop3A_191, %parallel_loop3A_238 : i32
          %parallel_loop3A_240 = arith.index_cast %scan3A_64 : i32 to index
          %parallel_loop3A_241 = arith.index_cast %parallel_loop3A_239 : i32 to index
          %parallel_loop3A_242 = tpu.vector_load %arg6[%parallel_loop3A_240, %parallel_loop3A_241] {strides = array<i32>} : memref<8x2048xf32, #tpu.memory_space<vmem>>, vector<16xf32>,
          %parallel_loop3A_243 = vector.bitcast %parallel_loop3A_242 : vector<16xf32> to vector<32xbf16>
          %parallel_loop3A_244 = tpu.unpack_subelements %parallel_loop3A_243, 0 {pack_format = #tpu.pack_format<interleaved>} : vector<32xbf16> -> vector<16xf32>
          %parallel_loop3A_245 = tpu.unpack_subelements %parallel_loop3A_243, 1 {pack_format = #tpu.pack_format<interleaved>} : vector<32xbf16> -> vector<16xf32>
          %parallel_loop3A_246 = vector.broadcast %reduce_max3A_94 : f32 to vector<16xf32>
          %parallel_loop3A_247 = arith.cmpf ole, %parallel_loop3A_244, %parallel_loop3A_246 : vector<16xf32>
          %parallel_loop3A_248 = arith.constant 32 : i32
          %parallel_loop3A_249 = vector.broadcast %parallel_loop3A_248 : i32 to vector<16xi32>
          %parallel_loop3A_250 = arith.muli %iota3A, %parallel_loop3A_249 : vector<16xi32>
          %parallel_loop3A_251 = arith.constant 31 : i32
          %parallel_loop3A_252 = vector.broadcast %parallel_loop3A_251 : i32 to vector<16xi32>
          %parallel_loop3A_253 = arith.minsi %parallel_loop3A_237, %parallel_loop3A_252 : vector<16xi32>
          %parallel_loop3A_254 = arith.addi %parallel_loop3A_250, %parallel_loop3A_253 : vector<16xi32>
          %parallel_loop3A_255 = arith.constant 32 : i32
          %parallel_loop3A_256 = vector.broadcast %parallel_loop3A_255 : i32 to vector<16xi32>
          %parallel_loop3A_257 = arith.cmpi slt, %parallel_loop3A_237, %parallel_loop3A_256 : vector<16xi32>
          %parallel_loop3A_258 = arith.andi %parallel_loop3A_247, %parallel_loop3A_257 : vector<16xi1>
          tpu.vector_store_idx %arg8[%parallel_loop3A_254], %parallel_loop3A_244 masked %parallel_loop3A_258 : memref<512xf32, #tpu.memory_space<vmem>>[vector<16xi32>], vector<16xf32>, vector<16xi1>
          %parallel_loop3A_259 = arith.constant 1 : i32
          %parallel_loop3A_260 = arith.constant 0 : i32
          %parallel_loop3A_261 = vector.broadcast %parallel_loop3A_259 : i32 to vector<16xi32>
          %parallel_loop3A_262 = vector.broadcast %parallel_loop3A_260 : i32 to vector<16xi32>
          %parallel_loop3A_263 = arith.select %parallel_loop3A_247, %parallel_loop3A_261, %parallel_loop3A_262 : vector<16xi1>, vector<16xi32>
          %parallel_loop3A_264 = arith.addi %parallel_loop3A_237, %parallel_loop3A_263 : vector<16xi32>
          %parallel_loop3A_265 = vector.broadcast %reduce_max3A_94 : f32 to vector<16xf32>
          %parallel_loop3A_266 = arith.cmpf ole, %parallel_loop3A_245, %parallel_loop3A_265 : vector<16xf32>
          %parallel_loop3A_267 = arith.constant 32 : i32
          %parallel_loop3A_268 = vector.broadcast %parallel_loop3A_267 : i32 to vector<16xi32>
          %parallel_loop3A_269 = arith.muli %iota3A, %parallel_loop3A_268 : vector<16xi32>
          %parallel_loop3A_270 = arith.constant 31 : i32
          %parallel_loop3A_271 = vector.broadcast %parallel_loop3A_270 : i32 to vector<16xi32>
          %parallel_loop3A_272 = arith.minsi %parallel_loop3A_264, %parallel_loop3A_271 : vector<16xi32>
          %parallel_loop3A_273 = arith.addi %parallel_loop3A_269, %parallel_loop3A_272 : vector<16xi32>
          %parallel_loop3A_274 = arith.constant 32 : i32
          %parallel_loop3A_275 = vector.broadcast %parallel_loop3A_274 : i32 to vector<16xi32>
          %parallel_loop3A_276 = arith.cmpi slt, %parallel_loop3A_264, %parallel_loop3A_275 : vector<16xi32>
          %parallel_loop3A_277 = arith.andi %parallel_loop3A_266, %parallel_loop3A_276 : vector<16xi1>
          tpu.vector_store_idx %arg8[%parallel_loop3A_273], %parallel_loop3A_245 masked %parallel_loop3A_277 : memref<512xf32, #tpu.memory_space<vmem>>[vector<16xi32>], vector<16xf32>, vector<16xi1>
          %parallel_loop3A_278 = arith.constant 1 : i32
          %parallel_loop3A_279 = arith.constant 0 : i32
          %parallel_loop3A_280 = vector.broadcast %parallel_loop3A_278 : i32 to vector<16xi32>
          %parallel_loop3A_281 = vector.broadcast %parallel_loop3A_279 : i32 to vector<16xi32>
          %parallel_loop3A_282 = arith.select %parallel_loop3A_266, %parallel_loop3A_280, %parallel_loop3A_281 : vector<16xi1>, vector<16xi32>
          %parallel_loop3A_283 = arith.addi %parallel_loop3A_264, %parallel_loop3A_282 : vector<16xi32>
          %parallel_loop3A_284 = arith.constant 32 : i32
          %parallel_loop3A_285 = arith.addi %parallel_loop3A_191, %parallel_loop3A_284 : i32
          %parallel_loop3A_286 = arith.index_cast %scan3A_64 : i32 to index
          %parallel_loop3A_287 = arith.index_cast %parallel_loop3A_285 : i32 to index
          %parallel_loop3A_288 = tpu.vector_load %arg6[%parallel_loop3A_286, %parallel_loop3A_287] {strides = array<i32>} : memref<8x2048xf32, #tpu.memory_space<vmem>>, vector<16xf32>,
          %parallel_loop3A_289 = vector.bitcast %parallel_loop3A_288 : vector<16xf32> to vector<32xbf16>
          %parallel_loop3A_290 = tpu.unpack_subelements %parallel_loop3A_289, 0 {pack_format = #tpu.pack_format<interleaved>} : vector<32xbf16> -> vector<16xf32>
          %parallel_loop3A_291 = tpu.unpack_subelements %parallel_loop3A_289, 1 {pack_format = #tpu.pack_format<interleaved>} : vector<32xbf16> -> vector<16xf32>
          %parallel_loop3A_292 = vector.broadcast %reduce_max3A_94 : f32 to vector<16xf32>
          %parallel_loop3A_293 = arith.cmpf ole, %parallel_loop3A_290, %parallel_loop3A_292 : vector<16xf32>
          %parallel_loop3A_294 = arith.constant 32 : i32
          %parallel_loop3A_295 = vector.broadcast %parallel_loop3A_294 : i32 to vector<16xi32>
          %parallel_loop3A_296 = arith.muli %iota3A, %parallel_loop3A_295 : vector<16xi32>
          %parallel_loop3A_297 = arith.constant 31 : i32
          %parallel_loop3A_298 = vector.broadcast %parallel_loop3A_297 : i32 to vector<16xi32>
          %parallel_loop3A_299 = arith.minsi %parallel_loop3A_283, %parallel_loop3A_298 : vector<16xi32>
          %parallel_loop3A_300 = arith.addi %parallel_loop3A_296, %parallel_loop3A_299 : vector<16xi32>
          %parallel_loop3A_301 = arith.constant 32 : i32
          %parallel_loop3A_302 = vector.broadcast %parallel_loop3A_301 : i32 to vector<16xi32>
          %parallel_loop3A_303 = arith.cmpi slt, %parallel_loop3A_283, %parallel_loop3A_302 : vector<16xi32>
          %parallel_loop3A_304 = arith.andi %parallel_loop3A_293, %parallel_loop3A_303 : vector<16xi1>
          tpu.vector_store_idx %arg8[%parallel_loop3A_300], %parallel_loop3A_290 masked %parallel_loop3A_304 : memref<512xf32, #tpu.memory_space<vmem>>[vector<16xi32>], vector<16xf32>, vector<16xi1>
          %parallel_loop3A_305 = arith.constant 1 : i32
          %parallel_loop3A_306 = arith.constant 0 : i32
          %parallel_loop3A_307 = vector.broadcast %parallel_loop3A_305 : i32 to vector<16xi32>
          %parallel_loop3A_308 = vector.broadcast %parallel_loop3A_306 : i32 to vector<16xi32>
          %parallel_loop3A_309 = arith.select %parallel_loop3A_293, %parallel_loop3A_307, %parallel_loop3A_308 : vector<16xi1>, vector<16xi32>
          %parallel_loop3A_310 = arith.addi %parallel_loop3A_283, %parallel_loop3A_309 : vector<16xi32>
          %parallel_loop3A_311 = vector.broadcast %reduce_max3A_94 : f32 to vector<16xf32>
          %parallel_loop3A_312 = arith.cmpf ole, %parallel_loop3A_291, %parallel_loop3A_311 : vector<16xf32>
          %parallel_loop3A_313 = arith.constant 32 : i32
          %parallel_loop3A_314 = vector.broadcast %parallel_loop3A_313 : i32 to vector<16xi32>
          %parallel_loop3A_315 = arith.muli %iota3A, %parallel_loop3A_314 : vector<16xi32>
          %parallel_loop3A_316 = arith.constant 31 : i32
          %parallel_loop3A_317 = vector.broadcast %parallel_loop3A_316 : i32 to vector<16xi32>
          %parallel_loop3A_318 = arith.minsi %parallel_loop3A_310, %parallel_loop3A_317 : vector<16xi32>
          %parallel_loop3A_319 = arith.addi %parallel_loop3A_315, %parallel_loop3A_318 : vector<16xi32>
          %parallel_loop3A_320 = arith.constant 32 : i32
          %parallel_loop3A_321 = vector.broadcast %parallel_loop3A_320 : i32 to vector<16xi32>
          %parallel_loop3A_322 = arith.cmpi slt, %parallel_loop3A_310, %parallel_loop3A_321 : vector<16xi32>
          %parallel_loop3A_323 = arith.andi %parallel_loop3A_312, %parallel_loop3A_322 : vector<16xi1>
          tpu.vector_store_idx %arg8[%parallel_loop3A_319], %parallel_loop3A_291 masked %parallel_loop3A_323 : memref<512xf32, #tpu.memory_space<vmem>>[vector<16xi32>], vector<16xf32>, vector<16xi1>
          %parallel_loop3A_324 = arith.constant 1 : i32
          %parallel_loop3A_325 = arith.constant 0 : i32
          %parallel_loop3A_326 = vector.broadcast %parallel_loop3A_324 : i32 to vector<16xi32>
          %parallel_loop3A_327 = vector.broadcast %parallel_loop3A_325 : i32 to vector<16xi32>
          %parallel_loop3A_328 = arith.select %parallel_loop3A_312, %parallel_loop3A_326, %parallel_loop3A_327 : vector<16xi1>, vector<16xi32>
          %parallel_loop3A_329 = arith.addi %parallel_loop3A_310, %parallel_loop3A_328 : vector<16xi32>
          %parallel_loop3A_330 = arith.constant 48 : i32
          %parallel_loop3A_331 = arith.addi %parallel_loop3A_191, %parallel_loop3A_330 : i32
          %parallel_loop3A_332 = arith.index_cast %scan3A_64 : i32 to index
          %parallel_loop3A_333 = arith.index_cast %parallel_loop3A_331 : i32 to index
          %parallel_loop3A_334 = tpu.vector_load %arg6[%parallel_loop3A_332, %parallel_loop3A_333] {strides = array<i32>} : memref<8x2048xf32, #tpu.memory_space<vmem>>, vector<16xf32>,
          %parallel_loop3A_335 = vector.bitcast %parallel_loop3A_334 : vector<16xf32> to vector<32xbf16>
          %parallel_loop3A_336 = tpu.unpack_subelements %parallel_loop3A_335, 0 {pack_format = #tpu.pack_format<interleaved>} : vector<32xbf16> -> vector<16xf32>
          %parallel_loop3A_337 = tpu.unpack_subelements %parallel_loop3A_335, 1 {pack_format = #tpu.pack_format<interleaved>} : vector<32xbf16> -> vector<16xf32>
          %parallel_loop3A_338 = vector.broadcast %reduce_max3A_94 : f32 to vector<16xf32>
          %parallel_loop3A_339 = arith.cmpf ole, %parallel_loop3A_336, %parallel_loop3A_338 : vector<16xf32>
          %parallel_loop3A_340 = arith.constant 32 : i32
          %parallel_loop3A_341 = vector.broadcast %parallel_loop3A_340 : i32 to vector<16xi32>
          %parallel_loop3A_342 = arith.muli %iota3A, %parallel_loop3A_341 : vector<16xi32>
          %parallel_loop3A_343 = arith.constant 31 : i32
          %parallel_loop3A_344 = vector.broadcast %parallel_loop3A_343 : i32 to vector<16xi32>
          %parallel_loop3A_345 = arith.minsi %parallel_loop3A_329, %parallel_loop3A_344 : vector<16xi32>
          %parallel_loop3A_346 = arith.addi %parallel_loop3A_342, %parallel_loop3A_345 : vector<16xi32>
          %parallel_loop3A_347 = arith.constant 32 : i32
          %parallel_loop3A_348 = vector.broadcast %parallel_loop3A_347 : i32 to vector<16xi32>
          %parallel_loop3A_349 = arith.cmpi slt, %parallel_loop3A_329, %parallel_loop3A_348 : vector<16xi32>
          %parallel_loop3A_350 = arith.andi %parallel_loop3A_339, %parallel_loop3A_349 : vector<16xi1>
          tpu.vector_store_idx %arg8[%parallel_loop3A_346], %parallel_loop3A_336 masked %parallel_loop3A_350 : memref<512xf32, #tpu.memory_space<vmem>>[vector<16xi32>], vector<16xf32>, vector<16xi1>
          %parallel_loop3A_351 = arith.constant 1 : i32
          %parallel_loop3A_352 = arith.constant 0 : i32
          %parallel_loop3A_353 = vector.broadcast %parallel_loop3A_351 : i32 to vector<16xi32>
          %parallel_loop3A_354 = vector.broadcast %parallel_loop3A_352 : i32 to vector<16xi32>
          %parallel_loop3A_355 = arith.select %parallel_loop3A_339, %parallel_loop3A_353, %parallel_loop3A_354 : vector<16xi1>, vector<16xi32>
          %parallel_loop3A_356 = arith.addi %parallel_loop3A_329, %parallel_loop3A_355 : vector<16xi32>
          %parallel_loop3A_357 = vector.broadcast %reduce_max3A_94 : f32 to vector<16xf32>
          %parallel_loop3A_358 = arith.cmpf ole, %parallel_loop3A_337, %parallel_loop3A_357 : vector<16xf32>
          %parallel_loop3A_359 = arith.constant 32 : i32
          %parallel_loop3A_360 = vector.broadcast %parallel_loop3A_359 : i32 to vector<16xi32>
          %parallel_loop3A_361 = arith.muli %iota3A, %parallel_loop3A_360 : vector<16xi32>
          %parallel_loop3A_362 = arith.constant 31 : i32
          %parallel_loop3A_363 = vector.broadcast %parallel_loop3A_362 : i32 to vector<16xi32>
          %parallel_loop3A_364 = arith.minsi %parallel_loop3A_356, %parallel_loop3A_363 : vector<16xi32>
          %parallel_loop3A_365 = arith.addi %parallel_loop3A_361, %parallel_loop3A_364 : vector<16xi32>
          %parallel_loop3A_366 = arith.constant 32 : i32
          %parallel_loop3A_367 = vector.broadcast %parallel_loop3A_366 : i32 to vector<16xi32>
          %parallel_loop3A_368 = arith.cmpi slt, %parallel_loop3A_356, %parallel_loop3A_367 : vector<16xi32>
          %parallel_loop3A_369 = arith.andi %parallel_loop3A_358, %parallel_loop3A_368 : vector<16xi1>
          tpu.vector_store_idx %arg8[%parallel_loop3A_365], %parallel_loop3A_337 masked %parallel_loop3A_369 : memref<512xf32, #tpu.memory_space<vmem>>[vector<16xi32>], vector<16xf32>, vector<16xi1>
          %parallel_loop3A_370 = arith.constant 1 : i32
          %parallel_loop3A_371 = arith.constant 0 : i32
          %parallel_loop3A_372 = vector.broadcast %parallel_loop3A_370 : i32 to vector<16xi32>
          %parallel_loop3A_373 = vector.broadcast %parallel_loop3A_371 : i32 to vector<16xi32>
          %parallel_loop3A_374 = arith.select %parallel_loop3A_358, %parallel_loop3A_372, %parallel_loop3A_373 : vector<16xi1>, vector<16xi32>
          %parallel_loop3A_375 = arith.addi %parallel_loop3A_356, %parallel_loop3A_374 : vector<16xi32>
          scf.yield %parallel_loop3A_375 : vector<16xi32>
        } {sc.loop_unroll_factor = 1 : i64, sc.parallel_access}
        %reduce_max3A_150 = arith.constant true
        %reduce_max3A_151 = vector.broadcast %reduce_max3A_150 : i1 to vector<16xi1>
        %reduce_max3A_152 = arith.constant -2147483648 : i32
        %reduce_max3A_153 = vector.broadcast %reduce_max3A_152 : i32 to vector<16xi32>
        %reduce_max3A_154 = arith.xori %parallel_loop3A_149, %reduce_max3A_153 : vector<16xi32>
        %reduce_max3A_155 = tpu.scan <max>, %reduce_max3A_154 masked %reduce_max3A_151 : vector<16xi32>, vector<16xi1> -> vector<16xi32>
        %reduce_max3A_156 = arith.xori %reduce_max3A_155, %reduce_max3A_153 : vector<16xi32>
        %reduce_max3A_157 = vector.extract %reduce_max3A_156[15] : i32 from vector<16xi32>
        %min3A_158 = arith.constant 32 : i32
        %min3A_159 = arith.minsi %reduce_max3A_157, %min3A_158 : i32
        %broadcast_in_dim3A_160 = vector.broadcast %scan3A : f32 to vector<16xf32>
        %while3A = arith.constant 0 : i32
        %while3A_161 = arith.subi %min3A_159, %while3A : i32
        %while3A_162 = arith.addi %while3A, %while3A_161 : i32
        %while3A_163 = arith.constant 1 : i32
        %while3A_164 = arith.divsi %while3A_161, %while3A_163 : i32
        %while3A_165 = arith.muli %while3A_164, %while3A_163 : i32
        %while3A_166 = arith.addi %while3A, %while3A_165 : i32
        %while3A_167 = arith.constant 1 : i32
        %while3A_168 = scf.for %while3A_174 = %while3A to %while3A_166 step %while3A_167 iter_args(%while3A_175 = %broadcast_in_dim3A_160) -> (vector<16xf32>)  : i32 {
          %mul3A_176 = arith.constant 32 : i32
          %mul3A_177 = vector.broadcast %mul3A_176 : i32 to vector<16xi32>
          %mul3A_178 = arith.muli %iota3A, %mul3A_177 : vector<16xi32>
          %add3A_179 = vector.broadcast %while3A_174 : i32 to vector<16xi32>
          %add3A_180 = arith.addi %mul3A_178, %add3A_179 : vector<16xi32>
          %gather3A = tpu.vector_load_idx %arg8[%add3A_180] : memref<512xf32, #tpu.memory_space<vmem>>[vector<16xi32>], vector<16xf32>,
          %gt3A = vector.broadcast %while3A_174 : i32 to vector<16xi32>
          %gt3A_181 = arith.cmpi sgt, %parallel_loop3A_149, %gt3A : vector<16xi32>
          %broadcast_in_dim3A_182 = vector.broadcast %scan3A : f32 to vector<16xf32>
          %select_n3A_183 = arith.select %gt3A_181, %gather3A, %broadcast_in_dim3A_182 : vector<16xi1>, vector<16xf32>
          %masked_sort3A_184 = arith.constant dense<true> : vector<16xi1>
          %masked_sort3A_185, %masked_sort3A_186, %masked_sort3A_187 = tpu.sort %select_n3A_183, %select_n3A_183 masked %masked_sort3A_184 {descending = true} : (vector<16xf32>, vector<16xf32>, vector<16xi1>) -> (vector<16xi1>, vector<16xf32>, vector<16xf32>)
          %min3A_188 = arith.minimumf %while3A_175, %masked_sort3A_186 : vector<16xf32>
          %masked_sort3A_189 = arith.constant dense<true> : vector<16xi1>
          %masked_sort3A_190, %masked_sort3A_191, %masked_sort3A_192 = tpu.sort %min3A_188, %min3A_188 masked %masked_sort3A_189 : (vector<16xf32>, vector<16xf32>, vector<16xi1>) -> (vector<16xi1>, vector<16xf32>, vector<16xf32>)
          scf.yield %masked_sort3A_191 : vector<16xf32>
        }
        %while3A_169 = arith.constant 1 : i32
        %while3A_170 = scf.for %while3A_174 = %while3A_166 to %while3A_162 step %while3A_169 iter_args(%while3A_175 = %while3A_168) -> (vector<16xf32>)  : i32 {
          %mul3A_176 = arith.constant 32 : i32
          %mul3A_177 = vector.broadcast %mul3A_176 : i32 to vector<16xi32>
          %mul3A_178 = arith.muli %iota3A, %mul3A_177 : vector<16xi32>
          %add3A_179 = vector.broadcast %while3A_174 : i32 to vector<16xi32>
          %add3A_180 = arith.addi %mul3A_178, %add3A_179 : vector<16xi32>
          %gather3A = tpu.vector_load_idx %arg8[%add3A_180] : memref<512xf32, #tpu.memory_space<vmem>>[vector<16xi32>], vector<16xf32>,
          %gt3A = vector.broadcast %while3A_174 : i32 to vector<16xi32>
          %gt3A_181 = arith.cmpi sgt, %parallel_loop3A_149, %gt3A : vector<16xi32>
          %broadcast_in_dim3A_182 = vector.broadcast %scan3A : f32 to vector<16xf32>
          %select_n3A_183 = arith.select %gt3A_181, %gather3A, %broadcast_in_dim3A_182 : vector<16xi1>, vector<16xf32>
          %masked_sort3A_184 = arith.constant dense<true> : vector<16xi1>
          %masked_sort3A_185, %masked_sort3A_186, %masked_sort3A_187 = tpu.sort %select_n3A_183, %select_n3A_183 masked %masked_sort3A_184 {descending = true} : (vector<16xf32>, vector<16xf32>, vector<16xi1>) -> (vector<16xi1>, vector<16xf32>, vector<16xf32>)
          %min3A_188 = arith.minimumf %while3A_175, %masked_sort3A_186 : vector<16xf32>
          %masked_sort3A_189 = arith.constant dense<true> : vector<16xi1>
          %masked_sort3A_190, %masked_sort3A_191, %masked_sort3A_192 = tpu.sort %min3A_188, %min3A_188 masked %masked_sort3A_189 : (vector<16xf32>, vector<16xf32>, vector<16xi1>) -> (vector<16xi1>, vector<16xf32>, vector<16xf32>)
          scf.yield %masked_sort3A_191 : vector<16xf32>
        }
        %swap3A = arith.index_cast %add3A_68 : i32 to index
        %swap3A_171 = arith.constant 0 : index
        %swap3A_172 = tpu.vector_load %arg10[%swap3A, %swap3A_171] {strides = array<i32>} : memref<128x16xf32, #tpu.memory_space<vmem>>, vector<16xf32>,
        tpu.vector_store %arg10[%swap3A, %swap3A_171], %while3A_170 {strides = array<i32>} : memref<128x16xf32, #tpu.memory_space<vmem>>, vector<16xf32>,
        %scan3A_173 = arith.constant 0 : i32
        scf.yield %scan3A_173 : i32
      }
      %scan3A_62 = arith.constant 8 : i32
      %scan3A_63 = arith.constant 0 : i32
      scf.yield %scan3A_63 : i32
    }
    %scan3A_16 = arith.constant 8 : i32
    "tpu.region"() ({
      %run_scoped3A = tpu.sem_alloc : memref<!tpu.dma_semaphore, #tpu.memory_space<semaphore_mem>>
      %dma_start3A_17 = arith.constant 0 : i32
      %dma_start3A_18 = tpu.memref_slice %arg4[%mul3A_2, %dma_start3A_17] : memref<4096x16xf32, #tpu.memory_space<hbm>> -> memref<128x16xf32, #tpu.memory_space<hbm>>
      %dma_start3A_19 = arith.constant 0 : i32
      %dma_start3A_20 = tpu.memref_slice %arg4[%mul3A_2, %dma_start3A_19] : memref<4096x16xf32, #tpu.memory_space<hbm>> -> memref<128x16xf32, #tpu.memory_space<hbm>>
      tpu.enqueue_dma source(%arg10 : memref<128x16xf32, #tpu.memory_space<vmem>>) target(%dma_start3A_20 : memref<128x16xf32, #tpu.memory_space<hbm>>) target_semaphore(%run_scoped3A : memref<!tpu.dma_semaphore, #tpu.memory_space<semaphore_mem>>)
      %dma_wait3A = arith.constant 0 : i32
      %dma_wait3A_21 = tpu.memref_slice %arg4[%mul3A_2, %dma_wait3A] : memref<4096x16xf32, #tpu.memory_space<hbm>> -> memref<128x16xf32, #tpu.memory_space<hbm>>
      %dma_wait3A_22 = arith.constant 0 : i32
      %dma_wait3A_23 = tpu.memref_slice %arg4[%mul3A_2, %dma_wait3A_22] : memref<4096x16xf32, #tpu.memory_space<hbm>> -> memref<128x16xf32, #tpu.memory_space<hbm>>
      tpu.wait_dma2 semaphore(%run_scoped3A : memref<!tpu.dma_semaphore, #tpu.memory_space<semaphore_mem>>) src(%arg10 : memref<128x16xf32, #tpu.memory_space<vmem>>) dst(%dma_wait3A_23 : memref<128x16xf32, #tpu.memory_space<hbm>>)
      tpu.yield
    }) : () -> ()
    return
  }
}

module attributes {stable_mosaic.version = 14 : i64} {
  func.func @_dist_body(%arg0: i32, %arg1: memref<1x512x32xf32, #tpu.memory_space<vmem>>, %arg2: memref<1x4096x32xf32, #tpu.memory_space<vmem>>, %arg3: memref<512x2048xf32, #tpu.memory_space<vmem>>, %arg4: memref<512x32xf32, #tpu.memory_space<vmem>>) attributes {dimension_semantics = [#tpu.dimension_semantics<arbitrary>], iteration_bounds = array<i64: 8>, scalar_prefetch = 0 : i64, scratch_operands = 0 : i64, tpu.core_type = #tpu.core_type<tc>, window_params = [{transform_indices = @transform_0, window_bounds = array<i64: 1, 512, 32>}, {pipeline_mode = #tpu.pipeline_mode<synchronous>, transform_indices = @transform_1, window_bounds = array<i64: 1, 4096, 32>}, {transform_indices = @transform_2, window_bounds = array<i64: 512, 2048>}, {transform_indices = @transform_3, window_bounds = array<i64: 512, 32>}]} {
    %get3A = arith.constant 0 : index
    %get3A_0 = arith.constant 0 : index
    %get3A_1 = arith.constant 0 : index
    %get3A_2 = vector.load %arg1[%get3A, %get3A_0, %get3A_1] : memref<1x512x32xf32, #tpu.memory_space<vmem>>, vector<1x512x32xf32>
    %get3A_3 = vector.shape_cast %get3A_2 : vector<1x512x32xf32> to vector<512x32xf32>
    %get3A_4 = arith.constant 0 : index
    %get3A_5 = arith.constant 0 : index
    %get3A_6 = arith.constant 0 : index
    %get3A_7 = vector.load %arg2[%get3A_4, %get3A_5, %get3A_6] : memref<1x4096x32xf32, #tpu.memory_space<vmem>>, vector<1x4096x32xf32>
    %get3A_8 = vector.shape_cast %get3A_7 : vector<1x4096x32xf32> to vector<4096x32xf32>
    %mul3A = arith.mulf %get3A_3, %get3A_3 : vector<512x32xf32>
    %reduce_sum3A = arith.constant dense<0.000000e+00> : vector<512xf32>
    %reduce_sum3A_9 = vector.multi_reduction <add>, %mul3A, %reduce_sum3A [1] : vector<512x32xf32> to vector<512xf32>
    %mul3A_10 = arith.mulf %get3A_8, %get3A_8 : vector<4096x32xf32>
    %reduce_sum3A_11 = arith.constant dense<0.000000e+00> : vector<4096xf32>
    %reduce_sum3A_12 = vector.multi_reduction <add>, %mul3A_10, %reduce_sum3A_11 [1] : vector<4096x32xf32> to vector<4096xf32>
    %mul3A_13 = arith.constant -2.000000e+00 : f32
    %mul3A_14 = vector.broadcast %mul3A_13 : f32 to vector<512x32xf32>
    %mul3A_15 = arith.mulf %get3A_3, %mul3A_14 : vector<512x32xf32>
    %broadcast_in_dim3A = vector.shape_cast %reduce_sum3A_9 : vector<512xf32> to vector<512x1xf32>
    %broadcast_in_dim3A_16 = arith.constant 1.000000e+00 : f32
    %broadcast_in_dim3A_17 = vector.broadcast %broadcast_in_dim3A_16 : f32 to vector<512x1xf32>
    %concatenate3A = tpu.concatenate %mul3A_15, %broadcast_in_dim3A, %broadcast_in_dim3A_17 in 1 : vector<512x32xf32>, vector<512x1xf32>, vector<512x1xf32> -> vector<512x34xf32>
    %broadcast_in_dim3A_18 = arith.constant 1.000000e+00 : f32
    %broadcast_in_dim3A_19 = vector.broadcast %broadcast_in_dim3A_18 : f32 to vector<4096x1xf32>
    %broadcast_in_dim3A_20 = vector.shape_cast %reduce_sum3A_12 : vector<4096xf32> to vector<4096x1xf32>
    %concatenate3A_21 = tpu.concatenate %get3A_8, %broadcast_in_dim3A_19, %broadcast_in_dim3A_20 in 1 : vector<4096x32xf32>, vector<4096x1xf32>, vector<4096x1xf32> -> vector<4096x34xf32>
    %dot_general3A = arith.constant dense<0.000000e+00> : vector<512x4096xf32>
    %dot_general3A_22 = tpu.matmul %concatenate3A, %concatenate3A_21, %dot_general3A {dimension_numbers = #tpu.dot_dimension_numbers<[1], [1], [0], [0], [0, 0, 1, 0], [], []>, transpose_lhs_hint = false} : vector<512x34xf32>, vector<4096x34xf32>, vector<512x4096xf32> -> vector<512x4096xf32>
    %convert_element_type3A = arith.truncf %dot_general3A_22 : vector<512x4096xf32> to vector<512x4096xbf16>
    %slice3A = vector.extract_strided_slice %convert_element_type3A {offsets = [0, 0], sizes = [512, 2048], strides = [1, 1]} : vector<512x4096xbf16> to vector<512x2048xbf16>
    %slice3A_23 = vector.extract_strided_slice %convert_element_type3A {offsets = [0, 2048], sizes = [512, 2048], strides = [1, 1]} : vector<512x4096xbf16> to vector<512x2048xbf16>
    %min3A = arith.minimumf %slice3A, %slice3A_23 : vector<512x2048xbf16>
    %reshape3A = vector.shape_cast %min3A : vector<512x2048xbf16> to vector<512x32x64xbf16>
    %reduce_min3A = arith.constant dense<0x7F80> : vector<512x32xbf16>
    %reduce_min3A_24 = vector.multi_reduction <minimumf>, %reshape3A, %reduce_min3A [2] : vector<512x32x64xbf16> to vector<512x32xbf16>
    %convert_element_type3A_25 = arith.extf %reduce_min3A_24 : vector<512x32xbf16> to vector<512x32xf32>
    %swap3A = arith.constant 0 : index
    %swap3A_26 = arith.constant 0 : index
    %swap3A_27 = vector.load %arg4[%swap3A, %swap3A_26] : memref<512x32xf32, #tpu.memory_space<vmem>>, vector<512x32xf32>
    tpu.vector_store %arg4[%swap3A, %swap3A_26], %convert_element_type3A_25 {strides = array<i32>} : memref<512x32xf32, #tpu.memory_space<vmem>>, vector<512x32xf32>,
    %bitcast_convert_type3A = tpu.bitcast %slice3A : vector<512x2048xbf16> -> vector<512x2048xi16>
    %bitcast_convert_type3A_28 = tpu.bitcast %slice3A_23 : vector<512x2048xbf16> -> vector<512x2048xi16>
    %convert_element_type3A_29 = arith.extui %bitcast_convert_type3A : vector<512x2048xi16> to vector<512x2048xi32>
    %convert_element_type3A_30 = arith.extui %bitcast_convert_type3A_28 : vector<512x2048xi16> to vector<512x2048xi32>
    %shift_left3A = arith.constant 16 : i32
    %shift_left3A_31 = vector.broadcast %shift_left3A : i32 to vector<512x2048xi32>
    %shift_left3A_32 = arith.shli %convert_element_type3A_30, %shift_left3A_31 : vector<512x2048xi32>
    %or3A = arith.ori %convert_element_type3A_29, %shift_left3A_32 : vector<512x2048xi32>
    %bitcast_convert_type3A_33 = tpu.bitcast %or3A : vector<512x2048xi32> -> vector<512x2048xf32>
    %swap3A_34 = arith.constant 0 : index
    %swap3A_35 = arith.constant 0 : index
    %swap3A_36 = vector.load %arg3[%swap3A_34, %swap3A_35] : memref<512x2048xf32, #tpu.memory_space<vmem>>, vector<512x2048xf32>
    tpu.vector_store %arg3[%swap3A_34, %swap3A_35], %bitcast_convert_type3A_33 {strides = array<i32>} : memref<512x2048xf32, #tpu.memory_space<vmem>>, vector<512x2048xf32>,
    return
  }
  func.func @transform_0(%arg0: i32) -> (i32, i32, i32) {
    %c0_i32 = arith.constant 0 : i32
    %c0_i32_0 = arith.constant 0 : i32
    %c0_i32_1 = arith.constant 0 : i32
    return %c0_i32, %arg0, %c0_i32_0 : i32, i32, i32
  }
  func.func @transform_1(%arg0: i32) -> (i32, i32, i32) {
    %c0_i32 = arith.constant 0 : i32
    %c0_i32_0 = arith.constant 0 : i32
    %c0_i32_1 = arith.constant 0 : i32
    %c0_i32_2 = arith.constant 0 : i32
    return %c0_i32, %c0_i32_0, %c0_i32_1 : i32, i32, i32
  }
  func.func @transform_2(%arg0: i32) -> (i32, i32) {
    %c0_i32 = arith.constant 0 : i32
    %c0_i32_0 = arith.constant 0 : i32
    return %arg0, %c0_i32 : i32, i32
  }
  func.func @transform_3(%arg0: i32) -> (i32, i32) {
    %c0_i32 = arith.constant 0 : i32
    %c0_i32_0 = arith.constant 0 : i32
    return %arg0, %c0_i32 : i32, i32
  }
}

module attributes {stable_mosaic.version = 14 : i64} {
  func.func @_estimator_body(%arg0: memref<4096x16xf32, #tpu.memory_space<vmem>>, %arg1: memref<4096x16xf32, #tpu.memory_space<vmem>>, %arg2: memref<2x1xf32, #tpu.memory_space<vmem>>) attributes {dimension_semantics = [], scalar_prefetch = 0 : i64, scratch_operands = 0 : i64, tpu.core_type = #tpu.core_type<tc>} {
    %iota3A = tpu.iota {dimensions = array<i32: 1>} : vector<4096x16xi32>
    %eq3A = arith.constant 10 : i32
    %eq3A_0 = vector.broadcast %eq3A : i32 to vector<4096x16xi32>
    %eq3A_1 = arith.cmpi eq, %iota3A, %eq3A_0 : vector<4096x16xi32>
    %ge3A = arith.constant 1 : i32
    %ge3A_2 = vector.broadcast %ge3A : i32 to vector<4096x16xi32>
    %ge3A_3 = arith.cmpi sge, %iota3A, %ge3A_2 : vector<4096x16xi32>
    %le3A = arith.constant 9 : i32
    %le3A_4 = vector.broadcast %le3A : i32 to vector<4096x16xi32>
    %le3A_5 = arith.cmpi sle, %iota3A, %le3A_4 : vector<4096x16xi32>
    %and3A = arith.andi %ge3A_3, %le3A_5 : vector<4096x16xi1>
    %jit3A = arith.constant -1.000000e+00 : f32
    %jit3A_6 = arith.constant 0.000000e+00 : f32
    %broadcast_in_dim3A = vector.broadcast %jit3A : f32 to vector<4096x16xf32>
    %broadcast_in_dim3A_7 = vector.broadcast %jit3A_6 : f32 to vector<4096x16xf32>
    %select_n3A = arith.select %and3A, %broadcast_in_dim3A, %broadcast_in_dim3A_7 : vector<4096x16xi1>, vector<4096x16xf32>
    %jit3A_8 = arith.constant 9.000000e+00 : f32
    %broadcast_in_dim3A_9 = vector.broadcast %jit3A_8 : f32 to vector<4096x16xf32>
    %select_n3A_10 = arith.select %eq3A_1, %broadcast_in_dim3A_9, %select_n3A : vector<4096x16xi1>, vector<4096x16xf32>
    %get3A = arith.constant 0 : index
    %get3A_11 = arith.constant 0 : index
    %get3A_12 = vector.load %arg0[%get3A, %get3A_11] : memref<4096x16xf32, #tpu.memory_space<vmem>>, vector<4096x16xf32>
    %max3A = arith.constant 9.99999996E-13 : f32
    %max3A_13 = vector.broadcast %max3A : f32 to vector<4096x16xf32>
    %max3A_14 = arith.maximumf %get3A_12, %max3A_13 : vector<4096x16xf32>
    %ne3A = arith.constant 0.000000e+00 : f32
    %ne3A_15 = vector.broadcast %ne3A : f32 to vector<4096x16xf32>
    %ne3A_16 = arith.cmpf one, %select_n3A_10, %ne3A_15 : vector<4096x16xf32>
    %jit3A_17 = arith.constant 1.000000e+00 : f32
    %broadcast_in_dim3A_18 = vector.broadcast %jit3A_17 : f32 to vector<4096x16xf32>
    %select_n3A_19 = arith.select %ne3A_16, %max3A_14, %broadcast_in_dim3A_18 : vector<4096x16xi1>, vector<4096x16xf32>
    %log3A = math.log %select_n3A_19 : vector<4096x16xf32>
    %mul3A = arith.constant 5.000000e-01 : f32
    %mul3A_20 = vector.broadcast %mul3A : f32 to vector<4096x16xf32>
    %mul3A_21 = arith.mulf %mul3A_20, %log3A : vector<4096x16xf32>
    %mul3A_22 = arith.mulf %mul3A_21, %select_n3A_10 : vector<4096x16xf32>
    %reduce_sum3A = vector.shape_cast %mul3A_22 : vector<4096x16xf32> to vector<1x4096x16xf32>
    %reduce_sum3A_23 = arith.constant dense<0.000000e+00> : vector<1xf32>
    %reduce_sum3A_24 = vector.multi_reduction <add>, %reduce_sum3A, %reduce_sum3A_23 [1, 2] : vector<1x4096x16xf32> to vector<1xf32>
    %reduce_sum3A_25 = vector.shape_cast %reduce_sum3A_24 : vector<1xf32> to vector<1x1x1xf32>
    %reduce_sum3A_26 = vector.extract %reduce_sum3A_25[0, 0, 0] : f32 from vector<1x1x1xf32>
    %get3A_27 = arith.constant 0 : index
    %get3A_28 = arith.constant 0 : index
    %get3A_29 = vector.load %arg1[%get3A_27, %get3A_28] : memref<4096x16xf32, #tpu.memory_space<vmem>>, vector<4096x16xf32>
    %max3A_30 = arith.constant 9.99999996E-13 : f32
    %max3A_31 = vector.broadcast %max3A_30 : f32 to vector<4096x16xf32>
    %max3A_32 = arith.maximumf %get3A_29, %max3A_31 : vector<4096x16xf32>
    %ne3A_33 = arith.constant 0.000000e+00 : f32
    %ne3A_34 = vector.broadcast %ne3A_33 : f32 to vector<4096x16xf32>
    %ne3A_35 = arith.cmpf one, %select_n3A_10, %ne3A_34 : vector<4096x16xf32>
    %jit3A_36 = arith.constant 1.000000e+00 : f32
    %broadcast_in_dim3A_37 = vector.broadcast %jit3A_36 : f32 to vector<4096x16xf32>
    %select_n3A_38 = arith.select %ne3A_35, %max3A_32, %broadcast_in_dim3A_37 : vector<4096x16xi1>, vector<4096x16xf32>
    %log3A_39 = math.log %select_n3A_38 : vector<4096x16xf32>
    %mul3A_40 = arith.constant 5.000000e-01 : f32
    %mul3A_41 = vector.broadcast %mul3A_40 : f32 to vector<4096x16xf32>
    %mul3A_42 = arith.mulf %mul3A_41, %log3A_39 : vector<4096x16xf32>
    %mul3A_43 = arith.mulf %mul3A_42, %select_n3A_10 : vector<4096x16xf32>
    %reduce_sum3A_44 = vector.shape_cast %mul3A_43 : vector<4096x16xf32> to vector<1x4096x16xf32>
    %reduce_sum3A_45 = arith.constant dense<0.000000e+00> : vector<1xf32>
    %reduce_sum3A_46 = vector.multi_reduction <add>, %reduce_sum3A_44, %reduce_sum3A_45 [1, 2] : vector<1x4096x16xf32> to vector<1xf32>
    %reduce_sum3A_47 = vector.shape_cast %reduce_sum3A_46 : vector<1xf32> to vector<1x1x1xf32>
    %reduce_sum3A_48 = vector.extract %reduce_sum3A_47[0, 0, 0] : f32 from vector<1x1x1xf32>
    %iota3A_49 = tpu.iota {dimensions = array<i32: 0>} : vector<2x1xi32>
    %eq3A_50 = arith.constant 0 : i32
    %eq3A_51 = vector.broadcast %eq3A_50 : i32 to vector<2x1xi32>
    %eq3A_52 = arith.cmpi eq, %iota3A_49, %eq3A_51 : vector<2x1xi32>
    %broadcast_in_dim3A_53 = vector.broadcast %reduce_sum3A_26 : f32 to vector<2x1xf32>
    %broadcast_in_dim3A_54 = vector.broadcast %reduce_sum3A_48 : f32 to vector<2x1xf32>
    %select_n3A_55 = arith.select %eq3A_52, %broadcast_in_dim3A_53, %broadcast_in_dim3A_54 : vector<2x1xi1>, vector<2x1xf32>
    %mul3A_56 = arith.constant 9.000000e+00 : f32
    %mul3A_57 = arith.constant 4.096000e+03 : f32
    %mul3A_58 = arith.mulf %mul3A_56, %mul3A_57 : f32
    %div3A = vector.broadcast %mul3A_58 : f32 to vector<2x1xf32>
    %div3A_59 = arith.divf %div3A, %select_n3A_55 : vector<2x1xf32>
    %swap3A = arith.constant 0 : index
    %swap3A_60 = arith.constant 0 : index
    %swap3A_61 = vector.load %arg2[%swap3A, %swap3A_60] : memref<2x1xf32, #tpu.memory_space<vmem>>, vector<2x1xf32>
    tpu.vector_store %arg2[%swap3A, %swap3A_60], %div3A_59 {strides = array<i32>} : memref<2x1xf32, #tpu.memory_space<vmem>>, vector<2x1xf32>,
    return
  }
}

</mosaic_0001>

<sc_bundles>
// kernel: kernel.10.cloned.1.call-start
scs
__scs_entry_jumppad:
0x0: {  	(pc) =	sbr.rel $0x88, $3  }
0x1: {  	(tag) =	ssettag $0x0;
	lr =	simm.s32 $0x1  }
0x2: {  	[smem:$0x3FA0] =	sst lr;
	_ =	strace $0xD0000000  }
0x3: {  	_ = 	snop  }
0x4: {  	_ = 	snop  }
0x5: {  	_ = 	snop  }
0x6: {  	_ = 	snop  }
0x7: {  	_ = 	snop  }
__scs_overlays_trampoline_lowered:
0x8: {  	[smem:$0x3FAF] =	sst s0  }
0x9: {  	[smem:$0x3FB0] =	sst s1  }
0xa: {  	[smem:$0x3FB1] =	sst s2  }
0xb: {  	[smem:$0x3FB2] =	sst s3  }
0xc: {  	[smem:$0x3FB3] =	sst s4  }
0xd: {  	[smem:$0x3FB4] =	sst s5  }
0xe: {  	[smem:$0x3FB5] =	sst s6  }
0xf: {  	[smem:$0x3FB6] =	sst s7  }
0x10: {  	[smem:$0x3FB7] =	sst s8  }
0x11: {  	[smem:$0x3FB8] =	sst s9;
	s0 =	simm.s32 @!p0 $0x0  }
0x12: {  	s1 =	sld [smem:$0x3F9E];
	s0 =	simm.s32 @p0 $0x1  }
0x13: {  	[smem:$0x3FB9] =	sst s0;
	s0 =	simm.s32 @!p1 $0x0  }
0x14: {  	s2 =	sld [smem:$0x3F9D];
	s0 =	simm.s32 @p1 $0x1  }
0x15: {  	[smem:$0x3FBA] =	sst s0;
	s0 =	simm.s32 @!p2 $0x0  }
0x16: {  	s3 =	sld [smem:$0x3FDB];
	s0 =	simm.s32 @p2 $0x1  }
0x17: {  	s4 =	simm.s32 $0x1BF5;
	[smem:$0x3FBC] =	sst s0  }
0x18: {  	s0 =	sld [smem:$0x3F9F];
	_ =	swait.ge [sflag:s4], $0x0  }
0x19: {  	s7 =	sld [smem:$0x3FA0]  }
0x1a: {  	s8 =	sadd.s32 $0xFFFFE003, lr  }
0x1b: {  	s9 =	sadd.s32 $0xFFFFFEF7, lr;
	s5 =	simm.s32 $0xFFFFFFFF;
	p2 =	slt.u32 s8, $0xFFFFF086  }
0x1c: {  	p1 =	slt.u32 s9, $0xF7A;
	s5 =	simm.s32 @!p2 $0x0  }
0x1d: {  	s5 =	simm.s32 @p1 $0x1;
	p0 =	seq.s32 s7, s2  }
0x1e: {  	s7 =	smul.u32 @!p0 $0xF7A, s2;
	p2 =	seq.s32 @!p0 s5, $0x0  }
0x1f: {  	s9 =	smul.u32 $0xF7A, s1;
	s8 =	simm.s32 @!p0 $0x1BF5;
	p2 =	por !p2, p0  }
0x20: {  	[sflag:s8] =	ssyncset.s32 @!p0 $0xFFFFF086;
	s6 =	sadd.s32 @!p0 s3, s7;
	s7 =	simm.s32 @!p0 $0x108  }
0x21: {  	s3 =	sadd.s32 s3, s9;
	s6 =	sadd.s32 @!p0 $0x88, s6;
	s7 =	simm.s32 @p2 $0x1082  }
0x22: {  	[simem:s7], [sflag:s8] =	dma.local @!p0 [hbm:s6], $0xF7A  }
0x23: {  	s9 =	sor.u32 $0xD0000000, s2;
	s6 =	simm.s32 $0x108;
	_ =	swait.ge @!p0 [sflag:s8], $0x0  }
0x24: {  	s3 =	sadd.s32 $0x88, s3;
	s6 =	simm.s32 @!p1 $0x1082;
	[sflag:s4] =	ssyncset.s32 $0xFFFFF086  }
0x25: {  	[simem:s6], [sflag:s4] =	dma.local [hbm:s3], $0xF7A  }
0x26: {  	[smem:$0x3FA0] =	sst s1;
	(tag) =	ssettag s2;
	_ =	strace s9  }
0x27: {  	s1 =	sld [smem:$0x3FB0]  }
0x28: {  	s2 =	sld [smem:$0x3FB1]  }
0x29: {  	s4 =	sld [smem:$0x3FB3]  }
0x2a: {  	p0 =	seq.s32 s5, $0x0;
	s5 =	sld [smem:$0x3FB4]  }
0x2b: {  	s6 =	sld [smem:$0x3FB5]  }
0x2c: {  	s7 =	sld [smem:$0x3FB6]  }
0x2d: {  	s3 =	simm.s32 $0x108;
	s8 =	sld [smem:$0x3FB7]  }
0x2e: {  	s3 =	simm.s32 @!p0 $0x1082;
	s9 =	sld [smem:$0x3FB8]  }
0x2f: {  	lr =	sadd.s32 s0, s3;
	s0 =	sld [smem:$0x3FAF]  }
0x30: {  	s3 =	sld [smem:$0x3FB2]  }
0x31: {  	[smem:$0x3FBB] =	sst s10  }
0x32: {  	s10 =	sld [smem:$0x3FB9];
	_ =	sdelay $0x3  }
0x33: {  	p0 =	seq.s32 s10, $0x1;
	s10 =	sld [smem:$0x3FBB];
	_ =	sdelay $0x3  }
0x34: {  	[smem:$0x3FBB] =	sst s10  }
0x35: {  	s10 =	sld [smem:$0x3FBA];
	_ =	sdelay $0x3  }
0x36: {  	p1 =	seq.s32 s10, $0x1;
	s10 =	sld [smem:$0x3FBB];
	_ =	sdelay $0x3  }
0x37: {  	[smem:$0x3FBB] =	sst s10  }
0x38: {  	s10 =	sld [smem:$0x3FBC]  }
0x39: {  	_ = 	snop;
	(pc) =	sbr.ind lr, $3  }
0x3a: {  	_ = 	snop  }
0x3b: {  	_ = 	snop  }
0x3c: {  	p2 =	seq.s32 s10, $0x1;
	s10 =	sld [smem:$0x3FBB]  }
0x3d: {  	_ =	shalt  }
0x3e: {  	_ =	shalt  }
0x3f: {  	_ =	shalt  }
0x40: {  	_ =	shalt  }
0x41: {  	_ =	shalt  }
0x42: {  	_ =	shalt  }
0x43: {  	_ =	shalt  }
0x44: {  	_ =	shalt  }
0x45: {  	_ =	shalt  }
0x46: {  	_ =	shalt  }
0x47: {  	_ =	shalt  }
0x48: {  	_ =	shalt  }
0x49: {  	_ =	shalt  }
0x4a: {  	_ =	shalt  }
0x4b: {  	_ =	shalt  }
0x4c: {  	_ =	shalt  }
0x4d: {  	_ =	shalt  }
0x4e: {  	_ =	shalt  }
0x4f: {  	_ =	shalt  }
0x50: {  	_ =	shalt  }
0x51: {  	_ =	shalt  }
0x52: {  	_ =	shalt  }
0x53: {  	_ =	shalt  }
0x54: {  	_ =	shalt  }
0x55: {  	_ =	shalt  }
0x56: {  	_ =	shalt  }
0x57: {  	_ =	shalt  }
0x58: {  	_ =	shalt  }
0x59: {  	_ =	shalt  }
0x5a: {  	_ =	shalt  }
0x5b: {  	_ =	shalt  }
0x5c: {  	_ =	shalt  }
0x5d: {  	_ =	shalt  }
0x5e: {  	_ =	shalt  }
0x5f: {  	_ =	shalt  }
0x60: {  	_ =	shalt  }
0x61: {  	_ =	shalt  }
0x62: {  	_ =	shalt  }
0x63: {  	_ =	shalt  }
0x64: {  	_ =	shalt  }
0x65: {  	_ =	shalt  }
0x66: {  	_ =	shalt  }
0x67: {  	_ =	shalt  }
0x68: {  	_ =	shalt  }
0x69: {  	_ =	shalt  }
0x6a: {  	_ =	shalt  }
0x6b: {  	_ =	shalt  }
0x6c: {  	_ =	shalt  }
0x6d: {  	_ =	shalt  }
0x6e: {  	_ =	shalt  }
0x6f: {  	_ =	shalt  }
0x70: {  	_ =	shalt  }
0x71: {  	_ =	shalt  }
0x72: {  	_ =	shalt  }
0x73: {  	_ =	shalt  }
0x74: {  	_ =	shalt  }
0x75: {  	_ =	shalt  }
0x76: {  	_ =	shalt  }
0x77: {  	_ =	shalt  }
0x78: {  	_ =	shalt  }
0x79: {  	_ =	shalt  }
0x7a: {  	_ =	shalt  }
0x7b: {  	_ =	shalt  }
0x7c: {  	_ =	shalt  }
0x7d: {  	_ =	shalt  }
0x7e: {  	_ =	shalt  }
0x7f: {  	_ =	shalt  }
0x80: {  	_ =	shalt  }
0x81: {  	_ =	shalt  }
0x82: {  	_ =	shalt  }
0x83: {  	_ =	shalt  }
0x84: {  	_ =	shalt  }
0x85: {  	_ =	shalt  }
0x86: {  	_ =	shalt  }
0x87: {  	_ =	shalt  }
.Lfunc_end0:
.L_simem_size_0:
called_computation.1_lowered:
.L_overlay_start_0:
0x88: {  	s2 =	sld [smem:$0x3FD9]  }
0x89: {  	s3 =	sld [smem:$0x3FFE];
	_ =	sdelay $0x1  }
0x8a: {  	s1 =	srdreg.scid  }
0x8b: {  	s0 =	sand.u32 $0x1, s1  }
0x8c: {  	s17 =	sshll.u32 s0, $0xA;
	s2 =	sadd.s32 s3, s2  }
0x8d: {  	s2 =	sadd.s32 s2, s17  }
0x8e: {  	[smem:$0x3FC7] =	sst s2  }
0x8f: {  	_ = 	snop  }
0x90: {  	(tm) =	ssettm $0x1  }
0x91: {  	s18 =	sld [smem:$0x3FFB];
	_ =	sdelay $0x3  }
0x92: {  	_ =	strace s18  }
0x93: {  	s2 =	sld [smem:$0x3FFC];
	_ =	sdelay $0x3  }
0x94: {  	_ =	strace s2  }
0x95: {  	s2 =	sld [smem:$0x3FFD];
	_ =	sdelay $0x3  }
0x96: {  	_ =	strace s2  }
0x97: {  	_ =	strace $0x8FFFFFFF  }
0x98: {  	s19 =	sld [smem:$0x3FDB];
	_ =	sdelay $0x1  }
0x99: {  	s20 =	simm.s32 $_scs_section_size  }
0x9a: {  	s4 =	simm.s32 $_size__tile_overlayer_lowered;
	s5 =	simm.s32 $_tile_overlayer_lowered  }
0x9b: {  	s6 =	simm.s32 $0x1BFF;
	s21 =	sshll.u32 s5, $0x1;
	s3 =	sadd.s32 s20, s19  }
0x9c: {  	s22 =	simm.s32 $0x0;
	s4 =	sshll.u32 s4, $0x1;
	s5 =	sadd.s32 s21, s3  }
0x9d: {  	[timem:s22], [sflag:s6] =	dma.local [hbm:s5], s4  }
0x9e: {  	_ =	swait.ge [sflag:s6], s4  }
0x9f: {  	s4 =	ssub.s32 $0x0, s4;
	[sflag:s6] =	ssyncset.done $0x0  }
0xa0: {  	[sflag:s6] =	ssyncadd.s32 s4;
	_ =	sdelay $0x1  }
0xa1: {  	s23 =	simm.s32 $0x1B8B  }
0xa2: {  	_ =	swait.ge [sflag:s23], $0x1  }
0xa3: {  	[sflag:s23] =	ssyncset.done $0x0  }
0xa4: {  	[sflag:s23] =	ssyncadd.s32 $0xFFFFFFFF  }
0xa5: {  	s4 =	sld [smem:$0x0]  }
0xa6: {  	s5 =	sand.u32 $0xFFFFFFFE, s1  }
0xa7: {  	p0 =	sne.s32 s1, s5  }
0xa8: {  	s5 =	sshll.u32 @p0 s5, $0xE  }
0xa9: {  	s5 =	sadd.s32 @p0 $0x11B8D, s5;
	s6 =	sshll.u32 @p0 s4, $0x11  }
0xaa: {  	s5 =	sor.u32 @p0 s6, s5  }
0xab: {  	[sflag:s5] =	ssyncadd.remote.s32 @p0 $0x1;
	_ =	sdelay $0x1  }
0xac: {  	s5 =	simm.s32 @p0 $0x1B8D  }
0xad: {  	_ =	swait.eq @p0 [sflag:s5], $0x1  }
0xae: {  	[sflag:s5] =	ssyncadd.s32 @p0 $0xFFFFFFFF  }
0xaf: {  	s6 =	sshll.u32 @!p0 s1, $0xE  }
0xb0: {  	s6 =	sor.u32 @!p0 $0x4000, s6;
	s5 =	simm.s32 @!p0 $0x1B8D  }
0xb1: {  	s4 =	sshll.u32 @!p0 s4, $0x11;
	s6 =	sadd.s32 @!p0 $0x11B8D, s6;
	_ =	swait.eq @!p0 [sflag:s5], $0x1  }
0xb2: {  	s4 =	sor.u32 @!p0 s4, s6;
	[sflag:s5] =	ssyncadd.s32 @!p0 $0xFFFFFFFF  }
0xb3: {  	s25 =	simm.s32 $0x1B8E;
	s24 =	sld [smem:$0x3FFE];
	[sflag:s4] =	ssyncadd.remote.s32 @!p0 $0x1  }
0xb4: {  	s26 =	simm.s32 $execute0_lowered;
	[smem:$0x3FD2] =	sst s25  }
0xb5: {  	s5 =	sshll.u32 s26, $0x1;
	_ =	strace $0x80000049;
	[dreg:$0x1] =	wrdreg $0xFFFFFFFF  }
0xb6: {  	s28 =	simm.s32 $_size_execute0_lowered;
	s3 =	sadd.s32 s3, s5;
	[dreg:$0x0] =	wrdreg $0x0  }
0xb7: {  	s5 =	sshll.u32 s28, $0x1;
	[dreg:$0x2] =	wrdreg s3  }
0xb8: {  	[dreg:$0x3] =	wrdreg s5  }
0xb9: {  	[dreg:$0x4] =	wrdreg $0xC0  }
0xba: {  	_ =	task [dreg:s22], $0x5FFFF  }
0xbb: {  	[dreg:$0x1] =	wrdreg $0xFFFFFFFF  }
0xbc: {  	[dreg:$0x0] =	wrdreg $0x60  }
0xbd: {  	[dreg:$0x2] =	wrdreg s24  }
0xbe: {  	[dreg:$0x3] =	wrdreg $0xA  }
0xbf: {  	_ =	task.clear_ibuf [dreg:s22], $0x4FFFF;
	_ =	strace $0x90000049  }
0xc0: {  	s29 =	simm.s32 $0xA;
	_ =	strace $0x8000004B  }
0xc1: {  	_ =	swait.ge [sflag:s29], $0x1  }
0xc2: {  	[sflag:s29] =	ssyncadd.s32 $0xFFFFFFFF  }
0xc3: {  	_ =	strace $0x9000004B  }
0xc4: {  	_ =	sfence  }
0xc5: {  	s30 =	sld [smem:$0x0];
	_ =	sdelay $0x2  }
0xc6: {  	s31 =	sshll.u32 s1, $0xD;
	s1 =	sshrl.u32 s1, $0x2  }
0xc7: {  	s4 =	sand.u32 $0x4000, s31;
	s1 =	sadd.s32 s1, s30  }
0xc8: {  	s0 =	sor.u32 s4, s0;
	s1 =	sshll.u32 s1, $0x11  }
0xc9: {  	s0 =	sor.u32 s1, s0  }
0xca: {  	s0 =	sadd.s32 $0x8F2B, s0  }
0xcb: {  	[sflag:s0] =	ssyncadd.remote.s32 $0x1  }
0xcc: {  	_ =	sfence.sel $0xFFFF  }
0xcd: {  	[dreg:$0x0] =	wrdreg $0xFFFFFFFF;
	(pc) =	sbr.abs _section_cstart, $3  }
0xce: {  	[dreg:$0x1] =	wrdreg $0xFFFFFFFF  }
0xcf: {  	_ =	task.clear_ibuf [dreg:s22], $0x2FFFF;
	_ =	strace $0x9FFFFFFF  }
0xd0: {  	(tm) =	ssettm $0x7FFFFFFF  }
0xd1: {  	_ =	shalt  }
tec
execute0_lowered:
.L_overlay_start_1:
0x0: {  	(tag) =	ssettag $0x1  }
0x1: {  	s4 =	rddreg [dreg:$0x0]  }
0x2: {  	s0 =	rddreg [dreg:$0x1]  }
0x3: {  	s2 =	simm.s32 $0x0;
	s3 =	srdreg.scid;
	s1 =	stileid.u32  }
0x4: {  	s11 =	simm.s32 $0x3;
	s12 =	simm.s32 $0x4000;
	s13 =	simm.s32 $0x1  }
0x5: {  	s14 =	simm.s32 $0x9200;
	s15 =	simm.s32 $0x9000;
	s16 =	simm.s32 $0x2  }
0x6: {  	s17 =	simm.s32 $0x9280;
	s18 =	simm.s32 $0x0;
	[smem:$0x7FF] =	sst s2  }
0x7: {  	s5 =	sand.u32 $0x1, s3;
	s31 =	sshll.u32 s1, $0x1;
	s3 =	sadd.s32 $0x114E00, s4  }
0x8: {  	_ =	strace $0x8000004A;
	s6 =	sor.u32 s5, s31;
	s5 =	ssub.s32 $0x2, s5  }
.Ltmp0:
0x9: {  	s7 =	sshll.u32 s6, $0x9;
	s8 =	sshll.u32 s6, $0xB;
	(pc) =	sbr.rel .LBB2_1-.Ltmp0, $4  }
0xa: {  	s9 =	sshrl.u32 s5, $0x1;
	s10 =	sshll.u32 s6, $0xF;
	s7 =	sadd.s32 s7, s4  }
0xb: {  	v0 =	vlaneseq.u32;
	s8 =	sadd.s32 s8, s4;
	s9 =	ssub.s32 s5, s9;
	s4 =	sshll.u32 s6, $0x7  }
0xc: {  	v3 =	vmul.u32 $0x20, v0;
	s6 =	sadd.s32 s3, s10;
	s10 =	simm.s32 $0x8000;
	s5 =	sadd.s32 $0x214E00, s7  }
0xd: {  	vm0 =	vcmask $0x272C;
	v1 =	vimm.s32 $0x0;
	v2 =	vor.u32 $0x10, v0;
	s7 =	sor.u32 $0x10, s4;
	s8 =	sadd.s32 $0x218E00, s8;
	s9 =	smax.u32 s9, $0x1  }
.LBB2_31:
0xe: {  	s18 =	sadd.s32 $0x1, s18  }
0xf: {  	p0 =	sne.s32 s18, s9  }
.Ltmp1:
0x10: {  	_ = 	snop;
	(pc) =	sbr.rel @!p0 .LBB2_32-.Ltmp1, $4  }
0x11: {  	[hbm4b:s8+s2] =	stream.linear.scatter [tilespmem:s17], [sflag:$0x3], $0x4000, $0x38;
	[tilespmem:$0xD280] =	vst v63  }
0x12: {  	_ =	swait.ge [sflag:s11], $0x4000  }
0x13: {  	[sflag:s11] =	ssyncset.done $0x0  }
0x14: {  	[sflag:s11] =	ssyncadd.s32 $0xFFFFC000  }
.LBB2_1:
0x15: {  	[tilespmem:s10], [sflag:$0x3] =	stream.linear.gather [hbm4b:s5+s2], $0x1000, $0x38;
	[tilespmem:$0xD280] =	vst v63  }
.Ltmp2:
0x16: {  	_ = 	snop;
	(pc) =	sbr.rel .LBB2_2-.Ltmp2, $4  }
0x17: {  	_ =	swait.ge [sflag:s11], $0x1000  }
0x18: {  	[sflag:s11] =	ssyncset.done $0x0  }
0x19: {  	s19 =	simm.s32 $0x0;
	[sflag:s11] =	ssyncadd.s32 $0xFFFFF000  }
0x1a: {  	[tilespmem:s2], [sflag:$0x1] =	stream.linear.gather [hbm4b:s6+s2], $0x4000, $0x38;
	[tilespmem:$0xD280] =	vst v63  }
.LBB2_30:
0x1b: {  	s19 =	sadd.s32 $0x1, s19  }
0x1c: {  	p0 =	sne.s32 s19, $0x8  }
.Ltmp3:
0x1d: {  	_ = 	snop;
	(pc) =	sbr.rel @!p0 .LBB2_31-.Ltmp3, $1  }
0x1e: {  	_ =	sdelay $0x3  }
.LBB2_2:
0x1f: {  	s21 =	sshll.u32 s19, $0x4  }
0x20: {  	s20 =	sor.u32 $0x8, s21  }
0x21: {  	s22 =	sadd.s32 s4, s20  }
0x22: {  	s22 =	sshll.u32 s22, $0x8  }
.Ltmp4:
0x23: {  	s23 =	sadd.s32 s3, s22;
	s22 =	simm.s32 $0x0;
	(pc) =	sbr.rel .LBB2_3-.Ltmp4, $4  }
0x24: {  	[tilespmem:s12], [sflag:$0x2] =	stream.linear.gather [hbm4b:s23+s22], $0x4000, $0x38;
	[tilespmem:$0xD280] =	vst v63  }
0x25: {  	_ =	swait.ge [sflag:s13], $0x4000  }
0x26: {  	[sflag:s13] =	ssyncset.done $0x0  }
0x27: {  	[sflag:s13] =	ssyncadd.s32 $0xFFFFC000  }
.LBB2_8:
0x28: {  	_ = 	snop  }
.LBB2_14:
0x29: {  	_ =	sdelay $0x6  }
0x2a: {  	v5, _, _ =	vpop (xrf1)  }
0x2b: {  	v6, _, _ =	vpop @p0 (xrf1)  }
0x2c: {  	v4 =	vpsel p0, v6, v4  }
0x2d: {  	v4 =	vmin.f32 v4, v5  }
0x2e: {  	(xrf1) =	vsort.ascd.msk.f32 $0xffff, v4, v4;
	_ =	sdelay $0xd  }
0x2f: {  	v4, _, _ =	vpop (xrf1)  }
.LBB2_15:
0x30: {  	s22 =	sadd.s32 $0x1, s22  }
0x31: {  	p0 =	sne.s32 s22, $0x8  }
.Ltmp5:
0x32: {  	_ = 	snop;
	(pc) =	sbr.rel @!p0 .LBB2_16-.Ltmp5, $4  }
0x33: {  	_ = 	snop  }
0x34: {  	s23 =	sshll.u32 s23, $0x7  }
0x35: {  	s23 =	sand.u32 $0x3FFFFF80, s23  }
0x36: {  	[tilespmem:s23+$0x9280] =	vst v4  }
.LBB2_3:
0x37: {  	s23 =	sor.u32 s21, s22  }
0x38: {  	s24 =	sshll.u32 s23, $0x5  }
0x39: {  	s24 =	sand.u32 $0x3FFFFFE0, s24  }
0x3a: {  	v5 =	vld [tilespmem:s24+$0x8000]  }
0x3b: {  	v6 =	vld [tilespmem:s24+$0x8010];
	_ =	sdelay $0x3  }
0x3c: {  	(xrf1) =	vsort.ascd.msk.f32 $0xffff, v5, v5  }
0x3d: {  	(xrf1) =	vsort.dscd.msk.f32 $0xffff, v6, v6;
	_ =	sdelay $0xc  }
0x3e: {  	v4, _, _ =	vpop (xrf1)  }
0x3f: {  	v7, _, _ =	vpop (xrf1)  }
0x40: {  	v4 =	vmin.f32 v4, v7  }
0x41: {  	(xrf1) =	vsort.ascd.msk.f32 $0xffff, v4, v4;
	_ =	sdelay $0xd  }
0x42: {  	v4, _, _ =	vpop (xrf1)  }
0x43: {  	v4 =	vsel vm0, $0xFF800000, v4  }
0x44: {  	(xrf0) =	vmax.scan.msk.f32 $0xffff, v4;
	_ =	sdelay $0x5  }
0x45: {  	v4, _, _ =	vpop (xrf0)  }
0x46: {  	v4 =	vbroadcast v4, $0xF;
	_ =	sdelay $0x1  }
0x47: {  	vm1 =	vle.f32 v5, v4  }
0x48: {  	v5 =	vsel vm1, $0x1, v1  }
0x49: {  	(xrf0) =	vadd.scan.msk.s32 $0xffff, v5;
	_ =	sdelay $0x5  }
0x4a: {  	v5, _, _ =	vpop (xrf0)  }
0x4b: {  	v7 =	vadd.s32 $0x7FFFFFFF, v5  }
0x4c: {  	(xrf0) =	vmax.scan.msk.u32 $0xffff, v7;
	_ =	sdelay $0x5  }
0x4d: {  	v7, _, _ =	vpop (xrf0)  }
0x4e: {  	(v2sf) =	vpush v7, $0xF;
	_ =	sdelay $0xb  }
0x4f: {  	vm2 =	vle.f32 v6, v4  }
0x50: {  	v6 =	vsel vm2, $0x1, v1  }
0x51: {  	(xrf0) =	vadd.scan.msk.s32 $0xffff, v6  }
0x52: {  	s31 =	spop (v2sf)  }
0x53: {  	s24 =	sadd.s32 $0x80000001, s31  }
0x54: {  	v6 =	vmov s24  }
0x55: {  	v6 =	vadd.s32 $0xFFFFFFFF, v6  }
0x56: {  	v6 =	vbroadcast v6, $0x0  }
0x57: {  	v7, _, _ =	vpop (xrf0)  }
0x58: {  	v6 =	vadd.s32 v7, v6  }
0x59: {  	v7 =	vxor.u32 $0x80000000, v6  }
0x5a: {  	(xrf0) =	vmax.scan.msk.u32 $0xffff, v7;
	_ =	sdelay $0x5  }
0x5b: {  	v7, _, _ =	vpop (xrf0)  }
0x5c: {  	(v2sf) =	vpush v7, $0xF;
	_ =	sdelay $0xe  }
0x5d: {  	v5 =	vadd.s32 $0xFFFFFFFF, v5;
	s24 =	spop (v2sf)  }
0x5e: {  	p0 =	sgt.s32 s24, $0xFFFFFFFE  }
.Ltmp6:
0x5f: {  	_ = 	snop;
	(pc) =	sbr.rel @p0 .LBB2_6-.Ltmp6, $3  }
0x60: {  	_ =	sdelay $0x1  }
0x61: {  	[tilespmem:v5+s14+$0x0] =	vst.idx.msk vm1, v0  }
0x62: {  	v5 =	vimm.s32 $0x0;
	[tilespmem:v6+s14+$0x0] =	vst.idx.msk vm2, v2  }
0x63: {  	v6 =	vld [tilespmem:$0x9200]  }
0x64: {  	v7 =	vld [tilespmem:$0x9210];
	_ =	sdelay $0x1  }
0x65: {  	s24 =	sand.u32 $0x7FFFFFFF, s24;
	s29 =	simm.s32 $0x0  }
0x66: {  	s25 =	sadd.s32 $0x1, s24;
	s24 =	sand.u32 $0xF, s29  }
0x67: {  	p0 =	por $0x1, $0x1;
	v9 =	vmov s24  }
0x68: {  	vm1 =	veq.s32 v9, v0;
	v10 =	vpsel p0, v6, v7  }
0x69: {  	v9 =	vnsel vm1, $0x0, v10  }
0x6a: {  	(xrf0) =	vadd.scan.msk.s32 $0xffff, v9;
	_ =	sdelay $0x5  }
0x6b: {  	v9, _, _ =	vpop (xrf0)  }
0x6c: {  	(v2sf) =	vpush v9, $0xF;
	_ =	sdelay $0xc  }
0x6d: {  	s26 =	sshll.u32 s22, $0x7  }
0x6e: {  	v5 =	vmov s26  }
0x6f: {  	s30 =	spop (v2sf)  }
0x70: {  	s31 =	sshll.u32 s30, $0x6;
	s24 =	sshll.u32 s30, $0x9  }
0x71: {  	s26 =	sand.u32 $0x40, s31;
	s24 =	sand.u32 $0xFFFFFC00, s24  }
0x72: {  	s24 =	sor.u32 s26, s24  }
0x73: {  	v9 =	vld.idx.msk [tilespmem:v5+s24+$0x0 ss:$0x1], $0xffff;
	_ =	sdelay $0x4  }
0x74: {  	v8 =	vimm.s32 $0x0;
	v11 =	vunpack.i.l.bf16.f32 v9  }
0x75: {  	vm3 =	vlt.s32 v8, $0x20;
	vm2 =	vle.f32 v11, v4  }
0x76: {  	vm4 =	vlt.s32 v8, $0x1F;
	v9 =	vunpack.i.u.bf16.f32 v9;
	v10 =	vsel vm2, $0x1, v1  }
0x77: {  	vm1 =	vle.f32 v9, v4;
	vm2 =	vmand vm3, vm2;
	v10 =	vadd.s32 v10, v8  }
0x78: {  	v8 =	vnsel vm4, $0x1F, v8;
	vm3 =	vlt.s32 v10, $0x1F;
	vm15 =	vlt.s32 v10, $0x20  }
0x79: {  	v8 =	vadd.s32 v3, v8;
	v12 =	vnsel vm3, $0x1F, v10;
	vm3 =	vmand vm1, vm15  }
0x7a: {  	v12 =	vadd.s32 v3, v12  }
0x7b: {  	p1 =	seq.s32 s25, $0x1  }
.Ltmp7:
0x7c: {  	_ = 	snop;
	(pc) =	sbr.rel @p1 .LBB2_5-.Ltmp7, $4  }
0x7d: {  	_ = 	snop  }
0x7e: {  	[tilespmem:v8+s15+$0x0] =	vst.idx.msk vm2, v11  }
0x7f: {  	[tilespmem:v12+s15+$0x0] =	vst.idx.msk vm3, v9  }
0x80: {  	p0 =	por $0x0, $0x0;
	s26 =	simm.s32 $0x1;
	v13 =	vld.idx.msk [tilespmem:v5+s24+$0x10 ss:$0x1], $0xffff  }
0x81: {  	_ =	sdelay $0x1  }
0x82: {  	p0 =	por $0x1, $0x1;
	s26 =	sand.u32 $0xF, s26  }
0x83: {  	v9 =	vsel vm1, $0x1, v1;
	v8 =	vpsel p0, v6, v7;
	v11 =	vmov s26  }
0x84: {  	v9 =	vadd.s32 v9, v10;
	vm1 =	veq.s32 v11, v0;
	v10 =	vunpack.i.l.bf16.f32 v13  }
0x85: {  	vm3 =	vlt.s32 v9, $0x1F;
	vm4 =	vlt.s32 v9, $0x20;
	vm2 =	vle.f32 v10, v4  }
0x86: {  	v8 =	vnsel vm1, $0x0, v8;
	v11 =	vunpack.i.u.bf16.f32 v13;
	v12 =	vsel vm2, $0x1, v1  }
0x87: {  	v13 =	vnsel vm3, $0x1F, v9;
	vm3 =	vle.f32 v11, v4;
	v9 =	vadd.s32 v12, v9  }
0x88: {  	vm2 =	vmand vm4, vm2;
	vm4 =	vlt.s32 v9, $0x1F;
	vm5 =	vlt.s32 v9, $0x20  }
0x89: {  	(xrf0) =	vadd.scan.msk.s32 $0xffff, v8;
	v12 =	vadd.s32 v3, v13;
	v13 =	vnsel vm4, $0x1F, v9;
	vm4 =	vmand vm3, vm5  }
0x8a: {  	v13 =	vadd.s32 v3, v13;
	_ =	sdelay $0x3  }
0x8b: {  	[tilespmem:v12+s15+$0x0] =	vst.idx.msk vm2, v10  }
0x8c: {  	v10, _, _ =	vpop (xrf0);
	[tilespmem:v13+s15+$0x0] =	vst.idx.msk vm4, v11  }
0x8d: {  	(v2sf) =	vpush v10, $0xF;
	v8 =	vld.idx.msk [tilespmem:v5+s24+$0x20 ss:$0x1], $0xffff;
	_ =	sdelay $0x3  }
0x8e: {  	v10 =	vsel vm3, $0x1, v1  }
0x8f: {  	v9 =	vadd.s32 v10, v9;
	v10 =	vunpack.i.l.bf16.f32 v8  }
0x90: {  	vm2 =	vlt.s32 v9, $0x1F;
	vm1 =	vle.f32 v10, v4  }
0x91: {  	vm3 =	vlt.s32 v9, $0x20;
	v8 =	vunpack.i.u.bf16.f32 v8;
	v11 =	vsel vm1, $0x1, v1  }
0x92: {  	v12 =	vnsel vm2, $0x1F, v9;
	vm2 =	vle.f32 v8, v4;
	v11 =	vadd.s32 v11, v9  }
0x93: {  	vm1 =	vmand vm3, vm1;
	vm3 =	vlt.s32 v11, $0x1F;
	vm4 =	vlt.s32 v11, $0x20  }
0x94: {  	v9 =	vadd.s32 v3, v12;
	v12 =	vnsel vm3, $0x1F, v11;
	vm3 =	vmand vm2, vm4  }
0x95: {  	v12 =	vadd.s32 v3, v12;
	_ =	sdelay $0x3  }
0x96: {  	s30 =	spop (v2sf);
	[tilespmem:v9+s15+$0x0] =	vst.idx.msk vm1, v10  }
0x97: {  	s28 =	sshll.u32 s30, $0x6;
	s26 =	sshll.u32 s30, $0x9;
	[tilespmem:v12+s15+$0x0] =	vst.idx.msk vm3, v8  }
0x98: {  	s31 =	sand.u32 $0x40, s28;
	s26 =	sand.u32 $0xFFFFFC00, s26;
	v9 =	vld.idx.msk [tilespmem:v5+s24+$0x30 ss:$0x1], $0xffff  }
0x99: {  	s24 =	sor.u32 s31, s26  }
0x9a: {  	v10 =	vld.idx.msk [tilespmem:v5+s24+$0x0 ss:$0x1], $0xffff;
	_ =	sdelay $0x2  }
0x9b: {  	v12 =	vsel vm2, $0x1, v1;
	v8 =	vunpack.i.l.bf16.f32 v9  }
0x9c: {  	v11 =	vadd.s32 v12, v11;
	v9 =	vunpack.i.u.bf16.f32 v9;
	vm3 =	vle.f32 v8, v4  }
0x9d: {  	vm2 =	vle.f32 v9, v4;
	v13 =	vunpack.i.l.bf16.f32 v10;
	v12 =	vsel vm3, $0x1, v1  }
0x9e: {  	v15 =	vunpack.i.u.bf16.f32 v10;
	v14 =	vsel vm2, $0x1, v1;
	v12 =	vadd.s32 v12, v11  }
0x9f: {  	vm4 =	vle.f32 v13, v4;
	vm1 =	vle.f32 v15, v4;
	v14 =	vadd.s32 v14, v12  }
0xa0: {  	v10 =	vsel vm4, $0x1, v1;
	vm5 =	vlt.s32 v14, $0x20;
	vm6 =	vlt.s32 v14, $0x1F  }
0xa1: {  	v10 =	vadd.s32 v10, v14;
	vm4 =	vmand vm5, vm4;
	v14 =	vnsel vm6, $0x1F, v14  }
0xa2: {  	vm5 =	vlt.s32 v10, $0x1F;
	vm13 =	vlt.s32 v10, $0x20;
	v14 =	vadd.s32 v3, v14  }
0xa3: {  	v16 =	vnsel vm5, $0x1F, v10;
	vm5 =	vmand vm1, vm13  }
0xa4: {  	v16 =	vadd.s32 v3, v16  }
0xa5: {  	p1 =	seq.s32 s25, $0x2;
	vm14 =	vlt.s32 v11, $0x1F  }
.Ltmp8:
0xa6: {  	vm15 =	vlt.s32 v11, $0x20;
	v17 =	vnsel vm14, $0x1F, v11;
	(pc) =	sbr.rel @p1 .LBB2_11-.Ltmp8, $4  }
0xa7: {  	vm3 =	vmand vm15, vm3;
	vm7 =	vlt.s32 v12, $0x1F;
	[tilespmem:v14+s15+$0x0] =	vst.idx.msk vm4, v13;
	vm4 =	vlt.s32 v12, $0x20  }
0xa8: {  	v18 =	vnsel vm7, $0x1F, v12;
	v12 =	vadd.s32 v3, v17;
	vm2 =	vmand vm2, vm4  }
0xa9: {  	v11 =	vadd.s32 v3, v18;
	[tilespmem:v16+s15+$0x0] =	vst.idx.msk vm5, v15  }
0xaa: {  	p0 =	por $0x1, $0x1;
	s26 =	simm.s32 $0x2;
	v13 =	vld.idx.msk [tilespmem:v5+s24+$0x10 ss:$0x1], $0xffff  }
.LBB2_10:
0xab: {  	_ = 	snop  }
0xac: {  	s28 =	smov.u32 s26;
	s26 =	sadd.s32 $0x1, s26  }
0xad: {  	p1 =	seq.s32 s25, s26;
	[tilespmem:v12+s15+$0x0] =	vst.idx.msk vm3, v8  }
0xae: {  	p2 =	slt.u32 s28, $0x10;
	[tilespmem:v11+s15+$0x0] =	vst.idx.msk vm2, v9  }
0xaf: {  	s28 =	sand.u32 $0xF, s28;
	v8 =	vpsel p2, v6, v7;
	v9 =	vsel vm1, $0x1, v1  }
0xb0: {  	v11 =	vmov s28;
	v9 =	vadd.s32 v9, v10;
	v10 =	vunpack.i.l.bf16.f32 v13  }
0xb1: {  	vm1 =	veq.s32 v11, v0;
	vm3 =	vlt.s32 v9, $0x1F;
	vm2 =	vle.f32 v10, v4  }
0xb2: {  	v11 =	vunpack.i.u.bf16.f32 v13;
	vm4 =	vlt.s32 v9, $0x20;
	v12 =	vsel vm2, $0x1, v1  }
0xb3: {  	v13 =	vnsel vm3, $0x1F, v9;
	vm3 =	vle.f32 v11, v4;
	v9 =	vadd.s32 v12, v9  }
0xb4: {  	vm2 =	vmand vm4, vm2;
	vm4 =	vlt.s32 v9, $0x1F;
	vm5 =	vlt.s32 v9, $0x20  }
0xb5: {  	v12 =	vadd.s32 v3, v13;
	v13 =	vnsel vm4, $0x1F, v9;
	vm4 =	vmand vm3, vm5  }
0xb6: {  	v8 =	vnsel vm1, $0x0, v8;
	v13 =	vadd.s32 v3, v13  }
0xb7: {  	(xrf0) =	vadd.scan.msk.s32 $0xffff, v8;
	_ =	sdelay $0x2  }
0xb8: {  	[tilespmem:v12+s15+$0x0] =	vst.idx.msk vm2, v10  }
0xb9: {  	[tilespmem:v13+s15+$0x0] =	vst.idx.msk vm4, v11  }
0xba: {  	v8 =	vld.idx.msk [tilespmem:v5+s24+$0x20 ss:$0x1], $0xffff  }
0xbb: {  	v10, _, _ =	vpop (xrf0)  }
0xbc: {  	(v2sf) =	vpush v10, $0xF;
	_ =	sdelay $0x2  }
0xbd: {  	v10 =	vsel vm3, $0x1, v1  }
0xbe: {  	v9 =	vadd.s32 v10, v9;
	v10 =	vunpack.i.l.bf16.f32 v8  }
0xbf: {  	vm1 =	vlt.s32 v9, $0x1F;
	vm2 =	vle.f32 v10, v4  }
0xc0: {  	vm3 =	vlt.s32 v9, $0x20;
	v8 =	vunpack.i.u.bf16.f32 v8;
	v11 =	vsel vm2, $0x1, v1  }
0xc1: {  	v12 =	vnsel vm1, $0x1F, v9;
	vm1 =	vle.f32 v8, v4;
	v11 =	vadd.s32 v11, v9  }
0xc2: {  	vm2 =	vmand vm3, vm2;
	vm3 =	vlt.s32 v11, $0x1F;
	vm4 =	vlt.s32 v11, $0x20  }
0xc3: {  	v9 =	vadd.s32 v3, v12;
	v12 =	vnsel vm3, $0x1F, v11;
	vm3 =	vmand vm1, vm4  }
0xc4: {  	v12 =	vadd.s32 v3, v12;
	_ =	sdelay $0x3  }
0xc5: {  	[tilespmem:v9+s15+$0x0] =	vst.idx.msk vm2, v10  }
0xc6: {  	s28 =	spop (v2sf);
	[tilespmem:v12+s15+$0x0] =	vst.idx.msk vm3, v8  }
0xc7: {  	s29 =	sshll.u32 s28, $0x6;
	s28 =	sshll.u32 s28, $0x9;
	v9 =	vld.idx.msk [tilespmem:v5+s24+$0x30 ss:$0x1], $0xffff  }
0xc8: {  	s24 =	sand.u32 $0x40, s29;
	s28 =	sand.u32 $0xFFFFFC00, s28  }
0xc9: {  	s24 =	sor.u32 s24, s28  }
0xca: {  	v10 =	vld.idx.msk [tilespmem:v5+s24+$0x0 ss:$0x1], $0xffff;
	_ =	sdelay $0x2  }
0xcb: {  	v8 =	vunpack.i.l.bf16.f32 v9  }
0xcc: {  	v12 =	vsel vm1, $0x1, v1;
	v9 =	vunpack.i.u.bf16.f32 v9;
	vm3 =	vle.f32 v8, v4  }
0xcd: {  	v11 =	vadd.s32 v12, v11;
	vm2 =	vle.f32 v9, v4;
	v12 =	vsel vm3, $0x1, v1  }
0xce: {  	v14 =	vsel vm2, $0x1, v1;
	v13 =	vunpack.i.l.bf16.f32 v10;
	v12 =	vadd.s32 v12, v11  }
0xcf: {  	v15 =	vunpack.i.u.bf16.f32 v10;
	vm4 =	vle.f32 v13, v4;
	v14 =	vadd.s32 v14, v12  }
0xd0: {  	vm1 =	vle.f32 v15, v4;
	vm5 =	vlt.s32 v14, $0x20;
	v10 =	vsel vm4, $0x1, v1  }
0xd1: {  	vm6 =	vlt.s32 v14, $0x1F;
	vm4 =	vmand vm5, vm4;
	v10 =	vadd.s32 v10, v14  }
0xd2: {  	v14 =	vnsel vm6, $0x1F, v14;
	vm5 =	vlt.s32 v10, $0x1F;
	vm6 =	vlt.s32 v10, $0x20  }
0xd3: {  	v14 =	vadd.s32 v3, v14;
	v16 =	vnsel vm5, $0x1F, v10;
	vm5 =	vmand vm1, vm6  }
0xd4: {  	vm7 =	vlt.s32 v12, $0x1F;
	vm6 =	vlt.s32 v11, $0x1F;
	v16 =	vadd.s32 v3, v16  }
0xd5: {  	v18 =	vnsel vm7, $0x1F, v12;
	v17 =	vnsel vm6, $0x1F, v11;
	vm6 =	vlt.s32 v12, $0x20  }
.Ltmp9:
0xd6: {  	vm7 =	vlt.s32 v11, $0x20;
	v11 =	vadd.s32 v3, v18;
	vm2 =	vmand vm2, vm6;
	(pc) =	sbr.rel @!p1 .LBB2_10-.Ltmp9, $4  }
0xd7: {  	vm3 =	vmand vm7, vm3;
	v12 =	vadd.s32 v3, v17  }
0xd8: {  	[tilespmem:v14+s15+$0x0] =	vst.idx.msk vm4, v13  }
0xd9: {  	[tilespmem:v16+s15+$0x0] =	vst.idx.msk vm5, v15  }
0xda: {  	v13 =	vld.idx.msk [tilespmem:v5+s24+$0x10 ss:$0x1], $0xffff  }
.LBB2_11:
0xdb: {  	_ =	sdelay $0x2  }
0xdc: {  	v6 =	vsel vm1, $0x1, v1  }
0xdd: {  	v6 =	vadd.s32 v6, v10;
	v7 =	vunpack.i.l.bf16.f32 v13  }
0xde: {  	vm4 =	vlt.s32 v6, $0x1F;
	vm1 =	vle.f32 v7, v4  }
0xdf: {  	vm5 =	vlt.s32 v6, $0x20;
	v51 =	vunpack.i.u.bf16.f32 v13;
	v52 =	vsel vm1, $0x1, v1  }
0xe0: {  	v14 =	vnsel vm4, $0x1F, v6;
	vm9 =	vle.f32 v51, v4;
	v6 =	vadd.s32 v52, v6  }
0xe1: {  	vm1 =	vmand vm5, vm1;
	vm10 =	vlt.s32 v6, $0x1F;
	vm6 =	vlt.s32 v6, $0x20  }
0xe2: {  	v53 =	vadd.s32 v3, v14;
	v54 =	vnsel vm10, $0x1F, v6;
	vm11 =	vmand vm9, vm6  }
0xe3: {  	v14 =	vadd.s32 v3, v54;
	_ =	sdelay $0x3  }
0xe4: {  	[tilespmem:v53+s15+$0x0] =	vst.idx.msk vm1, v7  }
0xe5: {  	[tilespmem:v14+s15+$0x0] =	vst.idx.msk vm11, v51  }
0xe6: {  	v7 =	vld.idx.msk [tilespmem:v5+s24+$0x20 ss:$0x1], $0xffff;
	_ =	sdelay $0x3  }
0xe7: {  	v55 =	vsel vm9, $0x1, v1  }
0xe8: {  	v6 =	vadd.s32 v55, v6;
	v56 =	vunpack.i.l.bf16.f32 v7  }
0xe9: {  	vm12 =	vlt.s32 v6, $0x1F;
	vm1 =	vle.f32 v56, v4  }
0xea: {  	vm13 =	vlt.s32 v6, $0x20;
	v7 =	vunpack.i.u.bf16.f32 v7;
	v57 =	vsel vm1, $0x1, v1  }
0xeb: {  	v58 =	vnsel vm12, $0x1F, v6;
	vm14 =	vle.f32 v7, v4;
	v6 =	vadd.s32 v57, v6  }
0xec: {  	vm1 =	vmand vm13, vm1;
	vm15 =	vlt.s32 v6, $0x1F;
	vm9 =	vlt.s32 v6, $0x20  }
0xed: {  	v59 =	vadd.s32 v3, v58;
	v60 =	vnsel vm15, $0x1F, v6;
	vm10 =	vmand vm14, vm9  }
0xee: {  	v14 =	vadd.s32 v3, v60;
	_ =	sdelay $0x3  }
0xef: {  	[tilespmem:v59+s15+$0x0] =	vst.idx.msk vm1, v56  }
0xf0: {  	[tilespmem:v14+s15+$0x0] =	vst.idx.msk vm10, v7  }
0xf1: {  	v5 =	vld.idx.msk [tilespmem:v5+s24+$0x30 ss:$0x1], $0xffff;
	_ =	sdelay $0x4  }
0xf2: {  	v61 =	vsel vm14, $0x1, v1;
	v7 =	vunpack.i.l.bf16.f32 v5  }
0xf3: {  	v62 =	vunpack.i.u.bf16.f32 v5;
	v5 =	vadd.s32 v61, v6;
	vm1 =	vle.f32 v7, v4  }
0xf4: {  	vm11 =	vle.f32 v62, v4;
	vm13 =	vlt.s32 v5, $0x20;
	v6 =	vsel vm1, $0x1, v1  }
0xf5: {  	vm12 =	vlt.s32 v5, $0x1F;
	vm1 =	vmand vm13, vm1;
	v4 =	vadd.s32 v6, v5  }
0xf6: {  	v6 =	vnsel vm12, $0x1F, v5;
	vm14 =	vlt.s32 v4, $0x1F;
	vm15 =	vlt.s32 v4, $0x20  }
0xf7: {  	v6 =	vadd.s32 v3, v6;
	v5 =	vnsel vm14, $0x1F, v4;
	vm5 =	vmand vm11, vm15  }
0xf8: {  	v63 =	vadd.s32 v3, v5;
	_ =	sdelay $0x1  }
0xf9: {  	[tilespmem:v12+s15+$0x0] =	vst.idx.msk @p0 vm3, v8  }
0xfa: {  	[tilespmem:v11+s15+$0x0] =	vst.idx.msk @p0 vm2, v9  }
0xfb: {  	v5 =	vsel vm11, $0x1, v1;
	[tilespmem:v6+s15+$0x0] =	vst.idx.msk vm1, v7  }
0xfc: {  	v5 =	vadd.s32 v5, v4;
	[tilespmem:v63+s15+$0x0] =	vst.idx.msk vm5, v62  }
.LBB2_6:
0xfd: {  	v4 =	vxor.u32 $0x80000000, v5  }
0xfe: {  	(xrf0) =	vmax.scan.msk.u32 $0xffff, v4;
	_ =	sdelay $0x5  }
0xff: {  	v4, _, _ =	vpop (xrf0)  }
0x100: {  	(v2sf) =	vpush v4, $0xF;
	_ =	sdelay $0xe  }
0x101: {  	s24 =	spop (v2sf)  }
0x102: {  	s24 =	sxor.u32 $0x80000000, s24  }
0x103: {  	p0 =	sgt.s32 s24, $0x0  }
.Ltmp10:
0x104: {  	_ = 	snop;
	(pc) =	sbr.rel @!p0 .LBB2_15-.Ltmp10, $2  }
0x105: {  	_ =	sdelay $0x2  }
0x106: {  	v4 =	vimm.f32 $+Inf  }
0x107: {  	s25 =	simm.s32 $0x0  }
0x108: {  	v6 =	vadd.s32 s25, v3;
	_ =	sdelay $0x4  }
0x109: {  	v6 =	vld.idx.msk [tilespmem:v6+s15+$0x0], $0xffff;
	_ =	sdelay $0x3  }
0x10a: {  	vm1 =	vgt.s32 v5, s25  }
0x10b: {  	p0 =	slt.s32 s24, $0x20;
	v6 =	vnsel vm1, $0x7F800000, v6  }
0x10c: {  	s24 =	simm.s32 @!p0 $0x20;
	(xrf1) =	vsort.dscd.msk.f32 $0xffff, v6, v6  }
0x10d: {  	p1 =	sne.s32 s24, $0x1  }
.Ltmp11:
0x10e: {  	_ = 	snop;
	(pc) =	sbr.rel @!p1 .LBB2_8-.Ltmp11, $2  }
0x10f: {  	_ =	sdelay $0x2  }
0x110: {  	s25 =	simm.s32 $0x1;
	p0 =	por $0x0, $0x0  }
0x111: {  	v6 =	vadd.s32 s25, v3;
	_ =	sdelay $0x4  }
0x112: {  	v6 =	vld.idx.msk [tilespmem:v6+s15+$0x0], $0xffff;
	_ =	sdelay $0x3  }
0x113: {  	vm1 =	vgt.s32 v5, s25  }
0x114: {  	v7, _, _ =	vpop (xrf1);
	v6 =	vnsel vm1, $0x7F800000, v6  }
0x115: {  	(xrf1) =	vsort.dscd.msk.f32 $0xffff, v6, v6;
	v6 =	vmin.f32 v4, v7  }
0x116: {  	p1 =	sne.s32 s24, $0x2;
	(xrf1) =	vsort.ascd.msk.f32 $0xffff, v6, v6  }
.Ltmp12:
0x117: {  	_ = 	snop;
	(pc) =	sbr.rel @!p1 .LBB2_14-.Ltmp12, $2  }
0x118: {  	_ =	sdelay $0x2  }
0x119: {  	s25 =	simm.s32 $0x2;
	p0 =	por $0x1, $0x1  }
.LBB2_13:
0x11a: {  	v6 =	vadd.s32 s25, v3;
	s26 =	smov.u32 s25  }
0x11b: {  	s25 =	sadd.s32 $0x1, s25  }
0x11c: {  	p1 =	sne.s32 s24, s25;
	_ =	sdelay $0x2  }
0x11d: {  	v6 =	vld.idx.msk [tilespmem:v6+s15+$0x0], $0xffff;
	_ =	sdelay $0x3  }
.Ltmp13:
0x11e: {  	(pc) =	sbr.rel @p1 .LBB2_13-.Ltmp13, $4  }
0x11f: {  	vm1 =	vgt.s32 v5, s26;
	v7, _, _ =	vpop (xrf1)  }
0x120: {  	v6 =	vnsel vm1, $0x7F800000, v6;
	v8, _, _ =	vpop (xrf1)  }
0x121: {  	(xrf1) =	vsort.dscd.msk.f32 $0xffff, v6, v6;
	v6 =	vmin.f32 v8, v7  }
0x122: {  	(xrf1) =	vsort.ascd.msk.f32 $0xffff, v6, v6  }
.Ltmp14:
0x123: {  	_ = 	snop;
	(pc) =	sbr.rel .LBB2_14-.Ltmp14, $1  }
0x124: {  	_ =	sdelay $0x3  }
.LBB2_5:
.Ltmp15:
0x125: {  	(pc) =	sbr.rel .LBB2_11-.Ltmp15, $2  }
0x126: {  	_ =	sdelay $0x2  }
0x127: {  	_ = 	snop  }
.LBB2_16:
0x128: {  	p0 =	seq.s32 s19, $0x7  }
0x129: {  	s21 =	sadd.s32 @!p0 s21, s7  }
0x12a: {  	s21 =	sshll.u32 @!p0 s21, $0x8  }
.Ltmp16:
0x12b: {  	s22 =	simm.s32 @!p0 $0x0;
	s21 =	sadd.s32 @!p0 s3, s21;
	(pc) =	sbr.rel .LBB2_17-.Ltmp16, $4  }
0x12c: {  	[tilespmem:s22], [sflag:$0x1] =	stream.linear.gather @!p0 [hbm4b:s21+s22], $0x4000, $0x38;
	[tilespmem:$0xD280] =	vst v63  }
0x12d: {  	_ =	swait.ge [sflag:s16], $0x4000  }
0x12e: {  	[sflag:s16] =	ssyncset.done $0x0  }
0x12f: {  	s21 =	simm.s32 $0x0;
	[sflag:s16] =	ssyncadd.s32 $0xFFFFC000  }
.LBB2_22:
0x130: {  	_ = 	snop  }
.LBB2_28:
0x131: {  	_ =	sdelay $0x6  }
0x132: {  	v5, _, _ =	vpop (xrf1)  }
0x133: {  	v6, _, _ =	vpop @p0 (xrf1)  }
0x134: {  	v4 =	vpsel p0, v6, v4  }
0x135: {  	v4 =	vmin.f32 v4, v5  }
0x136: {  	(xrf1) =	vsort.ascd.msk.f32 $0xffff, v4, v4;
	_ =	sdelay $0xd  }
0x137: {  	v4, _, _ =	vpop (xrf1)  }
.LBB2_29:
0x138: {  	s21 =	sadd.s32 $0x1, s21  }
0x139: {  	p0 =	sne.s32 s21, $0x8  }
.Ltmp17:
0x13a: {  	_ = 	snop;
	(pc) =	sbr.rel @!p0 .LBB2_30-.Ltmp17, $4  }
0x13b: {  	_ = 	snop  }
0x13c: {  	s22 =	sshll.u32 s22, $0x7  }
0x13d: {  	s22 =	sand.u32 $0x3FFFFF80, s22  }
0x13e: {  	[tilespmem:s22+$0x9280] =	vst v4  }
.LBB2_17:
0x13f: {  	s22 =	sor.u32 s20, s21  }
0x140: {  	s23 =	sshll.u32 s22, $0x5  }
0x141: {  	s23 =	sand.u32 $0x3FFFFFE0, s23  }
0x142: {  	v5 =	vld [tilespmem:s23+$0x8000]  }
0x143: {  	v6 =	vld [tilespmem:s23+$0x8010];
	_ =	sdelay $0x3  }
0x144: {  	(xrf1) =	vsort.ascd.msk.f32 $0xffff, v5, v5  }
0x145: {  	(xrf1) =	vsort.dscd.msk.f32 $0xffff, v6, v6;
	_ =	sdelay $0xc  }
0x146: {  	v4, _, _ =	vpop (xrf1)  }
0x147: {  	v7, _, _ =	vpop (xrf1)  }
0x148: {  	v4 =	vmin.f32 v4, v7  }
0x149: {  	(xrf1) =	vsort.ascd.msk.f32 $0xffff, v4, v4;
	_ =	sdelay $0xd  }
0x14a: {  	v4, _, _ =	vpop (xrf1)  }
0x14b: {  	v4 =	vsel vm0, $0xFF800000, v4  }
0x14c: {  	(xrf0) =	vmax.scan.msk.f32 $0xffff, v4;
	_ =	sdelay $0x5  }
0x14d: {  	v4, _, _ =	vpop (xrf0)  }
0x14e: {  	v4 =	vbroadcast v4, $0xF;
	_ =	sdelay $0x1  }
0x14f: {  	vm1 =	vle.f32 v5, v4  }
0x150: {  	v5 =	vsel vm1, $0x1, v1  }
0x151: {  	(xrf0) =	vadd.scan.msk.s32 $0xffff, v5;
	_ =	sdelay $0x5  }
0x152: {  	v5, _, _ =	vpop (xrf0)  }
0x153: {  	v7 =	vadd.s32 $0x7FFFFFFF, v5  }
0x154: {  	(xrf0) =	vmax.scan.msk.u32 $0xffff, v7;
	_ =	sdelay $0x5  }
0x155: {  	v7, _, _ =	vpop (xrf0)  }
0x156: {  	(v2sf) =	vpush v7, $0xF;
	_ =	sdelay $0xb  }
0x157: {  	vm2 =	vle.f32 v6, v4  }
0x158: {  	v6 =	vsel vm2, $0x1, v1  }
0x159: {  	(xrf0) =	vadd.scan.msk.s32 $0xffff, v6  }
0x15a: {  	s31 =	spop (v2sf)  }
0x15b: {  	s23 =	sadd.s32 $0x80000001, s31  }
0x15c: {  	v6 =	vmov s23  }
0x15d: {  	v6 =	vadd.s32 $0xFFFFFFFF, v6  }
0x15e: {  	v6 =	vbroadcast v6, $0x0  }
0x15f: {  	v7, _, _ =	vpop (xrf0)  }
0x160: {  	v6 =	vadd.s32 v7, v6  }
0x161: {  	v7 =	vxor.u32 $0x80000000, v6  }
0x162: {  	(xrf0) =	vmax.scan.msk.u32 $0xffff, v7;
	_ =	sdelay $0x5  }
0x163: {  	v7, _, _ =	vpop (xrf0)  }
0x164: {  	(v2sf) =	vpush v7, $0xF;
	_ =	sdelay $0xe  }
0x165: {  	v5 =	vadd.s32 $0xFFFFFFFF, v5;
	s23 =	spop (v2sf)  }
0x166: {  	p0 =	sgt.s32 s23, $0xFFFFFFFE  }
.Ltmp18:
0x167: {  	_ = 	snop;
	(pc) =	sbr.rel @p0 .LBB2_20-.Ltmp18, $3  }
0x168: {  	_ =	sdelay $0x1  }
0x169: {  	[tilespmem:v5+s14+$0x0] =	vst.idx.msk vm1, v0  }
0x16a: {  	v5 =	vimm.s32 $0x0;
	[tilespmem:v6+s14+$0x0] =	vst.idx.msk vm2, v2  }
0x16b: {  	v6 =	vld [tilespmem:$0x9200]  }
0x16c: {  	v7 =	vld [tilespmem:$0x9210];
	_ =	sdelay $0x1  }
0x16d: {  	s23 =	sand.u32 $0x7FFFFFFF, s23;
	s29 =	simm.s32 $0x0  }
0x16e: {  	s24 =	sadd.s32 $0x1, s23;
	s23 =	sand.u32 $0xF, s29  }
0x16f: {  	p0 =	por $0x1, $0x1;
	v9 =	vmov s23  }
0x170: {  	vm1 =	veq.s32 v9, v0;
	v10 =	vpsel p0, v6, v7  }
0x171: {  	v9 =	vnsel vm1, $0x0, v10  }
0x172: {  	(xrf0) =	vadd.scan.msk.s32 $0xffff, v9;
	_ =	sdelay $0x5  }
0x173: {  	v9, _, _ =	vpop (xrf0)  }
0x174: {  	(v2sf) =	vpush v9, $0xF;
	_ =	sdelay $0xc  }
0x175: {  	s25 =	sshll.u32 s21, $0x7  }
0x176: {  	v5 =	vmov s25  }
0x177: {  	s30 =	spop (v2sf)  }
0x178: {  	s31 =	sshll.u32 s30, $0x6;
	s23 =	sshll.u32 s30, $0x9  }
0x179: {  	s25 =	sand.u32 $0x40, s31;
	s23 =	sand.u32 $0xFFFFFC00, s23  }
0x17a: {  	s23 =	sor.u32 s25, s23  }
0x17b: {  	v9 =	vld.idx.msk [tilespmem:v5+s23+$0x4000 ss:$0x1], $0xffff;
	_ =	sdelay $0x4  }
0x17c: {  	v8 =	vimm.s32 $0x0;
	v11 =	vunpack.i.l.bf16.f32 v9  }
0x17d: {  	vm3 =	vlt.s32 v8, $0x20;
	vm2 =	vle.f32 v11, v4  }
0x17e: {  	vm4 =	vlt.s32 v8, $0x1F;
	v9 =	vunpack.i.u.bf16.f32 v9;
	v10 =	vsel vm2, $0x1, v1  }
0x17f: {  	vm1 =	vle.f32 v9, v4;
	vm2 =	vmand vm3, vm2;
	v10 =	vadd.s32 v10, v8  }
0x180: {  	v8 =	vnsel vm4, $0x1F, v8;
	vm3 =	vlt.s32 v10, $0x1F;
	vm15 =	vlt.s32 v10, $0x20  }
0x181: {  	v8 =	vadd.s32 v3, v8;
	v12 =	vnsel vm3, $0x1F, v10;
	vm3 =	vmand vm1, vm15  }
0x182: {  	v12 =	vadd.s32 v3, v12  }
0x183: {  	p1 =	seq.s32 s24, $0x1  }
.Ltmp19:
0x184: {  	_ = 	snop;
	(pc) =	sbr.rel @p1 .LBB2_19-.Ltmp19, $4  }
0x185: {  	_ = 	snop  }
0x186: {  	[tilespmem:v8+s15+$0x0] =	vst.idx.msk vm2, v11  }
0x187: {  	[tilespmem:v12+s15+$0x0] =	vst.idx.msk vm3, v9  }
0x188: {  	p0 =	por $0x0, $0x0;
	s25 =	simm.s32 $0x1;
	v13 =	vld.idx.msk [tilespmem:v5+s23+$0x4010 ss:$0x1], $0xffff  }
0x189: {  	_ =	sdelay $0x1  }
0x18a: {  	p0 =	por $0x1, $0x1;
	s25 =	sand.u32 $0xF, s25  }
0x18b: {  	v9 =	vsel vm1, $0x1, v1;
	v8 =	vpsel p0, v6, v7;
	v11 =	vmov s25  }
0x18c: {  	v9 =	vadd.s32 v9, v10;
	vm1 =	veq.s32 v11, v0;
	v10 =	vunpack.i.l.bf16.f32 v13  }
0x18d: {  	vm3 =	vlt.s32 v9, $0x1F;
	vm4 =	vlt.s32 v9, $0x20;
	vm2 =	vle.f32 v10, v4  }
0x18e: {  	v8 =	vnsel vm1, $0x0, v8;
	v11 =	vunpack.i.u.bf16.f32 v13;
	v12 =	vsel vm2, $0x1, v1  }
0x18f: {  	v13 =	vnsel vm3, $0x1F, v9;
	vm3 =	vle.f32 v11, v4;
	v9 =	vadd.s32 v12, v9  }
0x190: {  	vm2 =	vmand vm4, vm2;
	vm4 =	vlt.s32 v9, $0x1F;
	vm5 =	vlt.s32 v9, $0x20  }
0x191: {  	(xrf0) =	vadd.scan.msk.s32 $0xffff, v8;
	v12 =	vadd.s32 v3, v13;
	v13 =	vnsel vm4, $0x1F, v9;
	vm4 =	vmand vm3, vm5  }
0x192: {  	v13 =	vadd.s32 v3, v13;
	_ =	sdelay $0x3  }
0x193: {  	[tilespmem:v12+s15+$0x0] =	vst.idx.msk vm2, v10  }
0x194: {  	v10, _, _ =	vpop (xrf0);
	[tilespmem:v13+s15+$0x0] =	vst.idx.msk vm4, v11  }
0x195: {  	(v2sf) =	vpush v10, $0xF;
	v8 =	vld.idx.msk [tilespmem:v5+s23+$0x4020 ss:$0x1], $0xffff;
	_ =	sdelay $0x3  }
0x196: {  	v10 =	vsel vm3, $0x1, v1  }
0x197: {  	v9 =	vadd.s32 v10, v9;
	v10 =	vunpack.i.l.bf16.f32 v8  }
0x198: {  	vm2 =	vlt.s32 v9, $0x1F;
	vm1 =	vle.f32 v10, v4  }
0x199: {  	vm3 =	vlt.s32 v9, $0x20;
	v8 =	vunpack.i.u.bf16.f32 v8;
	v11 =	vsel vm1, $0x1, v1  }
0x19a: {  	v12 =	vnsel vm2, $0x1F, v9;
	vm2 =	vle.f32 v8, v4;
	v11 =	vadd.s32 v11, v9  }
0x19b: {  	vm1 =	vmand vm3, vm1;
	vm3 =	vlt.s32 v11, $0x1F;
	vm4 =	vlt.s32 v11, $0x20  }
0x19c: {  	v9 =	vadd.s32 v3, v12;
	v12 =	vnsel vm3, $0x1F, v11;
	vm3 =	vmand vm2, vm4  }
0x19d: {  	v12 =	vadd.s32 v3, v12;
	_ =	sdelay $0x3  }
0x19e: {  	s30 =	spop (v2sf);
	[tilespmem:v9+s15+$0x0] =	vst.idx.msk vm1, v10  }
0x19f: {  	s26 =	sshll.u32 s30, $0x6;
	s25 =	sshll.u32 s30, $0x9;
	[tilespmem:v12+s15+$0x0] =	vst.idx.msk vm3, v8  }
0x1a0: {  	s31 =	sand.u32 $0x40, s26;
	s25 =	sand.u32 $0xFFFFFC00, s25;
	v9 =	vld.idx.msk [tilespmem:v5+s23+$0x4030 ss:$0x1], $0xffff  }
0x1a1: {  	s23 =	sor.u32 s31, s25  }
0x1a2: {  	v10 =	vld.idx.msk [tilespmem:v5+s23+$0x4000 ss:$0x1], $0xffff;
	_ =	sdelay $0x2  }
0x1a3: {  	v12 =	vsel vm2, $0x1, v1;
	v8 =	vunpack.i.l.bf16.f32 v9  }
0x1a4: {  	v11 =	vadd.s32 v12, v11;
	v9 =	vunpack.i.u.bf16.f32 v9;
	vm3 =	vle.f32 v8, v4  }
0x1a5: {  	vm2 =	vle.f32 v9, v4;
	v13 =	vunpack.i.l.bf16.f32 v10;
	v12 =	vsel vm3, $0x1, v1  }
0x1a6: {  	v15 =	vunpack.i.u.bf16.f32 v10;
	v14 =	vsel vm2, $0x1, v1;
	v12 =	vadd.s32 v12, v11  }
0x1a7: {  	vm4 =	vle.f32 v13, v4;
	vm1 =	vle.f32 v15, v4;
	v14 =	vadd.s32 v14, v12  }
0x1a8: {  	v10 =	vsel vm4, $0x1, v1;
	vm5 =	vlt.s32 v14, $0x20;
	vm6 =	vlt.s32 v14, $0x1F  }
0x1a9: {  	v10 =	vadd.s32 v10, v14;
	vm4 =	vmand vm5, vm4;
	v14 =	vnsel vm6, $0x1F, v14  }
0x1aa: {  	vm5 =	vlt.s32 v10, $0x1F;
	vm13 =	vlt.s32 v10, $0x20;
	v14 =	vadd.s32 v3, v14  }
0x1ab: {  	v16 =	vnsel vm5, $0x1F, v10;
	vm5 =	vmand vm1, vm13  }
0x1ac: {  	v16 =	vadd.s32 v3, v16  }
0x1ad: {  	p1 =	seq.s32 s24, $0x2;
	vm14 =	vlt.s32 v11, $0x1F  }
.Ltmp20:
0x1ae: {  	vm15 =	vlt.s32 v11, $0x20;
	v17 =	vnsel vm14, $0x1F, v11;
	(pc) =	sbr.rel @p1 .LBB2_25-.Ltmp20, $4  }
0x1af: {  	vm3 =	vmand vm15, vm3;
	vm7 =	vlt.s32 v12, $0x1F;
	[tilespmem:v14+s15+$0x0] =	vst.idx.msk vm4, v13;
	vm4 =	vlt.s32 v12, $0x20  }
0x1b0: {  	v18 =	vnsel vm7, $0x1F, v12;
	v12 =	vadd.s32 v3, v17;
	vm2 =	vmand vm2, vm4  }
0x1b1: {  	v11 =	vadd.s32 v3, v18;
	[tilespmem:v16+s15+$0x0] =	vst.idx.msk vm5, v15  }
0x1b2: {  	p0 =	por $0x1, $0x1;
	s25 =	simm.s32 $0x2;
	v13 =	vld.idx.msk [tilespmem:v5+s23+$0x4010 ss:$0x1], $0xffff  }
.LBB2_24:
0x1b3: {  	_ = 	snop  }
0x1b4: {  	s26 =	smov.u32 s25;
	s25 =	sadd.s32 $0x1, s25  }
0x1b5: {  	p1 =	seq.s32 s24, s25;
	[tilespmem:v12+s15+$0x0] =	vst.idx.msk vm3, v8  }
0x1b6: {  	p2 =	slt.u32 s26, $0x10;
	[tilespmem:v11+s15+$0x0] =	vst.idx.msk vm2, v9  }
0x1b7: {  	s26 =	sand.u32 $0xF, s26;
	v8 =	vpsel p2, v6, v7;
	v9 =	vsel vm1, $0x1, v1  }
0x1b8: {  	v11 =	vmov s26;
	v9 =	vadd.s32 v9, v10;
	v10 =	vunpack.i.l.bf16.f32 v13  }
0x1b9: {  	vm1 =	veq.s32 v11, v0;
	vm3 =	vlt.s32 v9, $0x1F;
	vm2 =	vle.f32 v10, v4  }
0x1ba: {  	v11 =	vunpack.i.u.bf16.f32 v13;
	vm4 =	vlt.s32 v9, $0x20;
	v12 =	vsel vm2, $0x1, v1  }
0x1bb: {  	v13 =	vnsel vm3, $0x1F, v9;
	vm3 =	vle.f32 v11, v4;
	v9 =	vadd.s32 v12, v9  }
0x1bc: {  	vm2 =	vmand vm4, vm2;
	vm4 =	vlt.s32 v9, $0x1F;
	vm5 =	vlt.s32 v9, $0x20  }
0x1bd: {  	v12 =	vadd.s32 v3, v13;
	v13 =	vnsel vm4, $0x1F, v9;
	vm4 =	vmand vm3, vm5  }
0x1be: {  	v8 =	vnsel vm1, $0x0, v8;
	v13 =	vadd.s32 v3, v13  }
0x1bf: {  	(xrf0) =	vadd.scan.msk.s32 $0xffff, v8;
	_ =	sdelay $0x2  }
0x1c0: {  	[tilespmem:v12+s15+$0x0] =	vst.idx.msk vm2, v10  }
0x1c1: {  	[tilespmem:v13+s15+$0x0] =	vst.idx.msk vm4, v11  }
0x1c2: {  	v8 =	vld.idx.msk [tilespmem:v5+s23+$0x4020 ss:$0x1], $0xffff  }
0x1c3: {  	v10, _, _ =	vpop (xrf0)  }
0x1c4: {  	(v2sf) =	vpush v10, $0xF;
	_ =	sdelay $0x2  }
0x1c5: {  	v10 =	vsel vm3, $0x1, v1  }
0x1c6: {  	v9 =	vadd.s32 v10, v9;
	v10 =	vunpack.i.l.bf16.f32 v8  }
0x1c7: {  	vm1 =	vlt.s32 v9, $0x1F;
	vm2 =	vle.f32 v10, v4  }
0x1c8: {  	vm3 =	vlt.s32 v9, $0x20;
	v8 =	vunpack.i.u.bf16.f32 v8;
	v11 =	vsel vm2, $0x1, v1  }
0x1c9: {  	v12 =	vnsel vm1, $0x1F, v9;
	vm1 =	vle.f32 v8, v4;
	v11 =	vadd.s32 v11, v9  }
0x1ca: {  	vm2 =	vmand vm3, vm2;
	vm3 =	vlt.s32 v11, $0x1F;
	vm4 =	vlt.s32 v11, $0x20  }
0x1cb: {  	v9 =	vadd.s32 v3, v12;
	v12 =	vnsel vm3, $0x1F, v11;
	vm3 =	vmand vm1, vm4  }
0x1cc: {  	v12 =	vadd.s32 v3, v12;
	_ =	sdelay $0x3  }
0x1cd: {  	[tilespmem:v9+s15+$0x0] =	vst.idx.msk vm2, v10  }
0x1ce: {  	s26 =	spop (v2sf);
	[tilespmem:v12+s15+$0x0] =	vst.idx.msk vm3, v8  }
0x1cf: {  	s28 =	sshll.u32 s26, $0x6;
	s26 =	sshll.u32 s26, $0x9;
	v9 =	vld.idx.msk [tilespmem:v5+s23+$0x4030 ss:$0x1], $0xffff  }
0x1d0: {  	s23 =	sand.u32 $0x40, s28;
	s26 =	sand.u32 $0xFFFFFC00, s26  }
0x1d1: {  	s23 =	sor.u32 s23, s26  }
0x1d2: {  	v10 =	vld.idx.msk [tilespmem:v5+s23+$0x4000 ss:$0x1], $0xffff;
	_ =	sdelay $0x2  }
0x1d3: {  	v8 =	vunpack.i.l.bf16.f32 v9  }
0x1d4: {  	v12 =	vsel vm1, $0x1, v1;
	v9 =	vunpack.i.u.bf16.f32 v9;
	vm3 =	vle.f32 v8, v4  }
0x1d5: {  	v11 =	vadd.s32 v12, v11;
	vm2 =	vle.f32 v9, v4;
	v12 =	vsel vm3, $0x1, v1  }
0x1d6: {  	v14 =	vsel vm2, $0x1, v1;
	v13 =	vunpack.i.l.bf16.f32 v10;
	v12 =	vadd.s32 v12, v11  }
0x1d7: {  	v15 =	vunpack.i.u.bf16.f32 v10;
	vm4 =	vle.f32 v13, v4;
	v14 =	vadd.s32 v14, v12  }
0x1d8: {  	vm1 =	vle.f32 v15, v4;
	vm5 =	vlt.s32 v14, $0x20;
	v10 =	vsel vm4, $0x1, v1  }
0x1d9: {  	vm6 =	vlt.s32 v14, $0x1F;
	vm4 =	vmand vm5, vm4;
	v10 =	vadd.s32 v10, v14  }
0x1da: {  	v14 =	vnsel vm6, $0x1F, v14;
	vm5 =	vlt.s32 v10, $0x1F;
	vm6 =	vlt.s32 v10, $0x20  }
0x1db: {  	v14 =	vadd.s32 v3, v14;
	v16 =	vnsel vm5, $0x1F, v10;
	vm5 =	vmand vm1, vm6  }
0x1dc: {  	vm7 =	vlt.s32 v12, $0x1F;
	vm6 =	vlt.s32 v11, $0x1F;
	v16 =	vadd.s32 v3, v16  }
0x1dd: {  	v18 =	vnsel vm7, $0x1F, v12;
	v17 =	vnsel vm6, $0x1F, v11;
	vm6 =	vlt.s32 v12, $0x20  }
.Ltmp21:
0x1de: {  	vm7 =	vlt.s32 v11, $0x20;
	v11 =	vadd.s32 v3, v18;
	vm2 =	vmand vm2, vm6;
	(pc) =	sbr.rel @!p1 .LBB2_24-.Ltmp21, $4  }
0x1df: {  	vm3 =	vmand vm7, vm3;
	v12 =	vadd.s32 v3, v17  }
0x1e0: {  	[tilespmem:v14+s15+$0x0] =	vst.idx.msk vm4, v13  }
0x1e1: {  	[tilespmem:v16+s15+$0x0] =	vst.idx.msk vm5, v15  }
0x1e2: {  	v13 =	vld.idx.msk [tilespmem:v5+s23+$0x4010 ss:$0x1], $0xffff  }
.LBB2_25:
0x1e3: {  	_ =	sdelay $0x2  }
0x1e4: {  	v6 =	vsel vm1, $0x1, v1  }
0x1e5: {  	v6 =	vadd.s32 v6, v10;
	v7 =	vunpack.i.l.bf16.f32 v13  }
0x1e6: {  	vm4 =	vlt.s32 v6, $0x1F;
	vm1 =	vle.f32 v7, v4  }
0x1e7: {  	vm5 =	vlt.s32 v6, $0x20;
	v51 =	vunpack.i.u.bf16.f32 v13;
	v52 =	vsel vm1, $0x1, v1  }
0x1e8: {  	v14 =	vnsel vm4, $0x1F, v6;
	vm9 =	vle.f32 v51, v4;
	v6 =	vadd.s32 v52, v6  }
0x1e9: {  	vm1 =	vmand vm5, vm1;
	vm10 =	vlt.s32 v6, $0x1F;
	vm6 =	vlt.s32 v6, $0x20  }
0x1ea: {  	v53 =	vadd.s32 v3, v14;
	v54 =	vnsel vm10, $0x1F, v6;
	vm11 =	vmand vm9, vm6  }
0x1eb: {  	v14 =	vadd.s32 v3, v54;
	_ =	sdelay $0x3  }
0x1ec: {  	[tilespmem:v53+s15+$0x0] =	vst.idx.msk vm1, v7  }
0x1ed: {  	[tilespmem:v14+s15+$0x0] =	vst.idx.msk vm11, v51  }
0x1ee: {  	v7 =	vld.idx.msk [tilespmem:v5+s23+$0x4020 ss:$0x1], $0xffff;
	_ =	sdelay $0x3  }
0x1ef: {  	v55 =	vsel vm9, $0x1, v1  }
0x1f0: {  	v6 =	vadd.s32 v55, v6;
	v56 =	vunpack.i.l.bf16.f32 v7  }
0x1f1: {  	vm12 =	vlt.s32 v6, $0x1F;
	vm1 =	vle.f32 v56, v4  }
0x1f2: {  	vm13 =	vlt.s32 v6, $0x20;
	v7 =	vunpack.i.u.bf16.f32 v7;
	v57 =	vsel vm1, $0x1, v1  }
0x1f3: {  	v58 =	vnsel vm12, $0x1F, v6;
	vm14 =	vle.f32 v7, v4;
	v6 =	vadd.s32 v57, v6  }
0x1f4: {  	vm1 =	vmand vm13, vm1;
	vm15 =	vlt.s32 v6, $0x1F;
	vm9 =	vlt.s32 v6, $0x20  }
0x1f5: {  	v59 =	vadd.s32 v3, v58;
	v60 =	vnsel vm15, $0x1F, v6;
	vm10 =	vmand vm14, vm9  }
0x1f6: {  	v14 =	vadd.s32 v3, v60;
	_ =	sdelay $0x3  }
0x1f7: {  	[tilespmem:v59+s15+$0x0] =	vst.idx.msk vm1, v56  }
0x1f8: {  	[tilespmem:v14+s15+$0x0] =	vst.idx.msk vm10, v7  }
0x1f9: {  	v5 =	vld.idx.msk [tilespmem:v5+s23+$0x4030 ss:$0x1], $0xffff;
	_ =	sdelay $0x4  }
0x1fa: {  	v61 =	vsel vm14, $0x1, v1;
	v7 =	vunpack.i.l.bf16.f32 v5  }
0x1fb: {  	v62 =	vunpack.i.u.bf16.f32 v5;
	v5 =	vadd.s32 v61, v6;
	vm1 =	vle.f32 v7, v4  }
0x1fc: {  	vm11 =	vle.f32 v62, v4;
	vm13 =	vlt.s32 v5, $0x20;
	v6 =	vsel vm1, $0x1, v1  }
0x1fd: {  	vm12 =	vlt.s32 v5, $0x1F;
	vm1 =	vmand vm13, vm1;
	v4 =	vadd.s32 v6, v5  }
0x1fe: {  	v6 =	vnsel vm12, $0x1F, v5;
	vm14 =	vlt.s32 v4, $0x1F;
	vm15 =	vlt.s32 v4, $0x20  }
0x1ff: {  	v6 =	vadd.s32 v3, v6;
	v5 =	vnsel vm14, $0x1F, v4;
	vm5 =	vmand vm11, vm15  }
0x200: {  	v63 =	vadd.s32 v3, v5;
	_ =	sdelay $0x1  }
0x201: {  	[tilespmem:v12+s15+$0x0] =	vst.idx.msk @p0 vm3, v8  }
0x202: {  	[tilespmem:v11+s15+$0x0] =	vst.idx.msk @p0 vm2, v9  }
0x203: {  	v5 =	vsel vm11, $0x1, v1;
	[tilespmem:v6+s15+$0x0] =	vst.idx.msk vm1, v7  }
0x204: {  	v5 =	vadd.s32 v5, v4;
	[tilespmem:v63+s15+$0x0] =	vst.idx.msk vm5, v62  }
.LBB2_20:
0x205: {  	v4 =	vxor.u32 $0x80000000, v5  }
0x206: {  	(xrf0) =	vmax.scan.msk.u32 $0xffff, v4;
	_ =	sdelay $0x5  }
0x207: {  	v4, _, _ =	vpop (xrf0)  }
0x208: {  	(v2sf) =	vpush v4, $0xF;
	_ =	sdelay $0xe  }
0x209: {  	s23 =	spop (v2sf)  }
0x20a: {  	s23 =	sxor.u32 $0x80000000, s23  }
0x20b: {  	p0 =	sgt.s32 s23, $0x0  }
.Ltmp22:
0x20c: {  	_ = 	snop;
	(pc) =	sbr.rel @!p0 .LBB2_29-.Ltmp22, $2  }
0x20d: {  	_ =	sdelay $0x2  }
0x20e: {  	v4 =	vimm.f32 $+Inf  }
0x20f: {  	s24 =	simm.s32 $0x0  }
0x210: {  	v6 =	vadd.s32 s24, v3;
	_ =	sdelay $0x4  }
0x211: {  	v6 =	vld.idx.msk [tilespmem:v6+s15+$0x0], $0xffff;
	_ =	sdelay $0x3  }
0x212: {  	vm1 =	vgt.s32 v5, s24  }
0x213: {  	p0 =	slt.s32 s23, $0x20;
	v6 =	vnsel vm1, $0x7F800000, v6  }
0x214: {  	s23 =	simm.s32 @!p0 $0x20;
	(xrf1) =	vsort.dscd.msk.f32 $0xffff, v6, v6  }
0x215: {  	p1 =	sne.s32 s23, $0x1  }
.Ltmp23:
0x216: {  	_ = 	snop;
	(pc) =	sbr.rel @!p1 .LBB2_22-.Ltmp23, $2  }
0x217: {  	_ =	sdelay $0x2  }
0x218: {  	s24 =	simm.s32 $0x1;
	p0 =	por $0x0, $0x0  }
0x219: {  	v6 =	vadd.s32 s24, v3;
	_ =	sdelay $0x4  }
0x21a: {  	v6 =	vld.idx.msk [tilespmem:v6+s15+$0x0], $0xffff;
	_ =	sdelay $0x3  }
0x21b: {  	vm1 =	vgt.s32 v5, s24  }
0x21c: {  	v7, _, _ =	vpop (xrf1);
	v6 =	vnsel vm1, $0x7F800000, v6  }
0x21d: {  	(xrf1) =	vsort.dscd.msk.f32 $0xffff, v6, v6;
	v6 =	vmin.f32 v4, v7  }
0x21e: {  	p1 =	sne.s32 s23, $0x2;
	(xrf1) =	vsort.ascd.msk.f32 $0xffff, v6, v6  }
.Ltmp24:
0x21f: {  	_ = 	snop;
	(pc) =	sbr.rel @!p1 .LBB2_28-.Ltmp24, $2  }
0x220: {  	_ =	sdelay $0x2  }
0x221: {  	s24 =	simm.s32 $0x2;
	p0 =	por $0x1, $0x1  }
.LBB2_27:
0x222: {  	v6 =	vadd.s32 s24, v3;
	s25 =	smov.u32 s24  }
0x223: {  	s24 =	sadd.s32 $0x1, s24  }
0x224: {  	p1 =	sne.s32 s23, s24;
	_ =	sdelay $0x2  }
0x225: {  	v6 =	vld.idx.msk [tilespmem:v6+s15+$0x0], $0xffff;
	_ =	sdelay $0x3  }
.Ltmp25:
0x226: {  	(pc) =	sbr.rel @p1 .LBB2_27-.Ltmp25, $4  }
0x227: {  	vm1 =	vgt.s32 v5, s25;
	v7, _, _ =	vpop (xrf1)  }
0x228: {  	v6 =	vnsel vm1, $0x7F800000, v6;
	v8, _, _ =	vpop (xrf1)  }
0x229: {  	(xrf1) =	vsort.dscd.msk.f32 $0xffff, v6, v6;
	v6 =	vmin.f32 v8, v7  }
0x22a: {  	(xrf1) =	vsort.ascd.msk.f32 $0xffff, v6, v6  }
.Ltmp26:
0x22b: {  	_ = 	snop;
	(pc) =	sbr.rel .LBB2_28-.Ltmp26, $1  }
0x22c: {  	_ =	sdelay $0x3  }
.LBB2_19:
.Ltmp27:
0x22d: {  	(pc) =	sbr.rel .LBB2_25-.Ltmp27, $2  }
0x22e: {  	_ =	sdelay $0x2  }
0x22f: {  	_ = 	snop  }
.LBB2_32:
0x230: {  	_ =	sfence.sel $0x180000  }
0x231: {  	[bflag:$0x0] =	sbarrier.arrive $0xFFFF  }
0x232: {  	p0 =	sne.s32 s1, $0x0;
	_ =	strace $0x9000004A  }
0x233: {  	s0 =	sadd.s32 @!p0 $0x100000, s0;
	[bflag:$0x2] =	sbarrier.arrive $0xFFFF  }
0x234: {  	[sflag:s0] =	ssyncadd.tile.s32 @!p0 $0x1;
	_ =	shalt  }
.Lfunc_end2:
_tile_overlayer_lowered:
.L_overlay_start_2:
0x235: {  	(tag) =	ssettag $0x2  }
0x236: {  	s0 =	rddreg [dreg:$0x0];
	s2 =	stileid.u32  }
0x237: {  	s1 =	rddreg [dreg:$0x1];
	p0 =	sne.s32 s2, $0x0  }
0x238: {  	s3 =	rddreg [dreg:$0x2];
	[bflag:$0x3] =	sbarrier.arrive $0xFFFF;
	s2 =	simm.s32 @!p0 $0x1C03  }
0x239: {  	[timem:s3], [sflag:s2] =	dma.local @!p0 [hbm:s0], s1  }
0x23a: {  	s0 =	simm.s32 @!p0 $0x3  }
0x23b: {  	_ =	swait.ge @!p0 [sflag:s0], s1  }
0x23c: {  	s1 =	ssub.s32 @!p0 $0x0, s1;
	[sflag:s0] =	ssyncset.done @!p0 $0x0  }
0x23d: {  	[sflag:s0] =	ssyncadd.s32 @!p0 s1  }
0x23e: {  	[bflag:$0x3] =	sbarrier.arrive $0xFFFF  }
0x23f: {  	_ =	shalt  }

// kernel: kernel.7.cloned.1.call-start
scs
__scs_entry_jumppad:
0x0: {  	(pc) =	sbr.rel $0x88, $3  }
0x1: {  	(tag) =	ssettag $0x0;
	lr =	simm.s32 $0x1  }
0x2: {  	[smem:$0x3FA0] =	sst lr;
	_ =	strace $0xD0000000  }
0x3: {  	_ = 	snop  }
0x4: {  	_ = 	snop  }
0x5: {  	_ = 	snop  }
0x6: {  	_ = 	snop  }
0x7: {  	_ = 	snop  }
__scs_overlays_trampoline_lowered:
0x8: {  	[smem:$0x3FAF] =	sst s0  }
0x9: {  	[smem:$0x3FB0] =	sst s1  }
0xa: {  	[smem:$0x3FB1] =	sst s2  }
0xb: {  	[smem:$0x3FB2] =	sst s3  }
0xc: {  	[smem:$0x3FB3] =	sst s4  }
0xd: {  	[smem:$0x3FB4] =	sst s5  }
0xe: {  	[smem:$0x3FB5] =	sst s6  }
0xf: {  	[smem:$0x3FB6] =	sst s7  }
0x10: {  	[smem:$0x3FB7] =	sst s8  }
0x11: {  	[smem:$0x3FB8] =	sst s9;
	s0 =	simm.s32 @!p0 $0x0  }
0x12: {  	s1 =	sld [smem:$0x3F9E];
	s0 =	simm.s32 @p0 $0x1  }
0x13: {  	[smem:$0x3FB9] =	sst s0;
	s0 =	simm.s32 @!p1 $0x0  }
0x14: {  	s2 =	sld [smem:$0x3F9D];
	s0 =	simm.s32 @p1 $0x1  }
0x15: {  	[smem:$0x3FBA] =	sst s0;
	s0 =	simm.s32 @!p2 $0x0  }
0x16: {  	s3 =	sld [smem:$0x3FDB];
	s0 =	simm.s32 @p2 $0x1  }
0x17: {  	s4 =	simm.s32 $0x1BF5;
	[smem:$0x3FBC] =	sst s0  }
0x18: {  	s0 =	sld [smem:$0x3F9F];
	_ =	swait.ge [sflag:s4], $0x0  }
0x19: {  	s7 =	sld [smem:$0x3FA0]  }
0x1a: {  	s8 =	sadd.s32 $0xFFFFE003, lr  }
0x1b: {  	s9 =	sadd.s32 $0xFFFFFEF7, lr;
	s5 =	simm.s32 $0xFFFFFFFF;
	p2 =	slt.u32 s8, $0xFFFFF086  }
0x1c: {  	p1 =	slt.u32 s9, $0xF7A;
	s5 =	simm.s32 @!p2 $0x0  }
0x1d: {  	s5 =	simm.s32 @p1 $0x1;
	p0 =	seq.s32 s7, s2  }
0x1e: {  	s7 =	smul.u32 @!p0 $0xF7A, s2;
	p2 =	seq.s32 @!p0 s5, $0x0  }
0x1f: {  	s9 =	smul.u32 $0xF7A, s1;
	s8 =	simm.s32 @!p0 $0x1BF5;
	p2 =	por !p2, p0  }
0x20: {  	[sflag:s8] =	ssyncset.s32 @!p0 $0xFFFFF086;
	s6 =	sadd.s32 @!p0 s3, s7;
	s7 =	simm.s32 @!p0 $0x108  }
0x21: {  	s3 =	sadd.s32 s3, s9;
	s6 =	sadd.s32 @!p0 $0x88, s6;
	s7 =	simm.s32 @p2 $0x1082  }
0x22: {  	[simem:s7], [sflag:s8] =	dma.local @!p0 [hbm:s6], $0xF7A  }
0x23: {  	s9 =	sor.u32 $0xD0000000, s2;
	s6 =	simm.s32 $0x108;
	_ =	swait.ge @!p0 [sflag:s8], $0x0  }
0x24: {  	s3 =	sadd.s32 $0x88, s3;
	s6 =	simm.s32 @!p1 $0x1082;
	[sflag:s4] =	ssyncset.s32 $0xFFFFF086  }
0x25: {  	[simem:s6], [sflag:s4] =	dma.local [hbm:s3], $0xF7A  }
0x26: {  	[smem:$0x3FA0] =	sst s1;
	(tag) =	ssettag s2;
	_ =	strace s9  }
0x27: {  	s1 =	sld [smem:$0x3FB0]  }
0x28: {  	s2 =	sld [smem:$0x3FB1]  }
0x29: {  	s4 =	sld [smem:$0x3FB3]  }
0x2a: {  	p0 =	seq.s32 s5, $0x0;
	s5 =	sld [smem:$0x3FB4]  }
0x2b: {  	s6 =	sld [smem:$0x3FB5]  }
0x2c: {  	s7 =	sld [smem:$0x3FB6]  }
0x2d: {  	s3 =	simm.s32 $0x108;
	s8 =	sld [smem:$0x3FB7]  }
0x2e: {  	s3 =	simm.s32 @!p0 $0x1082;
	s9 =	sld [smem:$0x3FB8]  }
0x2f: {  	lr =	sadd.s32 s0, s3;
	s0 =	sld [smem:$0x3FAF]  }
0x30: {  	s3 =	sld [smem:$0x3FB2]  }
0x31: {  	[smem:$0x3FBB] =	sst s10  }
0x32: {  	s10 =	sld [smem:$0x3FB9];
	_ =	sdelay $0x3  }
0x33: {  	p0 =	seq.s32 s10, $0x1;
	s10 =	sld [smem:$0x3FBB];
	_ =	sdelay $0x3  }
0x34: {  	[smem:$0x3FBB] =	sst s10  }
0x35: {  	s10 =	sld [smem:$0x3FBA];
	_ =	sdelay $0x3  }
0x36: {  	p1 =	seq.s32 s10, $0x1;
	s10 =	sld [smem:$0x3FBB];
	_ =	sdelay $0x3  }
0x37: {  	[smem:$0x3FBB] =	sst s10  }
0x38: {  	s10 =	sld [smem:$0x3FBC]  }
0x39: {  	_ = 	snop;
	(pc) =	sbr.ind lr, $3  }
0x3a: {  	_ = 	snop  }
0x3b: {  	_ = 	snop  }
0x3c: {  	p2 =	seq.s32 s10, $0x1;
	s10 =	sld [smem:$0x3FBB]  }
0x3d: {  	_ =	shalt  }
0x3e: {  	_ =	shalt  }
0x3f: {  	_ =	shalt  }
0x40: {  	_ =	shalt  }
0x41: {  	_ =	shalt  }
0x42: {  	_ =	shalt  }
0x43: {  	_ =	shalt  }
0x44: {  	_ =	shalt  }
0x45: {  	_ =	shalt  }
0x46: {  	_ =	shalt  }
0x47: {  	_ =	shalt  }
0x48: {  	_ =	shalt  }
0x49: {  	_ =	shalt  }
0x4a: {  	_ =	shalt  }
0x4b: {  	_ =	shalt  }
0x4c: {  	_ =	shalt  }
0x4d: {  	_ =	shalt  }
0x4e: {  	_ =	shalt  }
0x4f: {  	_ =	shalt  }
0x50: {  	_ =	shalt  }
0x51: {  	_ =	shalt  }
0x52: {  	_ =	shalt  }
0x53: {  	_ =	shalt  }
0x54: {  	_ =	shalt  }
0x55: {  	_ =	shalt  }
0x56: {  	_ =	shalt  }
0x57: {  	_ =	shalt  }
0x58: {  	_ =	shalt  }
0x59: {  	_ =	shalt  }
0x5a: {  	_ =	shalt  }
0x5b: {  	_ =	shalt  }
0x5c: {  	_ =	shalt  }
0x5d: {  	_ =	shalt  }
0x5e: {  	_ =	shalt  }
0x5f: {  	_ =	shalt  }
0x60: {  	_ =	shalt  }
0x61: {  	_ =	shalt  }
0x62: {  	_ =	shalt  }
0x63: {  	_ =	shalt  }
0x64: {  	_ =	shalt  }
0x65: {  	_ =	shalt  }
0x66: {  	_ =	shalt  }
0x67: {  	_ =	shalt  }
0x68: {  	_ =	shalt  }
0x69: {  	_ =	shalt  }
0x6a: {  	_ =	shalt  }
0x6b: {  	_ =	shalt  }
0x6c: {  	_ =	shalt  }
0x6d: {  	_ =	shalt  }
0x6e: {  	_ =	shalt  }
0x6f: {  	_ =	shalt  }
0x70: {  	_ =	shalt  }
0x71: {  	_ =	shalt  }
0x72: {  	_ =	shalt  }
0x73: {  	_ =	shalt  }
0x74: {  	_ =	shalt  }
0x75: {  	_ =	shalt  }
0x76: {  	_ =	shalt  }
0x77: {  	_ =	shalt  }
0x78: {  	_ =	shalt  }
0x79: {  	_ =	shalt  }
0x7a: {  	_ =	shalt  }
0x7b: {  	_ =	shalt  }
0x7c: {  	_ =	shalt  }
0x7d: {  	_ =	shalt  }
0x7e: {  	_ =	shalt  }
0x7f: {  	_ =	shalt  }
0x80: {  	_ =	shalt  }
0x81: {  	_ =	shalt  }
0x82: {  	_ =	shalt  }
0x83: {  	_ =	shalt  }
0x84: {  	_ =	shalt  }
0x85: {  	_ =	shalt  }
0x86: {  	_ =	shalt  }
0x87: {  	_ =	shalt  }
.Lfunc_end0:
.L_simem_size_0:
called_computation_lowered:
.L_overlay_start_0:
0x88: {  	s2 =	sld [smem:$0x3FD9]  }
0x89: {  	s3 =	sld [smem:$0x3FFE];
	_ =	sdelay $0x1  }
0x8a: {  	s1 =	srdreg.scid  }
0x8b: {  	s0 =	sand.u32 $0x1, s1  }
0x8c: {  	s16 =	sshll.u32 s0, $0xA;
	s2 =	sadd.s32 s3, s2  }
0x8d: {  	s2 =	sadd.s32 s2, s16  }
0x8e: {  	[smem:$0x3FC7] =	sst s2  }
0x8f: {  	_ = 	snop  }
0x90: {  	(tm) =	ssettm $0x1  }
0x91: {  	s17 =	sld [smem:$0x3FFB];
	_ =	sdelay $0x3  }
0x92: {  	_ =	strace s17  }
0x93: {  	s2 =	sld [smem:$0x3FFC];
	_ =	sdelay $0x3  }
0x94: {  	_ =	strace s2  }
0x95: {  	s2 =	sld [smem:$0x3FFD];
	_ =	sdelay $0x3  }
0x96: {  	_ =	strace s2  }
0x97: {  	_ =	strace $0x8FFFFFFF  }
0x98: {  	s18 =	sld [smem:$0x3FDB];
	_ =	sdelay $0x1  }
0x99: {  	s19 =	simm.s32 $_scs_section_size  }
0x9a: {  	s4 =	simm.s32 $_size__tile_overlayer_lowered;
	s5 =	simm.s32 $_tile_overlayer_lowered  }
0x9b: {  	s22 =	simm.s32 $0x1BFF;
	s21 =	sshll.u32 s5, $0x1;
	s2 =	sadd.s32 s19, s18  }
0x9c: {  	s6 =	simm.s32 $0x0;
	s20 =	sshll.u32 s4, $0x1;
	s4 =	sadd.s32 s21, s2  }
0x9d: {  	[timem:s6], [sflag:s22] =	dma.local [hbm:s4], s20  }
0x9e: {  	_ =	swait.ge [sflag:s22], s20  }
0x9f: {  	s3 =	ssub.s32 $0x0, s20;
	[sflag:s22] =	ssyncset.done $0x0  }
0xa0: {  	[sflag:s22] =	ssyncadd.s32 s3;
	_ =	sdelay $0x1  }
0xa1: {  	s23 =	simm.s32 $0x1B8B  }
0xa2: {  	_ =	swait.ge [sflag:s23], $0x1  }
0xa3: {  	[sflag:s23] =	ssyncset.done $0x0  }
0xa4: {  	s25 =	simm.s32 $0x1B8E;
	s24 =	sld [smem:$0x3FFE];
	[sflag:s23] =	ssyncadd.s32 $0xFFFFFFFF  }
0xa5: {  	s26 =	simm.s32 $execute0_lowered;
	[smem:$0x3FD2] =	sst s25  }
0xa6: {  	s4 =	sshll.u32 s26, $0x1;
	_ =	strace $0x80000046;
	[dreg:$0x1] =	wrdreg $0xFFFFFFFF  }
0xa7: {  	s28 =	simm.s32 $_size_execute0_lowered;
	s2 =	sadd.s32 s2, s4;
	[dreg:$0x0] =	wrdreg $0x0  }
0xa8: {  	s4 =	sshll.u32 s28, $0x1;
	[dreg:$0x2] =	wrdreg s2  }
0xa9: {  	[dreg:$0x3] =	wrdreg s4  }
0xaa: {  	[dreg:$0x4] =	wrdreg $0xC0  }
0xab: {  	_ =	task [dreg:s6], $0x5FFFF  }
0xac: {  	[dreg:$0x1] =	wrdreg $0xFFFFFFFF  }
0xad: {  	[dreg:$0x0] =	wrdreg $0x60  }
0xae: {  	[dreg:$0x2] =	wrdreg s24  }
0xaf: {  	[dreg:$0x3] =	wrdreg $0x9  }
0xb0: {  	_ =	task.clear_ibuf [dreg:s6], $0x4FFFF;
	_ =	strace $0x90000046  }
0xb1: {  	s29 =	simm.s32 $0x9;
	_ =	strace $0x80000048  }
0xb2: {  	_ =	swait.ge [sflag:s29], $0x1  }
0xb3: {  	[sflag:s29] =	ssyncadd.s32 $0xFFFFFFFF  }
0xb4: {  	_ =	strace $0x90000048  }
0xb5: {  	_ =	sfence  }
0xb6: {  	s30 =	sld [smem:$0x0];
	_ =	sdelay $0x2  }
0xb7: {  	s31 =	sshll.u32 s1, $0xD;
	s1 =	sshrl.u32 s1, $0x2  }
0xb8: {  	s3 =	sand.u32 $0x4000, s31;
	s1 =	sadd.s32 s1, s30  }
0xb9: {  	s0 =	sor.u32 s3, s0;
	s1 =	sshll.u32 s1, $0x11  }
0xba: {  	s0 =	sor.u32 s1, s0  }
0xbb: {  	s0 =	sadd.s32 $0x8F2B, s0  }
0xbc: {  	[sflag:s0] =	ssyncadd.remote.s32 $0x1  }
0xbd: {  	_ =	sfence.sel $0xFFFF  }
0xbe: {  	[dreg:$0x0] =	wrdreg $0xFFFFFFFF;
	(pc) =	sbr.abs _section_cstart, $3  }
0xbf: {  	[dreg:$0x1] =	wrdreg $0xFFFFFFFF  }
0xc0: {  	_ =	task.clear_ibuf [dreg:s6], $0x2FFFF;
	_ =	strace $0x9FFFFFFF  }
0xc1: {  	(tm) =	ssettm $0x7FFFFFFF  }
tec
execute0_lowered:
.L_overlay_start_1:
0x0: {  	(tag) =	ssettag $0x1  }
0x1: {  	s4 =	rddreg [dreg:$0x0]  }
0x2: {  	s0 =	rddreg [dreg:$0x1]  }
0x3: {  	s2 =	simm.s32 $0x0;
	s3 =	srdreg.scid;
	s1 =	stileid.u32  }
0x4: {  	s11 =	simm.s32 $0x3;
	s12 =	simm.s32 $0x4000;
	s13 =	simm.s32 $0x1  }
0x5: {  	s14 =	simm.s32 $0x9200;
	s15 =	simm.s32 $0x9000;
	s16 =	simm.s32 $0x2  }
0x6: {  	s17 =	simm.s32 $0x9280;
	s18 =	simm.s32 $0x0;
	[smem:$0x7FF] =	sst s2  }
0x7: {  	s5 =	sand.u32 $0x1, s3;
	s31 =	sshll.u32 s1, $0x1;
	s3 =	sadd.s32 $0xE00, s4  }
0x8: {  	_ =	strace $0x80000047;
	s6 =	sor.u32 s5, s31;
	s5 =	ssub.s32 $0x2, s5  }
.Ltmp0:
0x9: {  	s7 =	sshll.u32 s6, $0x9;
	s8 =	sshll.u32 s6, $0xB;
	(pc) =	sbr.rel .LBB2_1-.Ltmp0, $4  }
0xa: {  	s9 =	sshrl.u32 s5, $0x1;
	s10 =	sshll.u32 s6, $0xF;
	s7 =	sadd.s32 s7, s4  }
0xb: {  	v0 =	vlaneseq.u32;
	s8 =	sadd.s32 s8, s4;
	s9 =	ssub.s32 s5, s9;
	s4 =	sshll.u32 s6, $0x7  }
0xc: {  	v3 =	vmul.u32 $0x20, v0;
	s6 =	sadd.s32 s3, s10;
	s10 =	simm.s32 $0x8000;
	s5 =	sadd.s32 $0x100E00, s7  }
0xd: {  	vm0 =	vcmask $0x272C;
	v1 =	vimm.s32 $0x0;
	v2 =	vor.u32 $0x10, v0;
	s7 =	sor.u32 $0x10, s4;
	s8 =	sadd.s32 $0x104E00, s8;
	s9 =	smax.u32 s9, $0x1  }
.LBB2_31:
0xe: {  	s18 =	sadd.s32 $0x1, s18  }
0xf: {  	p0 =	sne.s32 s18, s9  }
.Ltmp1:
0x10: {  	_ = 	snop;
	(pc) =	sbr.rel @!p0 .LBB2_32-.Ltmp1, $4  }
0x11: {  	[hbm4b:s8+s2] =	stream.linear.scatter [tilespmem:s17], [sflag:$0x3], $0x4000, $0x38;
	[tilespmem:$0xD280] =	vst v63  }
0x12: {  	_ =	swait.ge [sflag:s11], $0x4000  }
0x13: {  	[sflag:s11] =	ssyncset.done $0x0  }
0x14: {  	[sflag:s11] =	ssyncadd.s32 $0xFFFFC000  }
.LBB2_1:
0x15: {  	[tilespmem:s10], [sflag:$0x3] =	stream.linear.gather [hbm4b:s5+s2], $0x1000, $0x38;
	[tilespmem:$0xD280] =	vst v63  }
.Ltmp2:
0x16: {  	_ = 	snop;
	(pc) =	sbr.rel .LBB2_2-.Ltmp2, $4  }
0x17: {  	_ =	swait.ge [sflag:s11], $0x1000  }
0x18: {  	[sflag:s11] =	ssyncset.done $0x0  }
0x19: {  	s19 =	simm.s32 $0x0;
	[sflag:s11] =	ssyncadd.s32 $0xFFFFF000  }
0x1a: {  	[tilespmem:s2], [sflag:$0x1] =	stream.linear.gather [hbm4b:s6+s2], $0x4000, $0x38;
	[tilespmem:$0xD280] =	vst v63  }
.LBB2_30:
0x1b: {  	s19 =	sadd.s32 $0x1, s19  }
0x1c: {  	p0 =	sne.s32 s19, $0x8  }
.Ltmp3:
0x1d: {  	_ = 	snop;
	(pc) =	sbr.rel @!p0 .LBB2_31-.Ltmp3, $1  }
0x1e: {  	_ =	sdelay $0x3  }
.LBB2_2:
0x1f: {  	s21 =	sshll.u32 s19, $0x4  }
0x20: {  	s20 =	sor.u32 $0x8, s21  }
0x21: {  	s22 =	sadd.s32 s4, s20  }
0x22: {  	s22 =	sshll.u32 s22, $0x8  }
.Ltmp4:
0x23: {  	s23 =	sadd.s32 s3, s22;
	s22 =	simm.s32 $0x0;
	(pc) =	sbr.rel .LBB2_3-.Ltmp4, $4  }
0x24: {  	[tilespmem:s12], [sflag:$0x2] =	stream.linear.gather [hbm4b:s23+s22], $0x4000, $0x38;
	[tilespmem:$0xD280] =	vst v63  }
0x25: {  	_ =	swait.ge [sflag:s13], $0x4000  }
0x26: {  	[sflag:s13] =	ssyncset.done $0x0  }
0x27: {  	[sflag:s13] =	ssyncadd.s32 $0xFFFFC000  }
.LBB2_8:
0x28: {  	_ = 	snop  }
.LBB2_14:
0x29: {  	_ =	sdelay $0x6  }
0x2a: {  	v5, _, _ =	vpop (xrf1)  }
0x2b: {  	v6, _, _ =	vpop @p0 (xrf1)  }
0x2c: {  	v4 =	vpsel p0, v6, v4  }
0x2d: {  	v4 =	vmin.f32 v4, v5  }
0x2e: {  	(xrf1) =	vsort.ascd.msk.f32 $0xffff, v4, v4;
	_ =	sdelay $0xd  }
0x2f: {  	v4, _, _ =	vpop (xrf1)  }
.LBB2_15:
0x30: {  	s22 =	sadd.s32 $0x1, s22  }
0x31: {  	p0 =	sne.s32 s22, $0x8  }
.Ltmp5:
0x32: {  	_ = 	snop;
	(pc) =	sbr.rel @!p0 .LBB2_16-.Ltmp5, $4  }
0x33: {  	_ = 	snop  }
0x34: {  	s23 =	sshll.u32 s23, $0x7  }
0x35: {  	s23 =	sand.u32 $0x3FFFFF80, s23  }
0x36: {  	[tilespmem:s23+$0x9280] =	vst v4  }
.LBB2_3:
0x37: {  	s23 =	sor.u32 s21, s22  }
0x38: {  	s24 =	sshll.u32 s23, $0x5  }
0x39: {  	s24 =	sand.u32 $0x3FFFFFE0, s24  }
0x3a: {  	v5 =	vld [tilespmem:s24+$0x8000]  }
0x3b: {  	v6 =	vld [tilespmem:s24+$0x8010];
	_ =	sdelay $0x3  }
0x3c: {  	(xrf1) =	vsort.ascd.msk.f32 $0xffff, v5, v5  }
0x3d: {  	(xrf1) =	vsort.dscd.msk.f32 $0xffff, v6, v6;
	_ =	sdelay $0xc  }
0x3e: {  	v4, _, _ =	vpop (xrf1)  }
0x3f: {  	v7, _, _ =	vpop (xrf1)  }
0x40: {  	v4 =	vmin.f32 v4, v7  }
0x41: {  	(xrf1) =	vsort.ascd.msk.f32 $0xffff, v4, v4;
	_ =	sdelay $0xd  }
0x42: {  	v4, _, _ =	vpop (xrf1)  }
0x43: {  	v4 =	vsel vm0, $0xFF800000, v4  }
0x44: {  	(xrf0) =	vmax.scan.msk.f32 $0xffff, v4;
	_ =	sdelay $0x5  }
0x45: {  	v4, _, _ =	vpop (xrf0)  }
0x46: {  	v4 =	vbroadcast v4, $0xF;
	_ =	sdelay $0x1  }
0x47: {  	vm1 =	vle.f32 v5, v4  }
0x48: {  	v5 =	vsel vm1, $0x1, v1  }
0x49: {  	(xrf0) =	vadd.scan.msk.s32 $0xffff, v5;
	_ =	sdelay $0x5  }
0x4a: {  	v5, _, _ =	vpop (xrf0)  }
0x4b: {  	v7 =	vadd.s32 $0x7FFFFFFF, v5  }
0x4c: {  	(xrf0) =	vmax.scan.msk.u32 $0xffff, v7;
	_ =	sdelay $0x5  }
0x4d: {  	v7, _, _ =	vpop (xrf0)  }
0x4e: {  	(v2sf) =	vpush v7, $0xF;
	_ =	sdelay $0xb  }
0x4f: {  	vm2 =	vle.f32 v6, v4  }
0x50: {  	v6 =	vsel vm2, $0x1, v1  }
0x51: {  	(xrf0) =	vadd.scan.msk.s32 $0xffff, v6  }
0x52: {  	s31 =	spop (v2sf)  }
0x53: {  	s24 =	sadd.s32 $0x80000001, s31  }
0x54: {  	v6 =	vmov s24  }
0x55: {  	v6 =	vadd.s32 $0xFFFFFFFF, v6  }
0x56: {  	v6 =	vbroadcast v6, $0x0  }
0x57: {  	v7, _, _ =	vpop (xrf0)  }
0x58: {  	v6 =	vadd.s32 v7, v6  }
0x59: {  	v7 =	vxor.u32 $0x80000000, v6  }
0x5a: {  	(xrf0) =	vmax.scan.msk.u32 $0xffff, v7;
	_ =	sdelay $0x5  }
0x5b: {  	v7, _, _ =	vpop (xrf0)  }
0x5c: {  	(v2sf) =	vpush v7, $0xF;
	_ =	sdelay $0xe  }
0x5d: {  	v5 =	vadd.s32 $0xFFFFFFFF, v5;
	s24 =	spop (v2sf)  }
0x5e: {  	p0 =	sgt.s32 s24, $0xFFFFFFFE  }
.Ltmp6:
0x5f: {  	_ = 	snop;
	(pc) =	sbr.rel @p0 .LBB2_6-.Ltmp6, $3  }
0x60: {  	_ =	sdelay $0x1  }
0x61: {  	[tilespmem:v5+s14+$0x0] =	vst.idx.msk vm1, v0  }
0x62: {  	v5 =	vimm.s32 $0x0;
	[tilespmem:v6+s14+$0x0] =	vst.idx.msk vm2, v2  }
0x63: {  	v6 =	vld [tilespmem:$0x9200]  }
0x64: {  	v7 =	vld [tilespmem:$0x9210];
	_ =	sdelay $0x1  }
0x65: {  	s24 =	sand.u32 $0x7FFFFFFF, s24;
	s29 =	simm.s32 $0x0  }
0x66: {  	s25 =	sadd.s32 $0x1, s24;
	s24 =	sand.u32 $0xF, s29  }
0x67: {  	p0 =	por $0x1, $0x1;
	v9 =	vmov s24  }
0x68: {  	vm1 =	veq.s32 v9, v0;
	v10 =	vpsel p0, v6, v7  }
0x69: {  	v9 =	vnsel vm1, $0x0, v10  }
0x6a: {  	(xrf0) =	vadd.scan.msk.s32 $0xffff, v9;
	_ =	sdelay $0x5  }
0x6b: {  	v9, _, _ =	vpop (xrf0)  }
0x6c: {  	(v2sf) =	vpush v9, $0xF;
	_ =	sdelay $0xc  }
0x6d: {  	s26 =	sshll.u32 s22, $0x7  }
0x6e: {  	v5 =	vmov s26  }
0x6f: {  	s30 =	spop (v2sf)  }
0x70: {  	s31 =	sshll.u32 s30, $0x6;
	s24 =	sshll.u32 s30, $0x9  }
0x71: {  	s26 =	sand.u32 $0x40, s31;
	s24 =	sand.u32 $0xFFFFFC00, s24  }
0x72: {  	s24 =	sor.u32 s26, s24  }
0x73: {  	v9 =	vld.idx.msk [tilespmem:v5+s24+$0x0 ss:$0x1], $0xffff;
	_ =	sdelay $0x4  }
0x74: {  	v8 =	vimm.s32 $0x0;
	v11 =	vunpack.i.l.bf16.f32 v9  }
0x75: {  	vm3 =	vlt.s32 v8, $0x20;
	vm2 =	vle.f32 v11, v4  }
0x76: {  	vm4 =	vlt.s32 v8, $0x1F;
	v9 =	vunpack.i.u.bf16.f32 v9;
	v10 =	vsel vm2, $0x1, v1  }
0x77: {  	vm1 =	vle.f32 v9, v4;
	vm2 =	vmand vm3, vm2;
	v10 =	vadd.s32 v10, v8  }
0x78: {  	v8 =	vnsel vm4, $0x1F, v8;
	vm3 =	vlt.s32 v10, $0x1F;
	vm15 =	vlt.s32 v10, $0x20  }
0x79: {  	v8 =	vadd.s32 v3, v8;
	v12 =	vnsel vm3, $0x1F, v10;
	vm3 =	vmand vm1, vm15  }
0x7a: {  	v12 =	vadd.s32 v3, v12  }
0x7b: {  	p1 =	seq.s32 s25, $0x1  }
.Ltmp7:
0x7c: {  	_ = 	snop;
	(pc) =	sbr.rel @p1 .LBB2_5-.Ltmp7, $4  }
0x7d: {  	_ = 	snop  }
0x7e: {  	[tilespmem:v8+s15+$0x0] =	vst.idx.msk vm2, v11  }
0x7f: {  	[tilespmem:v12+s15+$0x0] =	vst.idx.msk vm3, v9  }
0x80: {  	p0 =	por $0x0, $0x0;
	s26 =	simm.s32 $0x1;
	v13 =	vld.idx.msk [tilespmem:v5+s24+$0x10 ss:$0x1], $0xffff  }
0x81: {  	_ =	sdelay $0x1  }
0x82: {  	p0 =	por $0x1, $0x1;
	s26 =	sand.u32 $0xF, s26  }
0x83: {  	v9 =	vsel vm1, $0x1, v1;
	v8 =	vpsel p0, v6, v7;
	v11 =	vmov s26  }
0x84: {  	v9 =	vadd.s32 v9, v10;
	vm1 =	veq.s32 v11, v0;
	v10 =	vunpack.i.l.bf16.f32 v13  }
0x85: {  	vm3 =	vlt.s32 v9, $0x1F;
	vm4 =	vlt.s32 v9, $0x20;
	vm2 =	vle.f32 v10, v4  }
0x86: {  	v8 =	vnsel vm1, $0x0, v8;
	v11 =	vunpack.i.u.bf16.f32 v13;
	v12 =	vsel vm2, $0x1, v1  }
0x87: {  	v13 =	vnsel vm3, $0x1F, v9;
	vm3 =	vle.f32 v11, v4;
	v9 =	vadd.s32 v12, v9  }
0x88: {  	vm2 =	vmand vm4, vm2;
	vm4 =	vlt.s32 v9, $0x1F;
	vm5 =	vlt.s32 v9, $0x20  }
0x89: {  	(xrf0) =	vadd.scan.msk.s32 $0xffff, v8;
	v12 =	vadd.s32 v3, v13;
	v13 =	vnsel vm4, $0x1F, v9;
	vm4 =	vmand vm3, vm5  }
0x8a: {  	v13 =	vadd.s32 v3, v13;
	_ =	sdelay $0x3  }
0x8b: {  	[tilespmem:v12+s15+$0x0] =	vst.idx.msk vm2, v10  }
0x8c: {  	v10, _, _ =	vpop (xrf0);
	[tilespmem:v13+s15+$0x0] =	vst.idx.msk vm4, v11  }
0x8d: {  	(v2sf) =	vpush v10, $0xF;
	v8 =	vld.idx.msk [tilespmem:v5+s24+$0x20 ss:$0x1], $0xffff;
	_ =	sdelay $0x3  }
0x8e: {  	v10 =	vsel vm3, $0x1, v1  }
0x8f: {  	v9 =	vadd.s32 v10, v9;
	v10 =	vunpack.i.l.bf16.f32 v8  }
0x90: {  	vm2 =	vlt.s32 v9, $0x1F;
	vm1 =	vle.f32 v10, v4  }
0x91: {  	vm3 =	vlt.s32 v9, $0x20;
	v8 =	vunpack.i.u.bf16.f32 v8;
	v11 =	vsel vm1, $0x1, v1  }
0x92: {  	v12 =	vnsel vm2, $0x1F, v9;
	vm2 =	vle.f32 v8, v4;
	v11 =	vadd.s32 v11, v9  }
0x93: {  	vm1 =	vmand vm3, vm1;
	vm3 =	vlt.s32 v11, $0x1F;
	vm4 =	vlt.s32 v11, $0x20  }
0x94: {  	v9 =	vadd.s32 v3, v12;
	v12 =	vnsel vm3, $0x1F, v11;
	vm3 =	vmand vm2, vm4  }
0x95: {  	v12 =	vadd.s32 v3, v12;
	_ =	sdelay $0x3  }
0x96: {  	s30 =	spop (v2sf);
	[tilespmem:v9+s15+$0x0] =	vst.idx.msk vm1, v10  }
0x97: {  	s28 =	sshll.u32 s30, $0x6;
	s26 =	sshll.u32 s30, $0x9;
	[tilespmem:v12+s15+$0x0] =	vst.idx.msk vm3, v8  }
0x98: {  	s31 =	sand.u32 $0x40, s28;
	s26 =	sand.u32 $0xFFFFFC00, s26;
	v9 =	vld.idx.msk [tilespmem:v5+s24+$0x30 ss:$0x1], $0xffff  }
0x99: {  	s24 =	sor.u32 s31, s26  }
0x9a: {  	v10 =	vld.idx.msk [tilespmem:v5+s24+$0x0 ss:$0x1], $0xffff;
	_ =	sdelay $0x2  }
0x9b: {  	v12 =	vsel vm2, $0x1, v1;
	v8 =	vunpack.i.l.bf16.f32 v9  }
0x9c: {  	v11 =	vadd.s32 v12, v11;
	v9 =	vunpack.i.u.bf16.f32 v9;
	vm3 =	vle.f32 v8, v4  }
0x9d: {  	vm2 =	vle.f32 v9, v4;
	v13 =	vunpack.i.l.bf16.f32 v10;
	v12 =	vsel vm3, $0x1, v1  }
0x9e: {  	v15 =	vunpack.i.u.bf16.f32 v10;
	v14 =	vsel vm2, $0x1, v1;
	v12 =	vadd.s32 v12, v11  }
0x9f: {  	vm4 =	vle.f32 v13, v4;
	vm1 =	vle.f32 v15, v4;
	v14 =	vadd.s32 v14, v12  }
0xa0: {  	v10 =	vsel vm4, $0x1, v1;
	vm5 =	vlt.s32 v14, $0x20;
	vm6 =	vlt.s32 v14, $0x1F  }
0xa1: {  	v10 =	vadd.s32 v10, v14;
	vm4 =	vmand vm5, vm4;
	v14 =	vnsel vm6, $0x1F, v14  }
0xa2: {  	vm5 =	vlt.s32 v10, $0x1F;
	vm13 =	vlt.s32 v10, $0x20;
	v14 =	vadd.s32 v3, v14  }
0xa3: {  	v16 =	vnsel vm5, $0x1F, v10;
	vm5 =	vmand vm1, vm13  }
0xa4: {  	v16 =	vadd.s32 v3, v16  }
0xa5: {  	p1 =	seq.s32 s25, $0x2;
	vm14 =	vlt.s32 v11, $0x1F  }
.Ltmp8:
0xa6: {  	vm15 =	vlt.s32 v11, $0x20;
	v17 =	vnsel vm14, $0x1F, v11;
	(pc) =	sbr.rel @p1 .LBB2_11-.Ltmp8, $4  }
0xa7: {  	vm3 =	vmand vm15, vm3;
	vm7 =	vlt.s32 v12, $0x1F;
	[tilespmem:v14+s15+$0x0] =	vst.idx.msk vm4, v13;
	vm4 =	vlt.s32 v12, $0x20  }
0xa8: {  	v18 =	vnsel vm7, $0x1F, v12;
	v12 =	vadd.s32 v3, v17;
	vm2 =	vmand vm2, vm4  }
0xa9: {  	v11 =	vadd.s32 v3, v18;
	[tilespmem:v16+s15+$0x0] =	vst.idx.msk vm5, v15  }
0xaa: {  	p0 =	por $0x1, $0x1;
	s26 =	simm.s32 $0x2;
	v13 =	vld.idx.msk [tilespmem:v5+s24+$0x10 ss:$0x1], $0xffff  }
.LBB2_10:
0xab: {  	_ = 	snop  }
0xac: {  	s28 =	smov.u32 s26;
	s26 =	sadd.s32 $0x1, s26  }
0xad: {  	p1 =	seq.s32 s25, s26;
	[tilespmem:v12+s15+$0x0] =	vst.idx.msk vm3, v8  }
0xae: {  	p2 =	slt.u32 s28, $0x10;
	[tilespmem:v11+s15+$0x0] =	vst.idx.msk vm2, v9  }
0xaf: {  	s28 =	sand.u32 $0xF, s28;
	v8 =	vpsel p2, v6, v7;
	v9 =	vsel vm1, $0x1, v1  }
0xb0: {  	v11 =	vmov s28;
	v9 =	vadd.s32 v9, v10;
	v10 =	vunpack.i.l.bf16.f32 v13  }
0xb1: {  	vm1 =	veq.s32 v11, v0;
	vm3 =	vlt.s32 v9, $0x1F;
	vm2 =	vle.f32 v10, v4  }
0xb2: {  	v11 =	vunpack.i.u.bf16.f32 v13;
	vm4 =	vlt.s32 v9, $0x20;
	v12 =	vsel vm2, $0x1, v1  }
0xb3: {  	v13 =	vnsel vm3, $0x1F, v9;
	vm3 =	vle.f32 v11, v4;
	v9 =	vadd.s32 v12, v9  }
0xb4: {  	vm2 =	vmand vm4, vm2;
	vm4 =	vlt.s32 v9, $0x1F;
	vm5 =	vlt.s32 v9, $0x20  }
0xb5: {  	v12 =	vadd.s32 v3, v13;
	v13 =	vnsel vm4, $0x1F, v9;
	vm4 =	vmand vm3, vm5  }
0xb6: {  	v8 =	vnsel vm1, $0x0, v8;
	v13 =	vadd.s32 v3, v13  }
0xb7: {  	(xrf0) =	vadd.scan.msk.s32 $0xffff, v8;
	_ =	sdelay $0x2  }
0xb8: {  	[tilespmem:v12+s15+$0x0] =	vst.idx.msk vm2, v10  }
0xb9: {  	[tilespmem:v13+s15+$0x0] =	vst.idx.msk vm4, v11  }
0xba: {  	v8 =	vld.idx.msk [tilespmem:v5+s24+$0x20 ss:$0x1], $0xffff  }
0xbb: {  	v10, _, _ =	vpop (xrf0)  }
0xbc: {  	(v2sf) =	vpush v10, $0xF;
	_ =	sdelay $0x2  }
0xbd: {  	v10 =	vsel vm3, $0x1, v1  }
0xbe: {  	v9 =	vadd.s32 v10, v9;
	v10 =	vunpack.i.l.bf16.f32 v8  }
0xbf: {  	vm1 =	vlt.s32 v9, $0x1F;
	vm2 =	vle.f32 v10, v4  }
0xc0: {  	vm3 =	vlt.s32 v9, $0x20;
	v8 =	vunpack.i.u.bf16.f32 v8;
	v11 =	vsel vm2, $0x1, v1  }
0xc1: {  	v12 =	vnsel vm1, $0x1F, v9;
	vm1 =	vle.f32 v8, v4;
	v11 =	vadd.s32 v11, v9  }
0xc2: {  	vm2 =	vmand vm3, vm2;
	vm3 =	vlt.s32 v11, $0x1F;
	vm4 =	vlt.s32 v11, $0x20  }
0xc3: {  	v9 =	vadd.s32 v3, v12;
	v12 =	vnsel vm3, $0x1F, v11;
	vm3 =	vmand vm1, vm4  }
0xc4: {  	v12 =	vadd.s32 v3, v12;
	_ =	sdelay $0x3  }
0xc5: {  	[tilespmem:v9+s15+$0x0] =	vst.idx.msk vm2, v10  }
0xc6: {  	s28 =	spop (v2sf);
	[tilespmem:v12+s15+$0x0] =	vst.idx.msk vm3, v8  }
0xc7: {  	s29 =	sshll.u32 s28, $0x6;
	s28 =	sshll.u32 s28, $0x9;
	v9 =	vld.idx.msk [tilespmem:v5+s24+$0x30 ss:$0x1], $0xffff  }
0xc8: {  	s24 =	sand.u32 $0x40, s29;
	s28 =	sand.u32 $0xFFFFFC00, s28  }
0xc9: {  	s24 =	sor.u32 s24, s28  }
0xca: {  	v10 =	vld.idx.msk [tilespmem:v5+s24+$0x0 ss:$0x1], $0xffff;
	_ =	sdelay $0x2  }
0xcb: {  	v8 =	vunpack.i.l.bf16.f32 v9  }
0xcc: {  	v12 =	vsel vm1, $0x1, v1;
	v9 =	vunpack.i.u.bf16.f32 v9;
	vm3 =	vle.f32 v8, v4  }
0xcd: {  	v11 =	vadd.s32 v12, v11;
	vm2 =	vle.f32 v9, v4;
	v12 =	vsel vm3, $0x1, v1  }
0xce: {  	v14 =	vsel vm2, $0x1, v1;
	v13 =	vunpack.i.l.bf16.f32 v10;
	v12 =	vadd.s32 v12, v11  }
0xcf: {  	v15 =	vunpack.i.u.bf16.f32 v10;
	vm4 =	vle.f32 v13, v4;
	v14 =	vadd.s32 v14, v12  }
0xd0: {  	vm1 =	vle.f32 v15, v4;
	vm5 =	vlt.s32 v14, $0x20;
	v10 =	vsel vm4, $0x1, v1  }
0xd1: {  	vm6 =	vlt.s32 v14, $0x1F;
	vm4 =	vmand vm5, vm4;
	v10 =	vadd.s32 v10, v14  }
0xd2: {  	v14 =	vnsel vm6, $0x1F, v14;
	vm5 =	vlt.s32 v10, $0x1F;
	vm6 =	vlt.s32 v10, $0x20  }
0xd3: {  	v14 =	vadd.s32 v3, v14;
	v16 =	vnsel vm5, $0x1F, v10;
	vm5 =	vmand vm1, vm6  }
0xd4: {  	vm7 =	vlt.s32 v12, $0x1F;
	vm6 =	vlt.s32 v11, $0x1F;
	v16 =	vadd.s32 v3, v16  }
0xd5: {  	v18 =	vnsel vm7, $0x1F, v12;
	v17 =	vnsel vm6, $0x1F, v11;
	vm6 =	vlt.s32 v12, $0x20  }
.Ltmp9:
0xd6: {  	vm7 =	vlt.s32 v11, $0x20;
	v11 =	vadd.s32 v3, v18;
	vm2 =	vmand vm2, vm6;
	(pc) =	sbr.rel @!p1 .LBB2_10-.Ltmp9, $4  }
0xd7: {  	vm3 =	vmand vm7, vm3;
	v12 =	vadd.s32 v3, v17  }
0xd8: {  	[tilespmem:v14+s15+$0x0] =	vst.idx.msk vm4, v13  }
0xd9: {  	[tilespmem:v16+s15+$0x0] =	vst.idx.msk vm5, v15  }
0xda: {  	v13 =	vld.idx.msk [tilespmem:v5+s24+$0x10 ss:$0x1], $0xffff  }
.LBB2_11:
0xdb: {  	_ =	sdelay $0x2  }
0xdc: {  	v6 =	vsel vm1, $0x1, v1  }
0xdd: {  	v6 =	vadd.s32 v6, v10;
	v7 =	vunpack.i.l.bf16.f32 v13  }
0xde: {  	vm4 =	vlt.s32 v6, $0x1F;
	vm1 =	vle.f32 v7, v4  }
0xdf: {  	vm5 =	vlt.s32 v6, $0x20;
	v51 =	vunpack.i.u.bf16.f32 v13;
	v52 =	vsel vm1, $0x1, v1  }
0xe0: {  	v14 =	vnsel vm4, $0x1F, v6;
	vm9 =	vle.f32 v51, v4;
	v6 =	vadd.s32 v52, v6  }
0xe1: {  	vm1 =	vmand vm5, vm1;
	vm10 =	vlt.s32 v6, $0x1F;
	vm6 =	vlt.s32 v6, $0x20  }
0xe2: {  	v53 =	vadd.s32 v3, v14;
	v54 =	vnsel vm10, $0x1F, v6;
	vm11 =	vmand vm9, vm6  }
0xe3: {  	v14 =	vadd.s32 v3, v54;
	_ =	sdelay $0x3  }
0xe4: {  	[tilespmem:v53+s15+$0x0] =	vst.idx.msk vm1, v7  }
0xe5: {  	[tilespmem:v14+s15+$0x0] =	vst.idx.msk vm11, v51  }
0xe6: {  	v7 =	vld.idx.msk [tilespmem:v5+s24+$0x20 ss:$0x1], $0xffff;
	_ =	sdelay $0x3  }
0xe7: {  	v55 =	vsel vm9, $0x1, v1  }
0xe8: {  	v6 =	vadd.s32 v55, v6;
	v56 =	vunpack.i.l.bf16.f32 v7  }
0xe9: {  	vm12 =	vlt.s32 v6, $0x1F;
	vm1 =	vle.f32 v56, v4  }
0xea: {  	vm13 =	vlt.s32 v6, $0x20;
	v7 =	vunpack.i.u.bf16.f32 v7;
	v57 =	vsel vm1, $0x1, v1  }
0xeb: {  	v58 =	vnsel vm12, $0x1F, v6;
	vm14 =	vle.f32 v7, v4;
	v6 =	vadd.s32 v57, v6  }
0xec: {  	vm1 =	vmand vm13, vm1;
	vm15 =	vlt.s32 v6, $0x1F;
	vm9 =	vlt.s32 v6, $0x20  }
0xed: {  	v59 =	vadd.s32 v3, v58;
	v60 =	vnsel vm15, $0x1F, v6;
	vm10 =	vmand vm14, vm9  }
0xee: {  	v14 =	vadd.s32 v3, v60;
	_ =	sdelay $0x3  }
0xef: {  	[tilespmem:v59+s15+$0x0] =	vst.idx.msk vm1, v56  }
0xf0: {  	[tilespmem:v14+s15+$0x0] =	vst.idx.msk vm10, v7  }
0xf1: {  	v5 =	vld.idx.msk [tilespmem:v5+s24+$0x30 ss:$0x1], $0xffff;
	_ =	sdelay $0x4  }
0xf2: {  	v61 =	vsel vm14, $0x1, v1;
	v7 =	vunpack.i.l.bf16.f32 v5  }
0xf3: {  	v62 =	vunpack.i.u.bf16.f32 v5;
	v5 =	vadd.s32 v61, v6;
	vm1 =	vle.f32 v7, v4  }
0xf4: {  	vm11 =	vle.f32 v62, v4;
	vm13 =	vlt.s32 v5, $0x20;
	v6 =	vsel vm1, $0x1, v1  }
0xf5: {  	vm12 =	vlt.s32 v5, $0x1F;
	vm1 =	vmand vm13, vm1;
	v4 =	vadd.s32 v6, v5  }
0xf6: {  	v6 =	vnsel vm12, $0x1F, v5;
	vm14 =	vlt.s32 v4, $0x1F;
	vm15 =	vlt.s32 v4, $0x20  }
0xf7: {  	v6 =	vadd.s32 v3, v6;
	v5 =	vnsel vm14, $0x1F, v4;
	vm5 =	vmand vm11, vm15  }
0xf8: {  	v63 =	vadd.s32 v3, v5;
	_ =	sdelay $0x1  }
0xf9: {  	[tilespmem:v12+s15+$0x0] =	vst.idx.msk @p0 vm3, v8  }
0xfa: {  	[tilespmem:v11+s15+$0x0] =	vst.idx.msk @p0 vm2, v9  }
0xfb: {  	v5 =	vsel vm11, $0x1, v1;
	[tilespmem:v6+s15+$0x0] =	vst.idx.msk vm1, v7  }
0xfc: {  	v5 =	vadd.s32 v5, v4;
	[tilespmem:v63+s15+$0x0] =	vst.idx.msk vm5, v62  }
.LBB2_6:
0xfd: {  	v4 =	vxor.u32 $0x80000000, v5  }
0xfe: {  	(xrf0) =	vmax.scan.msk.u32 $0xffff, v4;
	_ =	sdelay $0x5  }
0xff: {  	v4, _, _ =	vpop (xrf0)  }
0x100: {  	(v2sf) =	vpush v4, $0xF;
	_ =	sdelay $0xe  }
0x101: {  	s24 =	spop (v2sf)  }
0x102: {  	s24 =	sxor.u32 $0x80000000, s24  }
0x103: {  	p0 =	sgt.s32 s24, $0x0  }
.Ltmp10:
0x104: {  	_ = 	snop;
	(pc) =	sbr.rel @!p0 .LBB2_15-.Ltmp10, $2  }
0x105: {  	_ =	sdelay $0x2  }
0x106: {  	v4 =	vimm.f32 $+Inf  }
0x107: {  	s25 =	simm.s32 $0x0  }
0x108: {  	v6 =	vadd.s32 s25, v3;
	_ =	sdelay $0x4  }
0x109: {  	v6 =	vld.idx.msk [tilespmem:v6+s15+$0x0], $0xffff;
	_ =	sdelay $0x3  }
0x10a: {  	vm1 =	vgt.s32 v5, s25  }
0x10b: {  	p0 =	slt.s32 s24, $0x20;
	v6 =	vnsel vm1, $0x7F800000, v6  }
0x10c: {  	s24 =	simm.s32 @!p0 $0x20;
	(xrf1) =	vsort.dscd.msk.f32 $0xffff, v6, v6  }
0x10d: {  	p1 =	sne.s32 s24, $0x1  }
.Ltmp11:
0x10e: {  	_ = 	snop;
	(pc) =	sbr.rel @!p1 .LBB2_8-.Ltmp11, $2  }
0x10f: {  	_ =	sdelay $0x2  }
0x110: {  	s25 =	simm.s32 $0x1;
	p0 =	por $0x0, $0x0  }
0x111: {  	v6 =	vadd.s32 s25, v3;
	_ =	sdelay $0x4  }
0x112: {  	v6 =	vld.idx.msk [tilespmem:v6+s15+$0x0], $0xffff;
	_ =	sdelay $0x3  }
0x113: {  	vm1 =	vgt.s32 v5, s25  }
0x114: {  	v7, _, _ =	vpop (xrf1);
	v6 =	vnsel vm1, $0x7F800000, v6  }
0x115: {  	(xrf1) =	vsort.dscd.msk.f32 $0xffff, v6, v6;
	v6 =	vmin.f32 v4, v7  }
0x116: {  	p1 =	sne.s32 s24, $0x2;
	(xrf1) =	vsort.ascd.msk.f32 $0xffff, v6, v6  }
.Ltmp12:
0x117: {  	_ = 	snop;
	(pc) =	sbr.rel @!p1 .LBB2_14-.Ltmp12, $2  }
0x118: {  	_ =	sdelay $0x2  }
0x119: {  	s25 =	simm.s32 $0x2;
	p0 =	por $0x1, $0x1  }
.LBB2_13:
0x11a: {  	v6 =	vadd.s32 s25, v3;
	s26 =	smov.u32 s25  }
0x11b: {  	s25 =	sadd.s32 $0x1, s25  }
0x11c: {  	p1 =	sne.s32 s24, s25;
	_ =	sdelay $0x2  }
0x11d: {  	v6 =	vld.idx.msk [tilespmem:v6+s15+$0x0], $0xffff;
	_ =	sdelay $0x3  }
.Ltmp13:
0x11e: {  	(pc) =	sbr.rel @p1 .LBB2_13-.Ltmp13, $4  }
0x11f: {  	vm1 =	vgt.s32 v5, s26;
	v7, _, _ =	vpop (xrf1)  }
0x120: {  	v6 =	vnsel vm1, $0x7F800000, v6;
	v8, _, _ =	vpop (xrf1)  }
0x121: {  	(xrf1) =	vsort.dscd.msk.f32 $0xffff, v6, v6;
	v6 =	vmin.f32 v8, v7  }
0x122: {  	(xrf1) =	vsort.ascd.msk.f32 $0xffff, v6, v6  }
.Ltmp14:
0x123: {  	_ = 	snop;
	(pc) =	sbr.rel .LBB2_14-.Ltmp14, $1  }
0x124: {  	_ =	sdelay $0x3  }
.LBB2_5:
.Ltmp15:
0x125: {  	(pc) =	sbr.rel .LBB2_11-.Ltmp15, $2  }
0x126: {  	_ =	sdelay $0x2  }
0x127: {  	_ = 	snop  }
.LBB2_16:
0x128: {  	p0 =	seq.s32 s19, $0x7  }
0x129: {  	s21 =	sadd.s32 @!p0 s21, s7  }
0x12a: {  	s21 =	sshll.u32 @!p0 s21, $0x8  }
.Ltmp16:
0x12b: {  	s22 =	simm.s32 @!p0 $0x0;
	s21 =	sadd.s32 @!p0 s3, s21;
	(pc) =	sbr.rel .LBB2_17-.Ltmp16, $4  }
0x12c: {  	[tilespmem:s22], [sflag:$0x1] =	stream.linear.gather @!p0 [hbm4b:s21+s22], $0x4000, $0x38;
	[tilespmem:$0xD280] =	vst v63  }
0x12d: {  	_ =	swait.ge [sflag:s16], $0x4000  }
0x12e: {  	[sflag:s16] =	ssyncset.done $0x0  }
0x12f: {  	s21 =	simm.s32 $0x0;
	[sflag:s16] =	ssyncadd.s32 $0xFFFFC000  }
.LBB2_22:
0x130: {  	_ = 	snop  }
.LBB2_28:
0x131: {  	_ =	sdelay $0x6  }
0x132: {  	v5, _, _ =	vpop (xrf1)  }
0x133: {  	v6, _, _ =	vpop @p0 (xrf1)  }
0x134: {  	v4 =	vpsel p0, v6, v4  }
0x135: {  	v4 =	vmin.f32 v4, v5  }
0x136: {  	(xrf1) =	vsort.ascd.msk.f32 $0xffff, v4, v4;
	_ =	sdelay $0xd  }
0x137: {  	v4, _, _ =	vpop (xrf1)  }
.LBB2_29:
0x138: {  	s21 =	sadd.s32 $0x1, s21  }
0x139: {  	p0 =	sne.s32 s21, $0x8  }
.Ltmp17:
0x13a: {  	_ = 	snop;
	(pc) =	sbr.rel @!p0 .LBB2_30-.Ltmp17, $4  }
0x13b: {  	_ = 	snop  }
0x13c: {  	s22 =	sshll.u32 s22, $0x7  }
0x13d: {  	s22 =	sand.u32 $0x3FFFFF80, s22  }
0x13e: {  	[tilespmem:s22+$0x9280] =	vst v4  }
.LBB2_17:
0x13f: {  	s22 =	sor.u32 s20, s21  }
0x140: {  	s23 =	sshll.u32 s22, $0x5  }
0x141: {  	s23 =	sand.u32 $0x3FFFFFE0, s23  }
0x142: {  	v5 =	vld [tilespmem:s23+$0x8000]  }
0x143: {  	v6 =	vld [tilespmem:s23+$0x8010];
	_ =	sdelay $0x3  }
0x144: {  	(xrf1) =	vsort.ascd.msk.f32 $0xffff, v5, v5  }
0x145: {  	(xrf1) =	vsort.dscd.msk.f32 $0xffff, v6, v6;
	_ =	sdelay $0xc  }
0x146: {  	v4, _, _ =	vpop (xrf1)  }
0x147: {  	v7, _, _ =	vpop (xrf1)  }
0x148: {  	v4 =	vmin.f32 v4, v7  }
0x149: {  	(xrf1) =	vsort.ascd.msk.f32 $0xffff, v4, v4;
	_ =	sdelay $0xd  }
0x14a: {  	v4, _, _ =	vpop (xrf1)  }
0x14b: {  	v4 =	vsel vm0, $0xFF800000, v4  }
0x14c: {  	(xrf0) =	vmax.scan.msk.f32 $0xffff, v4;
	_ =	sdelay $0x5  }
0x14d: {  	v4, _, _ =	vpop (xrf0)  }
0x14e: {  	v4 =	vbroadcast v4, $0xF;
	_ =	sdelay $0x1  }
0x14f: {  	vm1 =	vle.f32 v5, v4  }
0x150: {  	v5 =	vsel vm1, $0x1, v1  }
0x151: {  	(xrf0) =	vadd.scan.msk.s32 $0xffff, v5;
	_ =	sdelay $0x5  }
0x152: {  	v5, _, _ =	vpop (xrf0)  }
0x153: {  	v7 =	vadd.s32 $0x7FFFFFFF, v5  }
0x154: {  	(xrf0) =	vmax.scan.msk.u32 $0xffff, v7;
	_ =	sdelay $0x5  }
0x155: {  	v7, _, _ =	vpop (xrf0)  }
0x156: {  	(v2sf) =	vpush v7, $0xF;
	_ =	sdelay $0xb  }
0x157: {  	vm2 =	vle.f32 v6, v4  }
0x158: {  	v6 =	vsel vm2, $0x1, v1  }
0x159: {  	(xrf0) =	vadd.scan.msk.s32 $0xffff, v6  }
0x15a: {  	s31 =	spop (v2sf)  }
0x15b: {  	s23 =	sadd.s32 $0x80000001, s31  }
0x15c: {  	v6 =	vmov s23  }
0x15d: {  	v6 =	vadd.s32 $0xFFFFFFFF, v6  }
0x15e: {  	v6 =	vbroadcast v6, $0x0  }
0x15f: {  	v7, _, _ =	vpop (xrf0)  }
0x160: {  	v6 =	vadd.s32 v7, v6  }
0x161: {  	v7 =	vxor.u32 $0x80000000, v6  }
0x162: {  	(xrf0) =	vmax.scan.msk.u32 $0xffff, v7;
	_ =	sdelay $0x5  }
0x163: {  	v7, _, _ =	vpop (xrf0)  }
0x164: {  	(v2sf) =	vpush v7, $0xF;
	_ =	sdelay $0xe  }
0x165: {  	v5 =	vadd.s32 $0xFFFFFFFF, v5;
	s23 =	spop (v2sf)  }
0x166: {  	p0 =	sgt.s32 s23, $0xFFFFFFFE  }
.Ltmp18:
0x167: {  	_ = 	snop;
	(pc) =	sbr.rel @p0 .LBB2_20-.Ltmp18, $3  }
0x168: {  	_ =	sdelay $0x1  }
0x169: {  	[tilespmem:v5+s14+$0x0] =	vst.idx.msk vm1, v0  }
0x16a: {  	v5 =	vimm.s32 $0x0;
	[tilespmem:v6+s14+$0x0] =	vst.idx.msk vm2, v2  }
0x16b: {  	v6 =	vld [tilespmem:$0x9200]  }
0x16c: {  	v7 =	vld [tilespmem:$0x9210];
	_ =	sdelay $0x1  }
0x16d: {  	s23 =	sand.u32 $0x7FFFFFFF, s23;
	s29 =	simm.s32 $0x0  }
0x16e: {  	s24 =	sadd.s32 $0x1, s23;
	s23 =	sand.u32 $0xF, s29  }
0x16f: {  	p0 =	por $0x1, $0x1;
	v9 =	vmov s23  }
0x170: {  	vm1 =	veq.s32 v9, v0;
	v10 =	vpsel p0, v6, v7  }
0x171: {  	v9 =	vnsel vm1, $0x0, v10  }
0x172: {  	(xrf0) =	vadd.scan.msk.s32 $0xffff, v9;
	_ =	sdelay $0x5  }
0x173: {  	v9, _, _ =	vpop (xrf0)  }
0x174: {  	(v2sf) =	vpush v9, $0xF;
	_ =	sdelay $0xc  }
0x175: {  	s25 =	sshll.u32 s21, $0x7  }
0x176: {  	v5 =	vmov s25  }
0x177: {  	s30 =	spop (v2sf)  }
0x178: {  	s31 =	sshll.u32 s30, $0x6;
	s23 =	sshll.u32 s30, $0x9  }
0x179: {  	s25 =	sand.u32 $0x40, s31;
	s23 =	sand.u32 $0xFFFFFC00, s23  }
0x17a: {  	s23 =	sor.u32 s25, s23  }
0x17b: {  	v9 =	vld.idx.msk [tilespmem:v5+s23+$0x4000 ss:$0x1], $0xffff;
	_ =	sdelay $0x4  }
0x17c: {  	v8 =	vimm.s32 $0x0;
	v11 =	vunpack.i.l.bf16.f32 v9  }
0x17d: {  	vm3 =	vlt.s32 v8, $0x20;
	vm2 =	vle.f32 v11, v4  }
0x17e: {  	vm4 =	vlt.s32 v8, $0x1F;
	v9 =	vunpack.i.u.bf16.f32 v9;
	v10 =	vsel vm2, $0x1, v1  }
0x17f: {  	vm1 =	vle.f32 v9, v4;
	vm2 =	vmand vm3, vm2;
	v10 =	vadd.s32 v10, v8  }
0x180: {  	v8 =	vnsel vm4, $0x1F, v8;
	vm3 =	vlt.s32 v10, $0x1F;
	vm15 =	vlt.s32 v10, $0x20  }
0x181: {  	v8 =	vadd.s32 v3, v8;
	v12 =	vnsel vm3, $0x1F, v10;
	vm3 =	vmand vm1, vm15  }
0x182: {  	v12 =	vadd.s32 v3, v12  }
0x183: {  	p1 =	seq.s32 s24, $0x1  }
.Ltmp19:
0x184: {  	_ = 	snop;
	(pc) =	sbr.rel @p1 .LBB2_19-.Ltmp19, $4  }
0x185: {  	_ = 	snop  }
0x186: {  	[tilespmem:v8+s15+$0x0] =	vst.idx.msk vm2, v11  }
0x187: {  	[tilespmem:v12+s15+$0x0] =	vst.idx.msk vm3, v9  }
0x188: {  	p0 =	por $0x0, $0x0;
	s25 =	simm.s32 $0x1;
	v13 =	vld.idx.msk [tilespmem:v5+s23+$0x4010 ss:$0x1], $0xffff  }
0x189: {  	_ =	sdelay $0x1  }
0x18a: {  	p0 =	por $0x1, $0x1;
	s25 =	sand.u32 $0xF, s25  }
0x18b: {  	v9 =	vsel vm1, $0x1, v1;
	v8 =	vpsel p0, v6, v7;
	v11 =	vmov s25  }
0x18c: {  	v9 =	vadd.s32 v9, v10;
	vm1 =	veq.s32 v11, v0;
	v10 =	vunpack.i.l.bf16.f32 v13  }
0x18d: {  	vm3 =	vlt.s32 v9, $0x1F;
	vm4 =	vlt.s32 v9, $0x20;
	vm2 =	vle.f32 v10, v4  }
0x18e: {  	v8 =	vnsel vm1, $0x0, v8;
	v11 =	vunpack.i.u.bf16.f32 v13;
	v12 =	vsel vm2, $0x1, v1  }
0x18f: {  	v13 =	vnsel vm3, $0x1F, v9;
	vm3 =	vle.f32 v11, v4;
	v9 =	vadd.s32 v12, v9  }
0x190: {  	vm2 =	vmand vm4, vm2;
	vm4 =	vlt.s32 v9, $0x1F;
	vm5 =	vlt.s32 v9, $0x20  }
0x191: {  	(xrf0) =	vadd.scan.msk.s32 $0xffff, v8;
	v12 =	vadd.s32 v3, v13;
	v13 =	vnsel vm4, $0x1F, v9;
	vm4 =	vmand vm3, vm5  }
0x192: {  	v13 =	vadd.s32 v3, v13;
	_ =	sdelay $0x3  }
0x193: {  	[tilespmem:v12+s15+$0x0] =	vst.idx.msk vm2, v10  }
0x194: {  	v10, _, _ =	vpop (xrf0);
	[tilespmem:v13+s15+$0x0] =	vst.idx.msk vm4, v11  }
0x195: {  	(v2sf) =	vpush v10, $0xF;
	v8 =	vld.idx.msk [tilespmem:v5+s23+$0x4020 ss:$0x1], $0xffff;
	_ =	sdelay $0x3  }
0x196: {  	v10 =	vsel vm3, $0x1, v1  }
0x197: {  	v9 =	vadd.s32 v10, v9;
	v10 =	vunpack.i.l.bf16.f32 v8  }
0x198: {  	vm2 =	vlt.s32 v9, $0x1F;
	vm1 =	vle.f32 v10, v4  }
0x199: {  	vm3 =	vlt.s32 v9, $0x20;
	v8 =	vunpack.i.u.bf16.f32 v8;
	v11 =	vsel vm1, $0x1, v1  }
0x19a: {  	v12 =	vnsel vm2, $0x1F, v9;
	vm2 =	vle.f32 v8, v4;
	v11 =	vadd.s32 v11, v9  }
0x19b: {  	vm1 =	vmand vm3, vm1;
	vm3 =	vlt.s32 v11, $0x1F;
	vm4 =	vlt.s32 v11, $0x20  }
0x19c: {  	v9 =	vadd.s32 v3, v12;
	v12 =	vnsel vm3, $0x1F, v11;
	vm3 =	vmand vm2, vm4  }
0x19d: {  	v12 =	vadd.s32 v3, v12;
	_ =	sdelay $0x3  }
0x19e: {  	s30 =	spop (v2sf);
	[tilespmem:v9+s15+$0x0] =	vst.idx.msk vm1, v10  }
0x19f: {  	s26 =	sshll.u32 s30, $0x6;
	s25 =	sshll.u32 s30, $0x9;
	[tilespmem:v12+s15+$0x0] =	vst.idx.msk vm3, v8  }
0x1a0: {  	s31 =	sand.u32 $0x40, s26;
	s25 =	sand.u32 $0xFFFFFC00, s25;
	v9 =	vld.idx.msk [tilespmem:v5+s23+$0x4030 ss:$0x1], $0xffff  }
0x1a1: {  	s23 =	sor.u32 s31, s25  }
0x1a2: {  	v10 =	vld.idx.msk [tilespmem:v5+s23+$0x4000 ss:$0x1], $0xffff;
	_ =	sdelay $0x2  }
0x1a3: {  	v12 =	vsel vm2, $0x1, v1;
	v8 =	vunpack.i.l.bf16.f32 v9  }
0x1a4: {  	v11 =	vadd.s32 v12, v11;
	v9 =	vunpack.i.u.bf16.f32 v9;
	vm3 =	vle.f32 v8, v4  }
0x1a5: {  	vm2 =	vle.f32 v9, v4;
	v13 =	vunpack.i.l.bf16.f32 v10;
	v12 =	vsel vm3, $0x1, v1  }
0x1a6: {  	v15 =	vunpack.i.u.bf16.f32 v10;
	v14 =	vsel vm2, $0x1, v1;
	v12 =	vadd.s32 v12, v11  }
0x1a7: {  	vm4 =	vle.f32 v13, v4;
	vm1 =	vle.f32 v15, v4;
	v14 =	vadd.s32 v14, v12  }
0x1a8: {  	v10 =	vsel vm4, $0x1, v1;
	vm5 =	vlt.s32 v14, $0x20;
	vm6 =	vlt.s32 v14, $0x1F  }
0x1a9: {  	v10 =	vadd.s32 v10, v14;
	vm4 =	vmand vm5, vm4;
	v14 =	vnsel vm6, $0x1F, v14  }
0x1aa: {  	vm5 =	vlt.s32 v10, $0x1F;
	vm13 =	vlt.s32 v10, $0x20;
	v14 =	vadd.s32 v3, v14  }
0x1ab: {  	v16 =	vnsel vm5, $0x1F, v10;
	vm5 =	vmand vm1, vm13  }
0x1ac: {  	v16 =	vadd.s32 v3, v16  }
0x1ad: {  	p1 =	seq.s32 s24, $0x2;
	vm14 =	vlt.s32 v11, $0x1F  }
.Ltmp20:
0x1ae: {  	vm15 =	vlt.s32 v11, $0x20;
	v17 =	vnsel vm14, $0x1F, v11;
	(pc) =	sbr.rel @p1 .LBB2_25-.Ltmp20, $4  }
0x1af: {  	vm3 =	vmand vm15, vm3;
	vm7 =	vlt.s32 v12, $0x1F;
	[tilespmem:v14+s15+$0x0] =	vst.idx.msk vm4, v13;
	vm4 =	vlt.s32 v12, $0x20  }
0x1b0: {  	v18 =	vnsel vm7, $0x1F, v12;
	v12 =	vadd.s32 v3, v17;
	vm2 =	vmand vm2, vm4  }
0x1b1: {  	v11 =	vadd.s32 v3, v18;
	[tilespmem:v16+s15+$0x0] =	vst.idx.msk vm5, v15  }
0x1b2: {  	p0 =	por $0x1, $0x1;
	s25 =	simm.s32 $0x2;
	v13 =	vld.idx.msk [tilespmem:v5+s23+$0x4010 ss:$0x1], $0xffff  }
.LBB2_24:
0x1b3: {  	_ = 	snop  }
0x1b4: {  	s26 =	smov.u32 s25;
	s25 =	sadd.s32 $0x1, s25  }
0x1b5: {  	p1 =	seq.s32 s24, s25;
	[tilespmem:v12+s15+$0x0] =	vst.idx.msk vm3, v8  }
0x1b6: {  	p2 =	slt.u32 s26, $0x10;
	[tilespmem:v11+s15+$0x0] =	vst.idx.msk vm2, v9  }
0x1b7: {  	s26 =	sand.u32 $0xF, s26;
	v8 =	vpsel p2, v6, v7;
	v9 =	vsel vm1, $0x1, v1  }
0x1b8: {  	v11 =	vmov s26;
	v9 =	vadd.s32 v9, v10;
	v10 =	vunpack.i.l.bf16.f32 v13  }
0x1b9: {  	vm1 =	veq.s32 v11, v0;
	vm3 =	vlt.s32 v9, $0x1F;
	vm2 =	vle.f32 v10, v4  }
0x1ba: {  	v11 =	vunpack.i.u.bf16.f32 v13;
	vm4 =	vlt.s32 v9, $0x20;
	v12 =	vsel vm2, $0x1, v1  }
0x1bb: {  	v13 =	vnsel vm3, $0x1F, v9;
	vm3 =	vle.f32 v11, v4;
	v9 =	vadd.s32 v12, v9  }
0x1bc: {  	vm2 =	vmand vm4, vm2;
	vm4 =	vlt.s32 v9, $0x1F;
	vm5 =	vlt.s32 v9, $0x20  }
0x1bd: {  	v12 =	vadd.s32 v3, v13;
	v13 =	vnsel vm4, $0x1F, v9;
	vm4 =	vmand vm3, vm5  }
0x1be: {  	v8 =	vnsel vm1, $0x0, v8;
	v13 =	vadd.s32 v3, v13  }
0x1bf: {  	(xrf0) =	vadd.scan.msk.s32 $0xffff, v8;
	_ =	sdelay $0x2  }
0x1c0: {  	[tilespmem:v12+s15+$0x0] =	vst.idx.msk vm2, v10  }
0x1c1: {  	[tilespmem:v13+s15+$0x0] =	vst.idx.msk vm4, v11  }
0x1c2: {  	v8 =	vld.idx.msk [tilespmem:v5+s23+$0x4020 ss:$0x1], $0xffff  }
0x1c3: {  	v10, _, _ =	vpop (xrf0)  }
0x1c4: {  	(v2sf) =	vpush v10, $0xF;
	_ =	sdelay $0x2  }
0x1c5: {  	v10 =	vsel vm3, $0x1, v1  }
0x1c6: {  	v9 =	vadd.s32 v10, v9;
	v10 =	vunpack.i.l.bf16.f32 v8  }
0x1c7: {  	vm1 =	vlt.s32 v9, $0x1F;
	vm2 =	vle.f32 v10, v4  }
0x1c8: {  	vm3 =	vlt.s32 v9, $0x20;
	v8 =	vunpack.i.u.bf16.f32 v8;
	v11 =	vsel vm2, $0x1, v1  }
0x1c9: {  	v12 =	vnsel vm1, $0x1F, v9;
	vm1 =	vle.f32 v8, v4;
	v11 =	vadd.s32 v11, v9  }
0x1ca: {  	vm2 =	vmand vm3, vm2;
	vm3 =	vlt.s32 v11, $0x1F;
	vm4 =	vlt.s32 v11, $0x20  }
0x1cb: {  	v9 =	vadd.s32 v3, v12;
	v12 =	vnsel vm3, $0x1F, v11;
	vm3 =	vmand vm1, vm4  }
0x1cc: {  	v12 =	vadd.s32 v3, v12;
	_ =	sdelay $0x3  }
0x1cd: {  	[tilespmem:v9+s15+$0x0] =	vst.idx.msk vm2, v10  }
0x1ce: {  	s26 =	spop (v2sf);
	[tilespmem:v12+s15+$0x0] =	vst.idx.msk vm3, v8  }
0x1cf: {  	s28 =	sshll.u32 s26, $0x6;
	s26 =	sshll.u32 s26, $0x9;
	v9 =	vld.idx.msk [tilespmem:v5+s23+$0x4030 ss:$0x1], $0xffff  }
0x1d0: {  	s23 =	sand.u32 $0x40, s28;
	s26 =	sand.u32 $0xFFFFFC00, s26  }
0x1d1: {  	s23 =	sor.u32 s23, s26  }
0x1d2: {  	v10 =	vld.idx.msk [tilespmem:v5+s23+$0x4000 ss:$0x1], $0xffff;
	_ =	sdelay $0x2  }
0x1d3: {  	v8 =	vunpack.i.l.bf16.f32 v9  }
0x1d4: {  	v12 =	vsel vm1, $0x1, v1;
	v9 =	vunpack.i.u.bf16.f32 v9;
	vm3 =	vle.f32 v8, v4  }
0x1d5: {  	v11 =	vadd.s32 v12, v11;
	vm2 =	vle.f32 v9, v4;
	v12 =	vsel vm3, $0x1, v1  }
0x1d6: {  	v14 =	vsel vm2, $0x1, v1;
	v13 =	vunpack.i.l.bf16.f32 v10;
	v12 =	vadd.s32 v12, v11  }
0x1d7: {  	v15 =	vunpack.i.u.bf16.f32 v10;
	vm4 =	vle.f32 v13, v4;
	v14 =	vadd.s32 v14, v12  }
0x1d8: {  	vm1 =	vle.f32 v15, v4;
	vm5 =	vlt.s32 v14, $0x20;
	v10 =	vsel vm4, $0x1, v1  }
0x1d9: {  	vm6 =	vlt.s32 v14, $0x1F;
	vm4 =	vmand vm5, vm4;
	v10 =	vadd.s32 v10, v14  }
0x1da: {  	v14 =	vnsel vm6, $0x1F, v14;
	vm5 =	vlt.s32 v10, $0x1F;
	vm6 =	vlt.s32 v10, $0x20  }
0x1db: {  	v14 =	vadd.s32 v3, v14;
	v16 =	vnsel vm5, $0x1F, v10;
	vm5 =	vmand vm1, vm6  }
0x1dc: {  	vm7 =	vlt.s32 v12, $0x1F;
	vm6 =	vlt.s32 v11, $0x1F;
	v16 =	vadd.s32 v3, v16  }
0x1dd: {  	v18 =	vnsel vm7, $0x1F, v12;
	v17 =	vnsel vm6, $0x1F, v11;
	vm6 =	vlt.s32 v12, $0x20  }
.Ltmp21:
0x1de: {  	vm7 =	vlt.s32 v11, $0x20;
	v11 =	vadd.s32 v3, v18;
	vm2 =	vmand vm2, vm6;
	(pc) =	sbr.rel @!p1 .LBB2_24-.Ltmp21, $4  }
0x1df: {  	vm3 =	vmand vm7, vm3;
	v12 =	vadd.s32 v3, v17  }
0x1e0: {  	[tilespmem:v14+s15+$0x0] =	vst.idx.msk vm4, v13  }
0x1e1: {  	[tilespmem:v16+s15+$0x0] =	vst.idx.msk vm5, v15  }
0x1e2: {  	v13 =	vld.idx.msk [tilespmem:v5+s23+$0x4010 ss:$0x1], $0xffff  }
.LBB2_25:
0x1e3: {  	_ =	sdelay $0x2  }
0x1e4: {  	v6 =	vsel vm1, $0x1, v1  }
0x1e5: {  	v6 =	vadd.s32 v6, v10;
	v7 =	vunpack.i.l.bf16.f32 v13  }
0x1e6: {  	vm4 =	vlt.s32 v6, $0x1F;
	vm1 =	vle.f32 v7, v4  }
0x1e7: {  	vm5 =	vlt.s32 v6, $0x20;
	v51 =	vunpack.i.u.bf16.f32 v13;
	v52 =	vsel vm1, $0x1, v1  }
0x1e8: {  	v14 =	vnsel vm4, $0x1F, v6;
	vm9 =	vle.f32 v51, v4;
	v6 =	vadd.s32 v52, v6  }
0x1e9: {  	vm1 =	vmand vm5, vm1;
	vm10 =	vlt.s32 v6, $0x1F;
	vm6 =	vlt.s32 v6, $0x20  }
0x1ea: {  	v53 =	vadd.s32 v3, v14;
	v54 =	vnsel vm10, $0x1F, v6;
	vm11 =	vmand vm9, vm6  }
0x1eb: {  	v14 =	vadd.s32 v3, v54;
	_ =	sdelay $0x3  }
0x1ec: {  	[tilespmem:v53+s15+$0x0] =	vst.idx.msk vm1, v7  }
0x1ed: {  	[tilespmem:v14+s15+$0x0] =	vst.idx.msk vm11, v51  }
0x1ee: {  	v7 =	vld.idx.msk [tilespmem:v5+s23+$0x4020 ss:$0x1], $0xffff;
	_ =	sdelay $0x3  }
0x1ef: {  	v55 =	vsel vm9, $0x1, v1  }
0x1f0: {  	v6 =	vadd.s32 v55, v6;
	v56 =	vunpack.i.l.bf16.f32 v7  }
0x1f1: {  	vm12 =	vlt.s32 v6, $0x1F;
	vm1 =	vle.f32 v56, v4  }
0x1f2: {  	vm13 =	vlt.s32 v6, $0x20;
	v7 =	vunpack.i.u.bf16.f32 v7;
	v57 =	vsel vm1, $0x1, v1  }
0x1f3: {  	v58 =	vnsel vm12, $0x1F, v6;
	vm14 =	vle.f32 v7, v4;
	v6 =	vadd.s32 v57, v6  }
0x1f4: {  	vm1 =	vmand vm13, vm1;
	vm15 =	vlt.s32 v6, $0x1F;
	vm9 =	vlt.s32 v6, $0x20  }
0x1f5: {  	v59 =	vadd.s32 v3, v58;
	v60 =	vnsel vm15, $0x1F, v6;
	vm10 =	vmand vm14, vm9  }
0x1f6: {  	v14 =	vadd.s32 v3, v60;
	_ =	sdelay $0x3  }
0x1f7: {  	[tilespmem:v59+s15+$0x0] =	vst.idx.msk vm1, v56  }
0x1f8: {  	[tilespmem:v14+s15+$0x0] =	vst.idx.msk vm10, v7  }
0x1f9: {  	v5 =	vld.idx.msk [tilespmem:v5+s23+$0x4030 ss:$0x1], $0xffff;
	_ =	sdelay $0x4  }
0x1fa: {  	v61 =	vsel vm14, $0x1, v1;
	v7 =	vunpack.i.l.bf16.f32 v5  }
0x1fb: {  	v62 =	vunpack.i.u.bf16.f32 v5;
	v5 =	vadd.s32 v61, v6;
	vm1 =	vle.f32 v7, v4  }
0x1fc: {  	vm11 =	vle.f32 v62, v4;
	vm13 =	vlt.s32 v5, $0x20;
	v6 =	vsel vm1, $0x1, v1  }
0x1fd: {  	vm12 =	vlt.s32 v5, $0x1F;
	vm1 =	vmand vm13, vm1;
	v4 =	vadd.s32 v6, v5  }
0x1fe: {  	v6 =	vnsel vm12, $0x1F, v5;
	vm14 =	vlt.s32 v4, $0x1F;
	vm15 =	vlt.s32 v4, $0x20  }
0x1ff: {  	v6 =	vadd.s32 v3, v6;
	v5 =	vnsel vm14, $0x1F, v4;
	vm5 =	vmand vm11, vm15  }
0x200: {  	v63 =	vadd.s32 v3, v5;
	_ =	sdelay $0x1  }
0x201: {  	[tilespmem:v12+s15+$0x0] =	vst.idx.msk @p0 vm3, v8  }
0x202: {  	[tilespmem:v11+s15+$0x0] =	vst.idx.msk @p0 vm2, v9  }
0x203: {  	v5 =	vsel vm11, $0x1, v1;
	[tilespmem:v6+s15+$0x0] =	vst.idx.msk vm1, v7  }
0x204: {  	v5 =	vadd.s32 v5, v4;
	[tilespmem:v63+s15+$0x0] =	vst.idx.msk vm5, v62  }
.LBB2_20:
0x205: {  	v4 =	vxor.u32 $0x80000000, v5  }
0x206: {  	(xrf0) =	vmax.scan.msk.u32 $0xffff, v4;
	_ =	sdelay $0x5  }
0x207: {  	v4, _, _ =	vpop (xrf0)  }
0x208: {  	(v2sf) =	vpush v4, $0xF;
	_ =	sdelay $0xe  }
0x209: {  	s23 =	spop (v2sf)  }
0x20a: {  	s23 =	sxor.u32 $0x80000000, s23  }
0x20b: {  	p0 =	sgt.s32 s23, $0x0  }
.Ltmp22:
0x20c: {  	_ = 	snop;
	(pc) =	sbr.rel @!p0 .LBB2_29-.Ltmp22, $2  }
0x20d: {  	_ =	sdelay $0x2  }
0x20e: {  	v4 =	vimm.f32 $+Inf  }
0x20f: {  	s24 =	simm.s32 $0x0  }
0x210: {  	v6 =	vadd.s32 s24, v3;
	_ =	sdelay $0x4  }
0x211: {  	v6 =	vld.idx.msk [tilespmem:v6+s15+$0x0], $0xffff;
	_ =	sdelay $0x3  }
0x212: {  	vm1 =	vgt.s32 v5, s24  }
0x213: {  	p0 =	slt.s32 s23, $0x20;
	v6 =	vnsel vm1, $0x7F800000, v6  }
0x214: {  	s23 =	simm.s32 @!p0 $0x20;
	(xrf1) =	vsort.dscd.msk.f32 $0xffff, v6, v6  }
0x215: {  	p1 =	sne.s32 s23, $0x1  }
.Ltmp23:
0x216: {  	_ = 	snop;
	(pc) =	sbr.rel @!p1 .LBB2_22-.Ltmp23, $2  }
0x217: {  	_ =	sdelay $0x2  }
0x218: {  	s24 =	simm.s32 $0x1;
	p0 =	por $0x0, $0x0  }
0x219: {  	v6 =	vadd.s32 s24, v3;
	_ =	sdelay $0x4  }
0x21a: {  	v6 =	vld.idx.msk [tilespmem:v6+s15+$0x0], $0xffff;
	_ =	sdelay $0x3  }
0x21b: {  	vm1 =	vgt.s32 v5, s24  }
0x21c: {  	v7, _, _ =	vpop (xrf1);
	v6 =	vnsel vm1, $0x7F800000, v6  }
0x21d: {  	(xrf1) =	vsort.dscd.msk.f32 $0xffff, v6, v6;
	v6 =	vmin.f32 v4, v7  }
0x21e: {  	p1 =	sne.s32 s23, $0x2;
	(xrf1) =	vsort.ascd.msk.f32 $0xffff, v6, v6  }
.Ltmp24:
0x21f: {  	_ = 	snop;
	(pc) =	sbr.rel @!p1 .LBB2_28-.Ltmp24, $2  }
0x220: {  	_ =	sdelay $0x2  }
0x221: {  	s24 =	simm.s32 $0x2;
	p0 =	por $0x1, $0x1  }
.LBB2_27:
0x222: {  	v6 =	vadd.s32 s24, v3;
	s25 =	smov.u32 s24  }
0x223: {  	s24 =	sadd.s32 $0x1, s24  }
0x224: {  	p1 =	sne.s32 s23, s24;
	_ =	sdelay $0x2  }
0x225: {  	v6 =	vld.idx.msk [tilespmem:v6+s15+$0x0], $0xffff;
	_ =	sdelay $0x3  }
.Ltmp25:
0x226: {  	(pc) =	sbr.rel @p1 .LBB2_27-.Ltmp25, $4  }
0x227: {  	vm1 =	vgt.s32 v5, s25;
	v7, _, _ =	vpop (xrf1)  }
0x228: {  	v6 =	vnsel vm1, $0x7F800000, v6;
	v8, _, _ =	vpop (xrf1)  }
0x229: {  	(xrf1) =	vsort.dscd.msk.f32 $0xffff, v6, v6;
	v6 =	vmin.f32 v8, v7  }
0x22a: {  	(xrf1) =	vsort.ascd.msk.f32 $0xffff, v6, v6  }
.Ltmp26:
0x22b: {  	_ = 	snop;
	(pc) =	sbr.rel .LBB2_28-.Ltmp26, $1  }
0x22c: {  	_ =	sdelay $0x3  }
.LBB2_19:
.Ltmp27:
0x22d: {  	(pc) =	sbr.rel .LBB2_25-.Ltmp27, $2  }
0x22e: {  	_ =	sdelay $0x2  }
0x22f: {  	_ = 	snop  }
.LBB2_32:
0x230: {  	_ =	sfence.sel $0x180000  }
0x231: {  	[bflag:$0x0] =	sbarrier.arrive $0xFFFF  }
0x232: {  	p0 =	sne.s32 s1, $0x0;
	_ =	strace $0x90000047  }
0x233: {  	s0 =	sadd.s32 @!p0 $0x100000, s0;
	[bflag:$0x2] =	sbarrier.arrive $0xFFFF  }
0x234: {  	[sflag:s0] =	ssyncadd.tile.s32 @!p0 $0x1;
	_ =	shalt  }
.Lfunc_end2:
_tile_overlayer_lowered:
.L_overlay_start_2:
0x235: {  	(tag) =	ssettag $0x2  }
0x236: {  	s0 =	rddreg [dreg:$0x0];
	s2 =	stileid.u32  }
0x237: {  	s1 =	rddreg [dreg:$0x1];
	p0 =	sne.s32 s2, $0x0  }
0x238: {  	s3 =	rddreg [dreg:$0x2];
	[bflag:$0x3] =	sbarrier.arrive $0xFFFF;
	s2 =	simm.s32 @!p0 $0x1C03  }
0x239: {  	[timem:s3], [sflag:s2] =	dma.local @!p0 [hbm:s0], s1  }
0x23a: {  	s0 =	simm.s32 @!p0 $0x3  }
0x23b: {  	_ =	swait.ge @!p0 [sflag:s0], s1  }
0x23c: {  	s1 =	ssub.s32 @!p0 $0x0, s1;
	[sflag:s0] =	ssyncset.done @!p0 $0x0  }
0x23d: {  	[sflag:s0] =	ssyncadd.s32 @!p0 s1  }
0x23e: {  	[bflag:$0x3] =	sbarrier.arrive $0xFFFF  }
0x23f: {  	_ =	shalt  }

</sc_bundles>
